<compile_context>
chip_gen: v7x
topology: tpu7x:2x2x1
jax: 0.10.2.dev20260603
libtpu: 0.0.44.dev20260713+nightly
codegen_flags: <defaults>
</compile_context>

<pallas_src>
import functools

import jax
import jax.numpy as jnp
from jax import lax
from jax.experimental import pallas as pl
from jax.experimental.pallas import tpu as pltpu
from jax.experimental.pallas import tpu_sc as plsc

_BW = 16384
_BB = 16384
_CK = 1024


def _pack2_transpose_kernel(x_ref, o_ref):
    q = x_ref.shape[1] // 2
    d = x_ref.shape[0]
    y = x_ref[...].T
    for k in range(2):
        o_ref[:, d * k : d * (k + 1)] = y[q * k : q * (k + 1), :]


def _tc_transpose_table(tt):
    d, v = tt.shape
    nb = pl.cdiv(v, _BW)
    return pl.pallas_call(
        _pack2_transpose_kernel,
        grid=(nb,),
        in_specs=[pl.BlockSpec((d, _BW), lambda i: (0, i))],
        out_specs=pl.BlockSpec((_BW // 2, 128), lambda i: (i, 0)),
        out_shape=jax.ShapeDtypeStruct((nb * _BW // 2, 128), jnp.float32),
    )(tt)


def _unpack4_transpose_kernel(x_ref, o_ref):
    d = o_ref.shape[1]
    q = x_ref.shape[0]
    for k in range(4):
        o_ref[0, :, q * k : q * (k + 1)] = x_ref[:, d * k : d * (k + 1)].T


def _tc_detranspose_out(g2, f, b, d):
    nb = b // _BB
    return pl.pallas_call(
        _unpack4_transpose_kernel,
        grid=(f, nb),
        in_specs=[
            pl.BlockSpec((_BB // 4, 128), lambda i, j, nb=nb: (i * nb + j, 0))
        ],
        out_specs=pl.BlockSpec((1, d, _BB), lambda i, j: (i, 0, j)),
        out_shape=jax.ShapeDtypeStruct((f, d, b), jnp.float32),
    )(g2)


def _make_sc_gather(b_total: int, batch: int, d: int):
    info = plsc.get_sparse_core_info()
    nw = info.num_cores * info.num_subcores
    b_per_w = b_total // nw
    n_chunks = b_per_w // _CK

    mesh = plsc.VectorSubcoreMesh(core_axis_name="c", subcore_axis_name="s")

    @functools.partial(
        pl.kernel,
        mesh=mesh,
        out_type=jax.ShapeDtypeStruct((b_total // 4, 128), jnp.float32),
        scratch_types=[
            pltpu.VMEM((b_per_w,), jnp.int32),
            pltpu.VMEM((2, _CK, d), jnp.float32),
            pltpu.SemaphoreType.DMA,
            pltpu.SemaphoreType.DMA,
        ],
        compiler_params=pltpu.CompilerParams(use_tc_tiling_on_sc=False),
    )
    def gather_kernel(table_hbm, idx_hbm, out_hbm, idx_v, rows_v, gsem, osem):
        wid = lax.axis_index("s") * info.num_cores + lax.axis_index("c")
        base = wid * b_per_w
        pltpu.sync_copy(idx_hbm.at[pl.ds(base, b_per_w)], idx_v)

        def _dst(c):
            jj = base + _CK * c
            f = jj // batch
            rem = jj % batch
            q = _BB // 4
            kg = (rem % _BB) // q
            row0 = f * (batch // 4) + (rem // _BB) * q + rem % q
            return out_hbm.at[pl.ds(row0, _CK), pl.ds(d * kg, d)]

        gathers = [None, None]
        outs = [None, None]
        gathers[0] = pltpu.async_copy(
            table_hbm.at[idx_v.at[pl.ds(0, _CK)]], rows_v.at[0], gsem
        )
        for c in range(n_chunks):
            cur = c % 2
            nxt = (c + 1) % 2
            if c + 1 < n_chunks:
                gathers[nxt] = pltpu.async_copy(
                    table_hbm.at[idx_v.at[pl.ds((c + 1) * _CK, _CK)]],
                    rows_v.at[nxt],
                    gsem,
                )
            gathers[cur].wait()
            if outs[cur] is not None:
                outs[cur].wait()
            outs[cur] = pltpu.async_copy(rows_v.at[cur], _dst(c), osem)
        for o in outs:
            if o is not None:
                o.wait()

    return gather_kernel


def kernel(inputs, indices):
    v, d = inputs.shape
    batch, n_fields = indices.shape
    table_packed = _tc_transpose_table(inputs.T)
    table_rm = table_packed.reshape(table_packed.size // d, d)
    idx = indices.T.reshape(-1)
    vv = jnp.bitwise_and(idx, _BW - 1)
    idxg = 2 * (idx - vv) + 4 * jnp.bitwise_and(vv, _BW // 2 - 1) + (
        vv >> (_BW // 2).bit_length() - 1
    )
    gathered = _make_sc_gather(idx.shape[0], batch, d)(table_rm, idxg)
    out_t = _tc_detranspose_out(gathered, n_fields, batch, d)
    return out_t.transpose(2, 0, 1)

# --- scband reference (transcript-rebuilt; emitter-appended) ---
"""Pipeline reference for scband-tfgather-78709570666883 (READ-ONLY COPY).

The authoritative reference and input builder live on the scoring server;
editing this copy changes nothing except your own understanding.
"""

import jax, jax.numpy as jnp
import numpy as np

VOCAB = 1000000
EMBED_DIM = 32
BATCH = 16384
N_FIELDS = 26


def setup_inputs(seed: int = 0) -> dict:
    key = jax.random.key(seed)
    k1, k2 = jax.random.split(key)
    inputs = jax.random.normal(k1, (VOCAB, EMBED_DIM), dtype=jnp.float32)
    indices = jax.random.randint(k2, (BATCH, N_FIELDS), 0, VOCAB, dtype=jnp.int32)
    return {"inputs": inputs, "indices": indices}


def reference(inputs, indices):
    # TFGather.call: keras.ops.take(inputs, self.indices, axis=self.axis) with axis=0
    return jnp.take(inputs, indices, axis=0)

if __name__ == "__main__":
    import jax
    _d = setup_inputs()
    print(jax.jit(kernel)(*tuple(_d.values())))

</pallas_src>

<mosaic_0001>
#map = affine_map<(d0, d1) -> (0, 0)>
#map1 = affine_map<(d0, d1) -> (0)>
module attributes {stable_mosaic.version = 14 : i64} {
  func.func @gather_kernel(%arg0: i32, %arg1: i32, %arg2: memref<2031616x32xf32, #tpu.memory_space<hbm>>, %arg3: memref<425984xi32, #tpu.memory_space<hbm>>, %arg4: memref<106496x128xf32, #tpu.memory_space<hbm>>, %arg5: memref<13312xi32, #tpu.memory_space<vmem>>, %arg6: memref<2x1024x32xf32, #tpu.memory_space<vmem>>, %arg7: memref<!tpu.dma_semaphore, #tpu.memory_space<semaphore_mem>>, %arg8: memref<!tpu.dma_semaphore, #tpu.memory_space<semaphore_mem>>) attributes {dimension_semantics = [#tpu.dimension_semantics<core_parallel>, #tpu.dimension_semantics<subcore_parallel>], iteration_bounds = array<i64: 2, 16>, scalar_prefetch = 0 : i64, scratch_operands = 4 : i64, tpu.core_type = #tpu.core_type<sc_vector_subcore>, window_params = [{transform_indices = #map}, {transform_indices = #map1}, {transform_indices = #map}]} {
    %mul3A = arith.constant 2 : i32
    %mul3A_0 = arith.muli %arg1, %mul3A : i32
    %add3A = arith.addi %mul3A_0, %arg0 : i32
    %mul3A_1 = arith.constant 13312 : i32
    %mul3A_2 = arith.muli %add3A, %mul3A_1 : i32
    "tpu.region"() ({
      %run_scoped3A = tpu.sem_alloc : memref<!tpu.dma_semaphore, #tpu.memory_space<semaphore_mem>>
      %dma_start3A_2227 = tpu.memref_slice %arg3[%mul3A_2] : memref<425984xi32, #tpu.memory_space<hbm>> -> memref<13312xi32, #tpu.memory_space<hbm>>
      %dma_start3A_2228 = tpu.memref_slice %arg3[%mul3A_2] : memref<425984xi32, #tpu.memory_space<hbm>> -> memref<13312xi32, #tpu.memory_space<hbm>>
      tpu.enqueue_dma source(%dma_start3A_2228 : memref<13312xi32, #tpu.memory_space<hbm>>) target(%arg5 : memref<13312xi32, #tpu.memory_space<vmem>>) target_semaphore(%run_scoped3A : memref<!tpu.dma_semaphore, #tpu.memory_space<semaphore_mem>>)
      %dma_wait3A_2229 = tpu.memref_slice %arg3[%mul3A_2] : memref<425984xi32, #tpu.memory_space<hbm>> -> memref<13312xi32, #tpu.memory_space<hbm>>
      %dma_wait3A_2230 = tpu.memref_slice %arg3[%mul3A_2] : memref<425984xi32, #tpu.memory_space<hbm>> -> memref<13312xi32, #tpu.memory_space<hbm>>
      tpu.wait_dma2 semaphore(%run_scoped3A : memref<!tpu.dma_semaphore, #tpu.memory_space<semaphore_mem>>) src(%dma_wait3A_2230 : memref<13312xi32, #tpu.memory_space<hbm>>) dst(%arg5 : memref<13312xi32, #tpu.memory_space<vmem>>)
      tpu.yield
    }) : () -> ()
    %dma_start3A = arith.constant 0 : i32
    %dma_start3A_3 = arith.constant 0 : i32
    %dma_start3A_4 = arith.constant 0 : i32
    %dma_start3A_5 = tpu.memref_slice %arg6[%dma_start3A, %dma_start3A_3, %dma_start3A_4] : memref<2x1024x32xf32, #tpu.memory_space<vmem>> -> memref<1x1024x32xf32, #tpu.memory_space<vmem>>
    %dma_start3A_6 = tpu.memref_squeeze %dma_start3A_5 : memref<1x1024x32xf32, #tpu.memory_space<vmem>> -> memref<1024x32xf32, #tpu.memory_space<vmem>>
    %dma_start3A_7 = arith.constant 0 : i32
    %dma_start3A_8 = tpu.memref_slice %arg5[%dma_start3A_7] : memref<13312xi32, #tpu.memory_space<vmem>> -> memref<1024xi32, #tpu.memory_space<vmem>>
    %dma_start3A_9 = arith.constant 0 : i32
    %dma_start3A_10 = arith.constant 0 : i32
    %dma_start3A_11 = tpu.memref_slice %arg2[%dma_start3A_9, %dma_start3A_10] : memref<2031616x32xf32, #tpu.memory_space<hbm>> -> memref<2031616x32xf32, #tpu.memory_space<hbm>>
    tpu.enqueue_indirect_dma source(%dma_start3A_11 : memref<2031616x32xf32, #tpu.memory_space<hbm>>) target(%dma_start3A_6 : memref<1024x32xf32, #tpu.memory_space<vmem>>) offsets(%dma_start3A_8 : memref<1024xi32, #tpu.memory_space<vmem>>) semaphore(%arg7 : memref<!tpu.dma_semaphore, #tpu.memory_space<semaphore_mem>>)
    %dma_start3A_12 = arith.constant 1 : i32
    %dma_start3A_13 = arith.constant 0 : i32
    %dma_start3A_14 = arith.constant 0 : i32
    %dma_start3A_15 = tpu.memref_slice %arg6[%dma_start3A_12, %dma_start3A_13, %dma_start3A_14] : memref<2x1024x32xf32, #tpu.memory_space<vmem>> -> memref<1x1024x32xf32, #tpu.memory_space<vmem>>
    %dma_start3A_16 = tpu.memref_squeeze %dma_start3A_15 : memref<1x1024x32xf32, #tpu.memory_space<vmem>> -> memref<1024x32xf32, #tpu.memory_space<vmem>>
    %dma_start3A_17 = arith.constant 1024 : i32
    %dma_start3A_18 = tpu.memref_slice %arg5[%dma_start3A_17] : memref<13312xi32, #tpu.memory_space<vmem>> -> memref<1024xi32, #tpu.memory_space<vmem>>
    %dma_start3A_19 = arith.constant 0 : i32
    %dma_start3A_20 = arith.constant 0 : i32
    %dma_start3A_21 = tpu.memref_slice %arg2[%dma_start3A_19, %dma_start3A_20] : memref<2031616x32xf32, #tpu.memory_space<hbm>> -> memref<2031616x32xf32, #tpu.memory_space<hbm>>
    tpu.enqueue_indirect_dma source(%dma_start3A_21 : memref<2031616x32xf32, #tpu.memory_space<hbm>>) target(%dma_start3A_16 : memref<1024x32xf32, #tpu.memory_space<vmem>>) offsets(%dma_start3A_18 : memref<1024xi32, #tpu.memory_space<vmem>>) semaphore(%arg7 : memref<!tpu.dma_semaphore, #tpu.memory_space<semaphore_mem>>)
    %dma_wait3A = arith.constant 0 : i32
    %dma_wait3A_22 = arith.constant 0 : i32
    %dma_wait3A_23 = arith.constant 0 : i32
    %dma_wait3A_24 = tpu.memref_slice %arg6[%dma_wait3A, %dma_wait3A_22, %dma_wait3A_23] : memref<2x1024x32xf32, #tpu.memory_space<vmem>> -> memref<1x1024x32xf32, #tpu.memory_space<vmem>>
    %dma_wait3A_25 = tpu.memref_squeeze %dma_wait3A_24 : memref<1x1024x32xf32, #tpu.memory_space<vmem>> -> memref<1024x32xf32, #tpu.memory_space<vmem>>
    %dma_wait3A_26 = arith.constant 0 : i32
    %dma_wait3A_27 = tpu.memref_slice %arg5[%dma_wait3A_26] : memref<13312xi32, #tpu.memory_space<vmem>> -> memref<1024xi32, #tpu.memory_space<vmem>>
    %dma_wait3A_28 = arith.constant 0 : i32
    %dma_wait3A_29 = arith.constant 0 : i32
    %dma_wait3A_30 = tpu.memref_slice %arg2[%dma_wait3A_28, %dma_wait3A_29] : memref<2031616x32xf32, #tpu.memory_space<hbm>> -> memref<2031616x32xf32, #tpu.memory_space<hbm>>
    tpu.wait_indirect_dma semaphore(%arg7 : memref<!tpu.dma_semaphore, #tpu.memory_space<semaphore_mem>>) src(%dma_wait3A_30 : memref<2031616x32xf32, #tpu.memory_space<hbm>>) dst(%dma_wait3A_25 : memref<1024x32xf32, #tpu.memory_space<vmem>>)
    %add3A_31 = arith.constant 0 : i32
    %add3A_32 = arith.addi %mul3A_2, %add3A_31 : i32
    %jit3A = arith.constant 16384 : i32
    %div3A = arith.divsi %add3A_32, %jit3A : i32
    %sign3A = arith.constant 0 : i32
    %sign3A_33 = arith.cmpi sgt, %add3A_32, %sign3A : i32
    %sign3A_34 = arith.extui %sign3A_33 : i1 to i32
    %sign3A_35 = arith.constant 0 : i32
    %sign3A_36 = arith.cmpi slt, %add3A_32, %sign3A_35 : i32
    %sign3A_37 = arith.extui %sign3A_36 : i1 to i32
    %sign3A_38 = arith.subi %sign3A_34, %sign3A_37 : i32
    %sign3A_39 = arith.constant 0 : i32
    %sign3A_40 = arith.cmpi sgt, %jit3A, %sign3A_39 : i32
    %sign3A_41 = arith.extui %sign3A_40 : i1 to i32
    %sign3A_42 = arith.constant 0 : i32
    %sign3A_43 = arith.cmpi slt, %jit3A, %sign3A_42 : i32
    %sign3A_44 = arith.extui %sign3A_43 : i1 to i32
    %sign3A_45 = arith.subi %sign3A_41, %sign3A_44 : i32
    %ne3A = arith.cmpi ne, %sign3A_38, %sign3A_45 : i32
    %rem3A = arith.remsi %add3A_32, %jit3A : i32
    %ne3A_46 = arith.constant 0 : i32
    %ne3A_47 = arith.cmpi ne, %rem3A, %ne3A_46 : i32
    %and3A = arith.andi %ne3A, %ne3A_47 : i1
    %sub3A = arith.constant 1 : i32
    %sub3A_48 = arith.subi %div3A, %sub3A : i32
    %select_n3A = arith.select %and3A, %sub3A_48, %div3A : i32
    %jit3A_49 = arith.constant 16384 : i32
    %eq3A = arith.constant 0 : i32
    %eq3A_50 = arith.cmpi eq, %jit3A_49, %eq3A : i32
    %jit3A_51 = arith.constant 1 : i32
    %select_n3A_52 = arith.select %eq3A_50, %jit3A_51, %jit3A_49 : i32
    %rem3A_53 = arith.remsi %add3A_32, %select_n3A_52 : i32
    %ne3A_54 = arith.constant 0 : i32
    %ne3A_55 = arith.cmpi ne, %rem3A_53, %ne3A_54 : i32
    %lt3A = arith.constant 0 : i32
    %lt3A_56 = arith.cmpi slt, %rem3A_53, %lt3A : i32
    %lt3A_57 = arith.constant 0 : i32
    %lt3A_58 = arith.cmpi slt, %select_n3A_52, %lt3A_57 : i32
    %ne3A_59 = arith.xori %lt3A_56, %lt3A_58 : i1
    %and3A_60 = arith.andi %ne3A_59, %ne3A_55 : i1
    %add3A_61 = arith.addi %rem3A_53, %select_n3A_52 : i32
    %select_n3A_62 = arith.select %and3A_60, %add3A_61, %rem3A_53 : i32
    %jit3A_63 = arith.constant 16384 : i32
    %eq3A_64 = arith.constant 0 : i32
    %eq3A_65 = arith.cmpi eq, %jit3A_63, %eq3A_64 : i32
    %jit3A_66 = arith.constant 1 : i32
    %select_n3A_67 = arith.select %eq3A_65, %jit3A_66, %jit3A_63 : i32
    %rem3A_68 = arith.remsi %select_n3A_62, %select_n3A_67 : i32
    %ne3A_69 = arith.constant 0 : i32
    %ne3A_70 = arith.cmpi ne, %rem3A_68, %ne3A_69 : i32
    %lt3A_71 = arith.constant 0 : i32
    %lt3A_72 = arith.cmpi slt, %rem3A_68, %lt3A_71 : i32
    %lt3A_73 = arith.constant 0 : i32
    %lt3A_74 = arith.cmpi slt, %select_n3A_67, %lt3A_73 : i32
    %ne3A_75 = arith.xori %lt3A_72, %lt3A_74 : i1
    %and3A_76 = arith.andi %ne3A_75, %ne3A_70 : i1
    %add3A_77 = arith.addi %rem3A_68, %select_n3A_67 : i32
    %select_n3A_78 = arith.select %and3A_76, %add3A_77, %rem3A_68 : i32
    %jit3A_79 = arith.constant 4096 : i32
    %div3A_80 = arith.divsi %select_n3A_78, %jit3A_79 : i32
    %sign3A_81 = arith.constant 0 : i32
    %sign3A_82 = arith.cmpi sgt, %select_n3A_78, %sign3A_81 : i32
    %sign3A_83 = arith.extui %sign3A_82 : i1 to i32
    %sign3A_84 = arith.constant 0 : i32
    %sign3A_85 = arith.cmpi slt, %select_n3A_78, %sign3A_84 : i32
    %sign3A_86 = arith.extui %sign3A_85 : i1 to i32
    %sign3A_87 = arith.subi %sign3A_83, %sign3A_86 : i32
    %sign3A_88 = arith.constant 0 : i32
    %sign3A_89 = arith.cmpi sgt, %jit3A_79, %sign3A_88 : i32
    %sign3A_90 = arith.extui %sign3A_89 : i1 to i32
    %sign3A_91 = arith.constant 0 : i32
    %sign3A_92 = arith.cmpi slt, %jit3A_79, %sign3A_91 : i32
    %sign3A_93 = arith.extui %sign3A_92 : i1 to i32
    %sign3A_94 = arith.subi %sign3A_90, %sign3A_93 : i32
    %ne3A_95 = arith.cmpi ne, %sign3A_87, %sign3A_94 : i32
    %rem3A_96 = arith.remsi %select_n3A_78, %jit3A_79 : i32
    %ne3A_97 = arith.constant 0 : i32
    %ne3A_98 = arith.cmpi ne, %rem3A_96, %ne3A_97 : i32
    %and3A_99 = arith.andi %ne3A_95, %ne3A_98 : i1
    %sub3A_100 = arith.constant 1 : i32
    %sub3A_101 = arith.subi %div3A_80, %sub3A_100 : i32
    %select_n3A_102 = arith.select %and3A_99, %sub3A_101, %div3A_80 : i32
    %mul3A_103 = arith.constant 4096 : i32
    %mul3A_104 = arith.muli %select_n3A, %mul3A_103 : i32
    %jit3A_105 = arith.constant 16384 : i32
    %div3A_106 = arith.divsi %select_n3A_62, %jit3A_105 : i32
    %sign3A_107 = arith.constant 0 : i32
    %sign3A_108 = arith.cmpi sgt, %select_n3A_62, %sign3A_107 : i32
    %sign3A_109 = arith.extui %sign3A_108 : i1 to i32
    %sign3A_110 = arith.constant 0 : i32
    %sign3A_111 = arith.cmpi slt, %select_n3A_62, %sign3A_110 : i32
    %sign3A_112 = arith.extui %sign3A_111 : i1 to i32
    %sign3A_113 = arith.subi %sign3A_109, %sign3A_112 : i32
    %sign3A_114 = arith.constant 0 : i32
    %sign3A_115 = arith.cmpi sgt, %jit3A_105, %sign3A_114 : i32
    %sign3A_116 = arith.extui %sign3A_115 : i1 to i32
    %sign3A_117 = arith.constant 0 : i32
    %sign3A_118 = arith.cmpi slt, %jit3A_105, %sign3A_117 : i32
    %sign3A_119 = arith.extui %sign3A_118 : i1 to i32
    %sign3A_120 = arith.subi %sign3A_116, %sign3A_119 : i32
    %ne3A_121 = arith.cmpi ne, %sign3A_113, %sign3A_120 : i32
    %rem3A_122 = arith.remsi %select_n3A_62, %jit3A_105 : i32
    %ne3A_123 = arith.constant 0 : i32
    %ne3A_124 = arith.cmpi ne, %rem3A_122, %ne3A_123 : i32
    %and3A_125 = arith.andi %ne3A_121, %ne3A_124 : i1
    %sub3A_126 = arith.constant 1 : i32
    %sub3A_127 = arith.subi %div3A_106, %sub3A_126 : i32
    %select_n3A_128 = arith.select %and3A_125, %sub3A_127, %div3A_106 : i32
    %mul3A_129 = arith.constant 4096 : i32
    %mul3A_130 = arith.muli %select_n3A_128, %mul3A_129 : i32
    %add3A_131 = arith.addi %mul3A_104, %mul3A_130 : i32
    %jit3A_132 = arith.constant 4096 : i32
    %eq3A_133 = arith.constant 0 : i32
    %eq3A_134 = arith.cmpi eq, %jit3A_132, %eq3A_133 : i32
    %jit3A_135 = arith.constant 1 : i32
    %select_n3A_136 = arith.select %eq3A_134, %jit3A_135, %jit3A_132 : i32
    %rem3A_137 = arith.remsi %select_n3A_62, %select_n3A_136 : i32
    %ne3A_138 = arith.constant 0 : i32
    %ne3A_139 = arith.cmpi ne, %rem3A_137, %ne3A_138 : i32
    %lt3A_140 = arith.constant 0 : i32
    %lt3A_141 = arith.cmpi slt, %rem3A_137, %lt3A_140 : i32
    %lt3A_142 = arith.constant 0 : i32
    %lt3A_143 = arith.cmpi slt, %select_n3A_136, %lt3A_142 : i32
    %ne3A_144 = arith.xori %lt3A_141, %lt3A_143 : i1
    %and3A_145 = arith.andi %ne3A_144, %ne3A_139 : i1
    %add3A_146 = arith.addi %rem3A_137, %select_n3A_136 : i32
    %select_n3A_147 = arith.select %and3A_145, %add3A_146, %rem3A_137 : i32
    %add3A_148 = arith.addi %add3A_131, %select_n3A_147 : i32
    %mul3A_149 = arith.constant 32 : i32
    %mul3A_150 = arith.muli %mul3A_149, %select_n3A_102 : i32
    %dma_start3A_151 = arith.constant 0 : i32
    %dma_start3A_152 = arith.constant 0 : i32
    %dma_start3A_153 = arith.constant 0 : i32
    %dma_start3A_154 = tpu.memref_slice %arg6[%dma_start3A_151, %dma_start3A_152, %dma_start3A_153] : memref<2x1024x32xf32, #tpu.memory_space<vmem>> -> memref<1x1024x32xf32, #tpu.memory_space<vmem>>
    %dma_start3A_155 = tpu.memref_squeeze %dma_start3A_154 : memref<1x1024x32xf32, #tpu.memory_space<vmem>> -> memref<1024x32xf32, #tpu.memory_space<vmem>>
    %dma_start3A_156 = tpu.memref_slice %arg4[%add3A_148, %mul3A_150] : memref<106496x128xf32, #tpu.memory_space<hbm>> -> memref<1024x32xf32, #tpu.memory_space<hbm>>
    %dma_start3A_157 = tpu.memref_slice %arg4[%add3A_148, %mul3A_150] : memref<106496x128xf32, #tpu.memory_space<hbm>> -> memref<1024x32xf32, #tpu.memory_space<hbm>>
    %dma_start3A_158 = arith.constant 0 : i32
    %dma_start3A_159 = arith.constant 0 : i32
    %dma_start3A_160 = tpu.memref_slice %arg6[%dma_start3A_151, %dma_start3A_158, %dma_start3A_159] : memref<2x1024x32xf32, #tpu.memory_space<vmem>> -> memref<1x1024x32xf32, #tpu.memory_space<vmem>>
    %dma_start3A_161 = tpu.memref_squeeze %dma_start3A_160 : memref<1x1024x32xf32, #tpu.memory_space<vmem>> -> memref<1024x32xf32, #tpu.memory_space<vmem>>
    tpu.enqueue_dma source(%dma_start3A_161 : memref<1024x32xf32, #tpu.memory_space<vmem>>) target(%dma_start3A_157 : memref<1024x32xf32, #tpu.memory_space<hbm>>) target_semaphore(%arg8 : memref<!tpu.dma_semaphore, #tpu.memory_space<semaphore_mem>>)
    %dma_start3A_162 = arith.constant 0 : i32
    %dma_start3A_163 = arith.constant 0 : i32
    %dma_start3A_164 = arith.constant 0 : i32
    %dma_start3A_165 = tpu.memref_slice %arg6[%dma_start3A_162, %dma_start3A_163, %dma_start3A_164] : memref<2x1024x32xf32, #tpu.memory_space<vmem>> -> memref<1x1024x32xf32, #tpu.memory_space<vmem>>
    %dma_start3A_166 = tpu.memref_squeeze %dma_start3A_165 : memref<1x1024x32xf32, #tpu.memory_space<vmem>> -> memref<1024x32xf32, #tpu.memory_space<vmem>>
    %dma_start3A_167 = arith.constant 2048 : i32
    %dma_start3A_168 = tpu.memref_slice %arg5[%dma_start3A_167] : memref<13312xi32, #tpu.memory_space<vmem>> -> memref<1024xi32, #tpu.memory_space<vmem>>
    %dma_start3A_169 = arith.constant 0 : i32
    %dma_start3A_170 = arith.constant 0 : i32
    %dma_start3A_171 = tpu.memref_slice %arg2[%dma_start3A_169, %dma_start3A_170] : memref<2031616x32xf32, #tpu.memory_space<hbm>> -> memref<2031616x32xf32, #tpu.memory_space<hbm>>
    tpu.enqueue_indirect_dma source(%dma_start3A_171 : memref<2031616x32xf32, #tpu.memory_space<hbm>>) target(%dma_start3A_166 : memref<1024x32xf32, #tpu.memory_space<vmem>>) offsets(%dma_start3A_168 : memref<1024xi32, #tpu.memory_space<vmem>>) semaphore(%arg7 : memref<!tpu.dma_semaphore, #tpu.memory_space<semaphore_mem>>)
    %dma_wait3A_172 = arith.constant 1 : i32
    %dma_wait3A_173 = arith.constant 0 : i32
    %dma_wait3A_174 = arith.constant 0 : i32
    %dma_wait3A_175 = tpu.memref_slice %arg6[%dma_wait3A_172, %dma_wait3A_173, %dma_wait3A_174] : memref<2x1024x32xf32, #tpu.memory_space<vmem>> -> memref<1x1024x32xf32, #tpu.memory_space<vmem>>
    %dma_wait3A_176 = tpu.memref_squeeze %dma_wait3A_175 : memref<1x1024x32xf32, #tpu.memory_space<vmem>> -> memref<1024x32xf32, #tpu.memory_space<vmem>>
    %dma_wait3A_177 = arith.constant 1024 : i32
    %dma_wait3A_178 = tpu.memref_slice %arg5[%dma_wait3A_177] : memref<13312xi32, #tpu.memory_space<vmem>> -> memref<1024xi32, #tpu.memory_space<vmem>>
    %dma_wait3A_179 = arith.constant 0 : i32
    %dma_wait3A_180 = arith.constant 0 : i32
    %dma_wait3A_181 = tpu.memref_slice %arg2[%dma_wait3A_179, %dma_wait3A_180] : memref<2031616x32xf32, #tpu.memory_space<hbm>> -> memref<2031616x32xf32, #tpu.memory_space<hbm>>
    tpu.wait_indirect_dma semaphore(%arg7 : memref<!tpu.dma_semaphore, #tpu.memory_space<semaphore_mem>>) src(%dma_wait3A_181 : memref<2031616x32xf32, #tpu.memory_space<hbm>>) dst(%dma_wait3A_176 : memref<1024x32xf32, #tpu.memory_space<vmem>>)
    %add3A_182 = arith.constant 1024 : i32
    %add3A_183 = arith.addi %mul3A_2, %add3A_182 : i32
    %jit3A_184 = arith.constant 16384 : i32
    %div3A_185 = arith.divsi %add3A_183, %jit3A_184 : i32
    %sign3A_186 = arith.constant 0 : i32
    %sign3A_187 = arith.cmpi sgt, %add3A_183, %sign3A_186 : i32
    %sign3A_188 = arith.extui %sign3A_187 : i1 to i32
    %sign3A_189 = arith.constant 0 : i32
    %sign3A_190 = arith.cmpi slt, %add3A_183, %sign3A_189 : i32
    %sign3A_191 = arith.extui %sign3A_190 : i1 to i32
    %sign3A_192 = arith.subi %sign3A_188, %sign3A_191 : i32
    %sign3A_193 = arith.constant 0 : i32
    %sign3A_194 = arith.cmpi sgt, %jit3A_184, %sign3A_193 : i32
    %sign3A_195 = arith.extui %sign3A_194 : i1 to i32
    %sign3A_196 = arith.constant 0 : i32
    %sign3A_197 = arith.cmpi slt, %jit3A_184, %sign3A_196 : i32
    %sign3A_198 = arith.extui %sign3A_197 : i1 to i32
    %sign3A_199 = arith.subi %sign3A_195, %sign3A_198 : i32
    %ne3A_200 = arith.cmpi ne, %sign3A_192, %sign3A_199 : i32
    %rem3A_201 = arith.remsi %add3A_183, %jit3A_184 : i32
    %ne3A_202 = arith.constant 0 : i32
    %ne3A_203 = arith.cmpi ne, %rem3A_201, %ne3A_202 : i32
    %and3A_204 = arith.andi %ne3A_200, %ne3A_203 : i1
    %sub3A_205 = arith.constant 1 : i32
    %sub3A_206 = arith.subi %div3A_185, %sub3A_205 : i32
    %select_n3A_207 = arith.select %and3A_204, %sub3A_206, %div3A_185 : i32
    %jit3A_208 = arith.constant 16384 : i32
    %eq3A_209 = arith.constant 0 : i32
    %eq3A_210 = arith.cmpi eq, %jit3A_208, %eq3A_209 : i32
    %jit3A_211 = arith.constant 1 : i32
    %select_n3A_212 = arith.select %eq3A_210, %jit3A_211, %jit3A_208 : i32
    %rem3A_213 = arith.remsi %add3A_183, %select_n3A_212 : i32
    %ne3A_214 = arith.constant 0 : i32
    %ne3A_215 = arith.cmpi ne, %rem3A_213, %ne3A_214 : i32
    %lt3A_216 = arith.constant 0 : i32
    %lt3A_217 = arith.cmpi slt, %rem3A_213, %lt3A_216 : i32
    %lt3A_218 = arith.constant 0 : i32
    %lt3A_219 = arith.cmpi slt, %select_n3A_212, %lt3A_218 : i32
    %ne3A_220 = arith.xori %lt3A_217, %lt3A_219 : i1
    %and3A_221 = arith.andi %ne3A_220, %ne3A_215 : i1
    %add3A_222 = arith.addi %rem3A_213, %select_n3A_212 : i32
    %select_n3A_223 = arith.select %and3A_221, %add3A_222, %rem3A_213 : i32
    %jit3A_224 = arith.constant 16384 : i32
    %eq3A_225 = arith.constant 0 : i32
    %eq3A_226 = arith.cmpi eq, %jit3A_224, %eq3A_225 : i32
    %jit3A_227 = arith.constant 1 : i32
    %select_n3A_228 = arith.select %eq3A_226, %jit3A_227, %jit3A_224 : i32
    %rem3A_229 = arith.remsi %select_n3A_223, %select_n3A_228 : i32
    %ne3A_230 = arith.constant 0 : i32
    %ne3A_231 = arith.cmpi ne, %rem3A_229, %ne3A_230 : i32
    %lt3A_232 = arith.constant 0 : i32
    %lt3A_233 = arith.cmpi slt, %rem3A_229, %lt3A_232 : i32
    %lt3A_234 = arith.constant 0 : i32
    %lt3A_235 = arith.cmpi slt, %select_n3A_228, %lt3A_234 : i32
    %ne3A_236 = arith.xori %lt3A_233, %lt3A_235 : i1
    %and3A_237 = arith.andi %ne3A_236, %ne3A_231 : i1
    %add3A_238 = arith.addi %rem3A_229, %select_n3A_228 : i32
    %select_n3A_239 = arith.select %and3A_237, %add3A_238, %rem3A_229 : i32
    %jit3A_240 = arith.constant 4096 : i32
    %div3A_241 = arith.divsi %select_n3A_239, %jit3A_240 : i32
    %sign3A_242 = arith.constant 0 : i32
    %sign3A_243 = arith.cmpi sgt, %select_n3A_239, %sign3A_242 : i32
    %sign3A_244 = arith.extui %sign3A_243 : i1 to i32
    %sign3A_245 = arith.constant 0 : i32
    %sign3A_246 = arith.cmpi slt, %select_n3A_239, %sign3A_245 : i32
    %sign3A_247 = arith.extui %sign3A_246 : i1 to i32
    %sign3A_248 = arith.subi %sign3A_244, %sign3A_247 : i32
    %sign3A_249 = arith.constant 0 : i32
    %sign3A_250 = arith.cmpi sgt, %jit3A_240, %sign3A_249 : i32
    %sign3A_251 = arith.extui %sign3A_250 : i1 to i32
    %sign3A_252 = arith.constant 0 : i32
    %sign3A_253 = arith.cmpi slt, %jit3A_240, %sign3A_252 : i32
    %sign3A_254 = arith.extui %sign3A_253 : i1 to i32
    %sign3A_255 = arith.subi %sign3A_251, %sign3A_254 : i32
    %ne3A_256 = arith.cmpi ne, %sign3A_248, %sign3A_255 : i32
    %rem3A_257 = arith.remsi %select_n3A_239, %jit3A_240 : i32
    %ne3A_258 = arith.constant 0 : i32
    %ne3A_259 = arith.cmpi ne, %rem3A_257, %ne3A_258 : i32
    %and3A_260 = arith.andi %ne3A_256, %ne3A_259 : i1
    %sub3A_261 = arith.constant 1 : i32
    %sub3A_262 = arith.subi %div3A_241, %sub3A_261 : i32
    %select_n3A_263 = arith.select %and3A_260, %sub3A_262, %div3A_241 : i32
    %mul3A_264 = arith.constant 4096 : i32
    %mul3A_265 = arith.muli %select_n3A_207, %mul3A_264 : i32
    %jit3A_266 = arith.constant 16384 : i32
    %div3A_267 = arith.divsi %select_n3A_223, %jit3A_266 : i32
    %sign3A_268 = arith.constant 0 : i32
    %sign3A_269 = arith.cmpi sgt, %select_n3A_223, %sign3A_268 : i32
    %sign3A_270 = arith.extui %sign3A_269 : i1 to i32
    %sign3A_271 = arith.constant 0 : i32
    %sign3A_272 = arith.cmpi slt, %select_n3A_223, %sign3A_271 : i32
    %sign3A_273 = arith.extui %sign3A_272 : i1 to i32
    %sign3A_274 = arith.subi %sign3A_270, %sign3A_273 : i32
    %sign3A_275 = arith.constant 0 : i32
    %sign3A_276 = arith.cmpi sgt, %jit3A_266, %sign3A_275 : i32
    %sign3A_277 = arith.extui %sign3A_276 : i1 to i32
    %sign3A_278 = arith.constant 0 : i32
    %sign3A_279 = arith.cmpi slt, %jit3A_266, %sign3A_278 : i32
    %sign3A_280 = arith.extui %sign3A_279 : i1 to i32
    %sign3A_281 = arith.subi %sign3A_277, %sign3A_280 : i32
    %ne3A_282 = arith.cmpi ne, %sign3A_274, %sign3A_281 : i32
    %rem3A_283 = arith.remsi %select_n3A_223, %jit3A_266 : i32
    %ne3A_284 = arith.constant 0 : i32
    %ne3A_285 = arith.cmpi ne, %rem3A_283, %ne3A_284 : i32
    %and3A_286 = arith.andi %ne3A_282, %ne3A_285 : i1
    %sub3A_287 = arith.constant 1 : i32
    %sub3A_288 = arith.subi %div3A_267, %sub3A_287 : i32
    %select_n3A_289 = arith.select %and3A_286, %sub3A_288, %div3A_267 : i32
    %mul3A_290 = arith.constant 4096 : i32
    %mul3A_291 = arith.muli %select_n3A_289, %mul3A_290 : i32
    %add3A_292 = arith.addi %mul3A_265, %mul3A_291 : i32
    %jit3A_293 = arith.constant 4096 : i32
    %eq3A_294 = arith.constant 0 : i32
    %eq3A_295 = arith.cmpi eq, %jit3A_293, %eq3A_294 : i32
    %jit3A_296 = arith.constant 1 : i32
    %select_n3A_297 = arith.select %eq3A_295, %jit3A_296, %jit3A_293 : i32
    %rem3A_298 = arith.remsi %select_n3A_223, %select_n3A_297 : i32
    %ne3A_299 = arith.constant 0 : i32
    %ne3A_300 = arith.cmpi ne, %rem3A_298, %ne3A_299 : i32
    %lt3A_301 = arith.constant 0 : i32
    %lt3A_302 = arith.cmpi slt, %rem3A_298, %lt3A_301 : i32
    %lt3A_303 = arith.constant 0 : i32
    %lt3A_304 = arith.cmpi slt, %select_n3A_297, %lt3A_303 : i32
    %ne3A_305 = arith.xori %lt3A_302, %lt3A_304 : i1
    %and3A_306 = arith.andi %ne3A_305, %ne3A_300 : i1
    %add3A_307 = arith.addi %rem3A_298, %select_n3A_297 : i32
    %select_n3A_308 = arith.select %and3A_306, %add3A_307, %rem3A_298 : i32
    %add3A_309 = arith.addi %add3A_292, %select_n3A_308 : i32
    %mul3A_310 = arith.constant 32 : i32
    %mul3A_311 = arith.muli %mul3A_310, %select_n3A_263 : i32
    %dma_start3A_312 = arith.constant 1 : i32
    %dma_start3A_313 = arith.constant 0 : i32
    %dma_start3A_314 = arith.constant 0 : i32
    %dma_start3A_315 = tpu.memref_slice %arg6[%dma_start3A_312, %dma_start3A_313, %dma_start3A_314] : memref<2x1024x32xf32, #tpu.memory_space<vmem>> -> memref<1x1024x32xf32, #tpu.memory_space<vmem>>
    %dma_start3A_316 = tpu.memref_squeeze %dma_start3A_315 : memref<1x1024x32xf32, #tpu.memory_space<vmem>> -> memref<1024x32xf32, #tpu.memory_space<vmem>>
    %dma_start3A_317 = tpu.memref_slice %arg4[%add3A_309, %mul3A_311] : memref<106496x128xf32, #tpu.memory_space<hbm>> -> memref<1024x32xf32, #tpu.memory_space<hbm>>
    %dma_start3A_318 = tpu.memref_slice %arg4[%add3A_309, %mul3A_311] : memref<106496x128xf32, #tpu.memory_space<hbm>> -> memref<1024x32xf32, #tpu.memory_space<hbm>>
    %dma_start3A_319 = arith.constant 0 : i32
    %dma_start3A_320 = arith.constant 0 : i32
    %dma_start3A_321 = tpu.memref_slice %arg6[%dma_start3A_312, %dma_start3A_319, %dma_start3A_320] : memref<2x1024x32xf32, #tpu.memory_space<vmem>> -> memref<1x1024x32xf32, #tpu.memory_space<vmem>>
    %dma_start3A_322 = tpu.memref_squeeze %dma_start3A_321 : memref<1x1024x32xf32, #tpu.memory_space<vmem>> -> memref<1024x32xf32, #tpu.memory_space<vmem>>
    tpu.enqueue_dma source(%dma_start3A_322 : memref<1024x32xf32, #tpu.memory_space<vmem>>) target(%dma_start3A_318 : memref<1024x32xf32, #tpu.memory_space<hbm>>) target_semaphore(%arg8 : memref<!tpu.dma_semaphore, #tpu.memory_space<semaphore_mem>>)
    %dma_start3A_323 = arith.constant 1 : i32
    %dma_start3A_324 = arith.constant 0 : i32
    %dma_start3A_325 = arith.constant 0 : i32
    %dma_start3A_326 = tpu.memref_slice %arg6[%dma_start3A_323, %dma_start3A_324, %dma_start3A_325] : memref<2x1024x32xf32, #tpu.memory_space<vmem>> -> memref<1x1024x32xf32, #tpu.memory_space<vmem>>
    %dma_start3A_327 = tpu.memref_squeeze %dma_start3A_326 : memref<1x1024x32xf32, #tpu.memory_space<vmem>> -> memref<1024x32xf32, #tpu.memory_space<vmem>>
    %dma_start3A_328 = arith.constant 3072 : i32
    %dma_start3A_329 = tpu.memref_slice %arg5[%dma_start3A_328] : memref<13312xi32, #tpu.memory_space<vmem>> -> memref<1024xi32, #tpu.memory_space<vmem>>
    %dma_start3A_330 = arith.constant 0 : i32
    %dma_start3A_331 = arith.constant 0 : i32
    %dma_start3A_332 = tpu.memref_slice %arg2[%dma_start3A_330, %dma_start3A_331] : memref<2031616x32xf32, #tpu.memory_space<hbm>> -> memref<2031616x32xf32, #tpu.memory_space<hbm>>
    tpu.enqueue_indirect_dma source(%dma_start3A_332 : memref<2031616x32xf32, #tpu.memory_space<hbm>>) target(%dma_start3A_327 : memref<1024x32xf32, #tpu.memory_space<vmem>>) offsets(%dma_start3A_329 : memref<1024xi32, #tpu.memory_space<vmem>>) semaphore(%arg7 : memref<!tpu.dma_semaphore, #tpu.memory_space<semaphore_mem>>)
    %dma_wait3A_333 = arith.constant 0 : i32
    %dma_wait3A_334 = arith.constant 0 : i32
    %dma_wait3A_335 = arith.constant 0 : i32
    %dma_wait3A_336 = tpu.memref_slice %arg6[%dma_wait3A_333, %dma_wait3A_334, %dma_wait3A_335] : memref<2x1024x32xf32, #tpu.memory_space<vmem>> -> memref<1x1024x32xf32, #tpu.memory_space<vmem>>
    %dma_wait3A_337 = tpu.memref_squeeze %dma_wait3A_336 : memref<1x1024x32xf32, #tpu.memory_space<vmem>> -> memref<1024x32xf32, #tpu.memory_space<vmem>>
    %dma_wait3A_338 = arith.constant 2048 : i32
    %dma_wait3A_339 = tpu.memref_slice %arg5[%dma_wait3A_338] : memref<13312xi32, #tpu.memory_space<vmem>> -> memref<1024xi32, #tpu.memory_space<vmem>>
    %dma_wait3A_340 = arith.constant 0 : i32
    %dma_wait3A_341 = arith.constant 0 : i32
    %dma_wait3A_342 = tpu.memref_slice %arg2[%dma_wait3A_340, %dma_wait3A_341] : memref<2031616x32xf32, #tpu.memory_space<hbm>> -> memref<2031616x32xf32, #tpu.memory_space<hbm>>
    tpu.wait_indirect_dma semaphore(%arg7 : memref<!tpu.dma_semaphore, #tpu.memory_space<semaphore_mem>>) src(%dma_wait3A_342 : memref<2031616x32xf32, #tpu.memory_space<hbm>>) dst(%dma_wait3A_337 : memref<1024x32xf32, #tpu.memory_space<vmem>>)
    %dma_wait3A_343 = arith.constant 0 : i32
    %dma_wait3A_344 = arith.constant 0 : i32
    %dma_wait3A_345 = arith.constant 0 : i32
    %dma_wait3A_346 = tpu.memref_slice %arg6[%dma_wait3A_343, %dma_wait3A_344, %dma_wait3A_345] : memref<2x1024x32xf32, #tpu.memory_space<vmem>> -> memref<1x1024x32xf32, #tpu.memory_space<vmem>>
    %dma_wait3A_347 = tpu.memref_squeeze %dma_wait3A_346 : memref<1x1024x32xf32, #tpu.memory_space<vmem>> -> memref<1024x32xf32, #tpu.memory_space<vmem>>
    %dma_wait3A_348 = tpu.memref_slice %arg4[%add3A_148, %mul3A_150] : memref<106496x128xf32, #tpu.memory_space<hbm>> -> memref<1024x32xf32, #tpu.memory_space<hbm>>
    %dma_wait3A_349 = tpu.memref_slice %arg4[%add3A_148, %mul3A_150] : memref<106496x128xf32, #tpu.memory_space<hbm>> -> memref<1024x32xf32, #tpu.memory_space<hbm>>
    %dma_wait3A_350 = arith.constant 0 : i32
    %dma_wait3A_351 = arith.constant 0 : i32
    %dma_wait3A_352 = tpu.memref_slice %arg6[%dma_wait3A_343, %dma_wait3A_350, %dma_wait3A_351] : memref<2x1024x32xf32, #tpu.memory_space<vmem>> -> memref<1x1024x32xf32, #tpu.memory_space<vmem>>
    %dma_wait3A_353 = tpu.memref_squeeze %dma_wait3A_352 : memref<1x1024x32xf32, #tpu.memory_space<vmem>> -> memref<1024x32xf32, #tpu.memory_space<vmem>>
    tpu.wait_dma2 semaphore(%arg8 : memref<!tpu.dma_semaphore, #tpu.memory_space<semaphore_mem>>) src(%dma_wait3A_353 : memref<1024x32xf32, #tpu.memory_space<vmem>>) dst(%dma_wait3A_349 : memref<1024x32xf32, #tpu.memory_space<hbm>>)
    %add3A_354 = arith.constant 2048 : i32
    %add3A_355 = arith.addi %mul3A_2, %add3A_354 : i32
    %jit3A_356 = arith.constant 16384 : i32
    %div3A_357 = arith.divsi %add3A_355, %jit3A_356 : i32
    %sign3A_358 = arith.constant 0 : i32
    %sign3A_359 = arith.cmpi sgt, %add3A_355, %sign3A_358 : i32
    %sign3A_360 = arith.extui %sign3A_359 : i1 to i32
    %sign3A_361 = arith.constant 0 : i32
    %sign3A_362 = arith.cmpi slt, %add3A_355, %sign3A_361 : i32
    %sign3A_363 = arith.extui %sign3A_362 : i1 to i32
    %sign3A_364 = arith.subi %sign3A_360, %sign3A_363 : i32
    %sign3A_365 = arith.constant 0 : i32
    %sign3A_366 = arith.cmpi sgt, %jit3A_356, %sign3A_365 : i32
    %sign3A_367 = arith.extui %sign3A_366 : i1 to i32
    %sign3A_368 = arith.constant 0 : i32
    %sign3A_369 = arith.cmpi slt, %jit3A_356, %sign3A_368 : i32
    %sign3A_370 = arith.extui %sign3A_369 : i1 to i32
    %sign3A_371 = arith.subi %sign3A_367, %sign3A_370 : i32
    %ne3A_372 = arith.cmpi ne, %sign3A_364, %sign3A_371 : i32
    %rem3A_373 = arith.remsi %add3A_355, %jit3A_356 : i32
    %ne3A_374 = arith.constant 0 : i32
    %ne3A_375 = arith.cmpi ne, %rem3A_373, %ne3A_374 : i32
    %and3A_376 = arith.andi %ne3A_372, %ne3A_375 : i1
    %sub3A_377 = arith.constant 1 : i32
    %sub3A_378 = arith.subi %div3A_357, %sub3A_377 : i32
    %select_n3A_379 = arith.select %and3A_376, %sub3A_378, %div3A_357 : i32
    %jit3A_380 = arith.constant 16384 : i32
    %eq3A_381 = arith.constant 0 : i32
    %eq3A_382 = arith.cmpi eq, %jit3A_380, %eq3A_381 : i32
    %jit3A_383 = arith.constant 1 : i32
    %select_n3A_384 = arith.select %eq3A_382, %jit3A_383, %jit3A_380 : i32
    %rem3A_385 = arith.remsi %add3A_355, %select_n3A_384 : i32
    %ne3A_386 = arith.constant 0 : i32
    %ne3A_387 = arith.cmpi ne, %rem3A_385, %ne3A_386 : i32
    %lt3A_388 = arith.constant 0 : i32
    %lt3A_389 = arith.cmpi slt, %rem3A_385, %lt3A_388 : i32
    %lt3A_390 = arith.constant 0 : i32
    %lt3A_391 = arith.cmpi slt, %select_n3A_384, %lt3A_390 : i32
    %ne3A_392 = arith.xori %lt3A_389, %lt3A_391 : i1
    %and3A_393 = arith.andi %ne3A_392, %ne3A_387 : i1
    %add3A_394 = arith.addi %rem3A_385, %select_n3A_384 : i32
    %select_n3A_395 = arith.select %and3A_393, %add3A_394, %rem3A_385 : i32
    %jit3A_396 = arith.constant 16384 : i32
    %eq3A_397 = arith.constant 0 : i32
    %eq3A_398 = arith.cmpi eq, %jit3A_396, %eq3A_397 : i32
    %jit3A_399 = arith.constant 1 : i32
    %select_n3A_400 = arith.select %eq3A_398, %jit3A_399, %jit3A_396 : i32
    %rem3A_401 = arith.remsi %select_n3A_395, %select_n3A_400 : i32
    %ne3A_402 = arith.constant 0 : i32
    %ne3A_403 = arith.cmpi ne, %rem3A_401, %ne3A_402 : i32
    %lt3A_404 = arith.constant 0 : i32
    %lt3A_405 = arith.cmpi slt, %rem3A_401, %lt3A_404 : i32
    %lt3A_406 = arith.constant 0 : i32
    %lt3A_407 = arith.cmpi slt, %select_n3A_400, %lt3A_406 : i32
    %ne3A_408 = arith.xori %lt3A_405, %lt3A_407 : i1
    %and3A_409 = arith.andi %ne3A_408, %ne3A_403 : i1
    %add3A_410 = arith.addi %rem3A_401, %select_n3A_400 : i32
    %select_n3A_411 = arith.select %and3A_409, %add3A_410, %rem3A_401 : i32
    %jit3A_412 = arith.constant 4096 : i32
    %div3A_413 = arith.divsi %select_n3A_411, %jit3A_412 : i32
    %sign3A_414 = arith.constant 0 : i32
    %sign3A_415 = arith.cmpi sgt, %select_n3A_411, %sign3A_414 : i32
    %sign3A_416 = arith.extui %sign3A_415 : i1 to i32
    %sign3A_417 = arith.constant 0 : i32
    %sign3A_418 = arith.cmpi slt, %select_n3A_411, %sign3A_417 : i32
    %sign3A_419 = arith.extui %sign3A_418 : i1 to i32
    %sign3A_420 = arith.subi %sign3A_416, %sign3A_419 : i32
    %sign3A_421 = arith.constant 0 : i32
    %sign3A_422 = arith.cmpi sgt, %jit3A_412, %sign3A_421 : i32
    %sign3A_423 = arith.extui %sign3A_422 : i1 to i32
    %sign3A_424 = arith.constant 0 : i32
    %sign3A_425 = arith.cmpi slt, %jit3A_412, %sign3A_424 : i32
    %sign3A_426 = arith.extui %sign3A_425 : i1 to i32
    %sign3A_427 = arith.subi %sign3A_423, %sign3A_426 : i32
    %ne3A_428 = arith.cmpi ne, %sign3A_420, %sign3A_427 : i32
    %rem3A_429 = arith.remsi %select_n3A_411, %jit3A_412 : i32
    %ne3A_430 = arith.constant 0 : i32
    %ne3A_431 = arith.cmpi ne, %rem3A_429, %ne3A_430 : i32
    %and3A_432 = arith.andi %ne3A_428, %ne3A_431 : i1
    %sub3A_433 = arith.constant 1 : i32
    %sub3A_434 = arith.subi %div3A_413, %sub3A_433 : i32
    %select_n3A_435 = arith.select %and3A_432, %sub3A_434, %div3A_413 : i32
    %mul3A_436 = arith.constant 4096 : i32
    %mul3A_437 = arith.muli %select_n3A_379, %mul3A_436 : i32
    %jit3A_438 = arith.constant 16384 : i32
    %div3A_439 = arith.divsi %select_n3A_395, %jit3A_438 : i32
    %sign3A_440 = arith.constant 0 : i32
    %sign3A_441 = arith.cmpi sgt, %select_n3A_395, %sign3A_440 : i32
    %sign3A_442 = arith.extui %sign3A_441 : i1 to i32
    %sign3A_443 = arith.constant 0 : i32
    %sign3A_444 = arith.cmpi slt, %select_n3A_395, %sign3A_443 : i32
    %sign3A_445 = arith.extui %sign3A_444 : i1 to i32
    %sign3A_446 = arith.subi %sign3A_442, %sign3A_445 : i32
    %sign3A_447 = arith.constant 0 : i32
    %sign3A_448 = arith.cmpi sgt, %jit3A_438, %sign3A_447 : i32
    %sign3A_449 = arith.extui %sign3A_448 : i1 to i32
    %sign3A_450 = arith.constant 0 : i32
    %sign3A_451 = arith.cmpi slt, %jit3A_438, %sign3A_450 : i32
    %sign3A_452 = arith.extui %sign3A_451 : i1 to i32
    %sign3A_453 = arith.subi %sign3A_449, %sign3A_452 : i32
    %ne3A_454 = arith.cmpi ne, %sign3A_446, %sign3A_453 : i32
    %rem3A_455 = arith.remsi %select_n3A_395, %jit3A_438 : i32
    %ne3A_456 = arith.constant 0 : i32
    %ne3A_457 = arith.cmpi ne, %rem3A_455, %ne3A_456 : i32
    %and3A_458 = arith.andi %ne3A_454, %ne3A_457 : i1
    %sub3A_459 = arith.constant 1 : i32
    %sub3A_460 = arith.subi %div3A_439, %sub3A_459 : i32
    %select_n3A_461 = arith.select %and3A_458, %sub3A_460, %div3A_439 : i32
    %mul3A_462 = arith.constant 4096 : i32
    %mul3A_463 = arith.muli %select_n3A_461, %mul3A_462 : i32
    %add3A_464 = arith.addi %mul3A_437, %mul3A_463 : i32
    %jit3A_465 = arith.constant 4096 : i32
    %eq3A_466 = arith.constant 0 : i32
    %eq3A_467 = arith.cmpi eq, %jit3A_465, %eq3A_466 : i32
    %jit3A_468 = arith.constant 1 : i32
    %select_n3A_469 = arith.select %eq3A_467, %jit3A_468, %jit3A_465 : i32
    %rem3A_470 = arith.remsi %select_n3A_395, %select_n3A_469 : i32
    %ne3A_471 = arith.constant 0 : i32
    %ne3A_472 = arith.cmpi ne, %rem3A_470, %ne3A_471 : i32
    %lt3A_473 = arith.constant 0 : i32
    %lt3A_474 = arith.cmpi slt, %rem3A_470, %lt3A_473 : i32
    %lt3A_475 = arith.constant 0 : i32
    %lt3A_476 = arith.cmpi slt, %select_n3A_469, %lt3A_475 : i32
    %ne3A_477 = arith.xori %lt3A_474, %lt3A_476 : i1
    %and3A_478 = arith.andi %ne3A_477, %ne3A_472 : i1
    %add3A_479 = arith.addi %rem3A_470, %select_n3A_469 : i32
    %select_n3A_480 = arith.select %and3A_478, %add3A_479, %rem3A_470 : i32
    %add3A_481 = arith.addi %add3A_464, %select_n3A_480 : i32
    %mul3A_482 = arith.constant 32 : i32
    %mul3A_483 = arith.muli %mul3A_482, %select_n3A_435 : i32
    %dma_start3A_484 = arith.constant 0 : i32
    %dma_start3A_485 = arith.constant 0 : i32
    %dma_start3A_486 = arith.constant 0 : i32
    %dma_start3A_487 = tpu.memref_slice %arg6[%dma_start3A_484, %dma_start3A_485, %dma_start3A_486] : memref<2x1024x32xf32, #tpu.memory_space<vmem>> -> memref<1x1024x32xf32, #tpu.memory_space<vmem>>
    %dma_start3A_488 = tpu.memref_squeeze %dma_start3A_487 : memref<1x1024x32xf32, #tpu.memory_space<vmem>> -> memref<1024x32xf32, #tpu.memory_space<vmem>>
    %dma_start3A_489 = tpu.memref_slice %arg4[%add3A_481, %mul3A_483] : memref<106496x128xf32, #tpu.memory_space<hbm>> -> memref<1024x32xf32, #tpu.memory_space<hbm>>
    %dma_start3A_490 = tpu.memref_slice %arg4[%add3A_481, %mul3A_483] : memref<106496x128xf32, #tpu.memory_space<hbm>> -> memref<1024x32xf32, #tpu.memory_space<hbm>>
    %dma_start3A_491 = arith.constant 0 : i32
    %dma_start3A_492 = arith.constant 0 : i32
    %dma_start3A_493 = tpu.memref_slice %arg6[%dma_start3A_484, %dma_start3A_491, %dma_start3A_492] : memref<2x1024x32xf32, #tpu.memory_space<vmem>> -> memref<1x1024x32xf32, #tpu.memory_space<vmem>>
    %dma_start3A_494 = tpu.memref_squeeze %dma_start3A_493 : memref<1x1024x32xf32, #tpu.memory_space<vmem>> -> memref<1024x32xf32, #tpu.memory_space<vmem>>
    tpu.enqueue_dma source(%dma_start3A_494 : memref<1024x32xf32, #tpu.memory_space<vmem>>) target(%dma_start3A_490 : memref<1024x32xf32, #tpu.memory_space<hbm>>) target_semaphore(%arg8 : memref<!tpu.dma_semaphore, #tpu.memory_space<semaphore_mem>>)
    %dma_start3A_495 = arith.constant 0 : i32
    %dma_start3A_496 = arith.constant 0 : i32
    %dma_start3A_497 = arith.constant 0 : i32
    %dma_start3A_498 = tpu.memref_slice %arg6[%dma_start3A_495, %dma_start3A_496, %dma_start3A_497] : memref<2x1024x32xf32, #tpu.memory_space<vmem>> -> memref<1x1024x32xf32, #tpu.memory_space<vmem>>
    %dma_start3A_499 = tpu.memref_squeeze %dma_start3A_498 : memref<1x1024x32xf32, #tpu.memory_space<vmem>> -> memref<1024x32xf32, #tpu.memory_space<vmem>>
    %dma_start3A_500 = arith.constant 4096 : i32
    %dma_start3A_501 = tpu.memref_slice %arg5[%dma_start3A_500] : memref<13312xi32, #tpu.memory_space<vmem>> -> memref<1024xi32, #tpu.memory_space<vmem>>
    %dma_start3A_502 = arith.constant 0 : i32
    %dma_start3A_503 = arith.constant 0 : i32
    %dma_start3A_504 = tpu.memref_slice %arg2[%dma_start3A_502, %dma_start3A_503] : memref<2031616x32xf32, #tpu.memory_space<hbm>> -> memref<2031616x32xf32, #tpu.memory_space<hbm>>
    tpu.enqueue_indirect_dma source(%dma_start3A_504 : memref<2031616x32xf32, #tpu.memory_space<hbm>>) target(%dma_start3A_499 : memref<1024x32xf32, #tpu.memory_space<vmem>>) offsets(%dma_start3A_501 : memref<1024xi32, #tpu.memory_space<vmem>>) semaphore(%arg7 : memref<!tpu.dma_semaphore, #tpu.memory_space<semaphore_mem>>)
    %dma_wait3A_505 = arith.constant 1 : i32
    %dma_wait3A_506 = arith.constant 0 : i32
    %dma_wait3A_507 = arith.constant 0 : i32
    %dma_wait3A_508 = tpu.memref_slice %arg6[%dma_wait3A_505, %dma_wait3A_506, %dma_wait3A_507] : memref<2x1024x32xf32, #tpu.memory_space<vmem>> -> memref<1x1024x32xf32, #tpu.memory_space<vmem>>
    %dma_wait3A_509 = tpu.memref_squeeze %dma_wait3A_508 : memref<1x1024x32xf32, #tpu.memory_space<vmem>> -> memref<1024x32xf32, #tpu.memory_space<vmem>>
    %dma_wait3A_510 = arith.constant 3072 : i32
    %dma_wait3A_511 = tpu.memref_slice %arg5[%dma_wait3A_510] : memref<13312xi32, #tpu.memory_space<vmem>> -> memref<1024xi32, #tpu.memory_space<vmem>>
    %dma_wait3A_512 = arith.constant 0 : i32
    %dma_wait3A_513 = arith.constant 0 : i32
    %dma_wait3A_514 = tpu.memref_slice %arg2[%dma_wait3A_512, %dma_wait3A_513] : memref<2031616x32xf32, #tpu.memory_space<hbm>> -> memref<2031616x32xf32, #tpu.memory_space<hbm>>
    tpu.wait_indirect_dma semaphore(%arg7 : memref<!tpu.dma_semaphore, #tpu.memory_space<semaphore_mem>>) src(%dma_wait3A_514 : memref<2031616x32xf32, #tpu.memory_space<hbm>>) dst(%dma_wait3A_509 : memref<1024x32xf32, #tpu.memory_space<vmem>>)
    %dma_wait3A_515 = arith.constant 1 : i32
    %dma_wait3A_516 = arith.constant 0 : i32
    %dma_wait3A_517 = arith.constant 0 : i32
    %dma_wait3A_518 = tpu.memref_slice %arg6[%dma_wait3A_515, %dma_wait3A_516, %dma_wait3A_517] : memref<2x1024x32xf32, #tpu.memory_space<vmem>> -> memref<1x1024x32xf32, #tpu.memory_space<vmem>>
    %dma_wait3A_519 = tpu.memref_squeeze %dma_wait3A_518 : memref<1x1024x32xf32, #tpu.memory_space<vmem>> -> memref<1024x32xf32, #tpu.memory_space<vmem>>
    %dma_wait3A_520 = tpu.memref_slice %arg4[%add3A_309, %mul3A_311] : memref<106496x128xf32, #tpu.memory_space<hbm>> -> memref<1024x32xf32, #tpu.memory_space<hbm>>
    %dma_wait3A_521 = tpu.memref_slice %arg4[%add3A_309, %mul3A_311] : memref<106496x128xf32, #tpu.memory_space<hbm>> -> memref<1024x32xf32, #tpu.memory_space<hbm>>
    %dma_wait3A_522 = arith.constant 0 : i32
    %dma_wait3A_523 = arith.constant 0 : i32
    %dma_wait3A_524 = tpu.memref_slice %arg6[%dma_wait3A_515, %dma_wait3A_522, %dma_wait3A_523] : memref<2x1024x32xf32, #tpu.memory_space<vmem>> -> memref<1x1024x32xf32, #tpu.memory_space<vmem>>
    %dma_wait3A_525 = tpu.memref_squeeze %dma_wait3A_524 : memref<1x1024x32xf32, #tpu.memory_space<vmem>> -> memref<1024x32xf32, #tpu.memory_space<vmem>>
    tpu.wait_dma2 semaphore(%arg8 : memref<!tpu.dma_semaphore, #tpu.memory_space<semaphore_mem>>) src(%dma_wait3A_525 : memref<1024x32xf32, #tpu.memory_space<vmem>>) dst(%dma_wait3A_521 : memref<1024x32xf32, #tpu.memory_space<hbm>>)
    %add3A_526 = arith.constant 3072 : i32
    %add3A_527 = arith.addi %mul3A_2, %add3A_526 : i32
    %jit3A_528 = arith.constant 16384 : i32
    %div3A_529 = arith.divsi %add3A_527, %jit3A_528 : i32
    %sign3A_530 = arith.constant 0 : i32
    %sign3A_531 = arith.cmpi sgt, %add3A_527, %sign3A_530 : i32
    %sign3A_532 = arith.extui %sign3A_531 : i1 to i32
    %sign3A_533 = arith.constant 0 : i32
    %sign3A_534 = arith.cmpi slt, %add3A_527, %sign3A_533 : i32
    %sign3A_535 = arith.extui %sign3A_534 : i1 to i32
    %sign3A_536 = arith.subi %sign3A_532, %sign3A_535 : i32
    %sign3A_537 = arith.constant 0 : i32
    %sign3A_538 = arith.cmpi sgt, %jit3A_528, %sign3A_537 : i32
    %sign3A_539 = arith.extui %sign3A_538 : i1 to i32
    %sign3A_540 = arith.constant 0 : i32
    %sign3A_541 = arith.cmpi slt, %jit3A_528, %sign3A_540 : i32
    %sign3A_542 = arith.extui %sign3A_541 : i1 to i32
    %sign3A_543 = arith.subi %sign3A_539, %sign3A_542 : i32
    %ne3A_544 = arith.cmpi ne, %sign3A_536, %sign3A_543 : i32
    %rem3A_545 = arith.remsi %add3A_527, %jit3A_528 : i32
    %ne3A_546 = arith.constant 0 : i32
    %ne3A_547 = arith.cmpi ne, %rem3A_545, %ne3A_546 : i32
    %and3A_548 = arith.andi %ne3A_544, %ne3A_547 : i1
    %sub3A_549 = arith.constant 1 : i32
    %sub3A_550 = arith.subi %div3A_529, %sub3A_549 : i32
    %select_n3A_551 = arith.select %and3A_548, %sub3A_550, %div3A_529 : i32
    %jit3A_552 = arith.constant 16384 : i32
    %eq3A_553 = arith.constant 0 : i32
    %eq3A_554 = arith.cmpi eq, %jit3A_552, %eq3A_553 : i32
    %jit3A_555 = arith.constant 1 : i32
    %select_n3A_556 = arith.select %eq3A_554, %jit3A_555, %jit3A_552 : i32
    %rem3A_557 = arith.remsi %add3A_527, %select_n3A_556 : i32
    %ne3A_558 = arith.constant 0 : i32
    %ne3A_559 = arith.cmpi ne, %rem3A_557, %ne3A_558 : i32
    %lt3A_560 = arith.constant 0 : i32
    %lt3A_561 = arith.cmpi slt, %rem3A_557, %lt3A_560 : i32
    %lt3A_562 = arith.constant 0 : i32
    %lt3A_563 = arith.cmpi slt, %select_n3A_556, %lt3A_562 : i32
    %ne3A_564 = arith.xori %lt3A_561, %lt3A_563 : i1
    %and3A_565 = arith.andi %ne3A_564, %ne3A_559 : i1
    %add3A_566 = arith.addi %rem3A_557, %select_n3A_556 : i32
    %select_n3A_567 = arith.select %and3A_565, %add3A_566, %rem3A_557 : i32
    %jit3A_568 = arith.constant 16384 : i32
    %eq3A_569 = arith.constant 0 : i32
    %eq3A_570 = arith.cmpi eq, %jit3A_568, %eq3A_569 : i32
    %jit3A_571 = arith.constant 1 : i32
    %select_n3A_572 = arith.select %eq3A_570, %jit3A_571, %jit3A_568 : i32
    %rem3A_573 = arith.remsi %select_n3A_567, %select_n3A_572 : i32
    %ne3A_574 = arith.constant 0 : i32
    %ne3A_575 = arith.cmpi ne, %rem3A_573, %ne3A_574 : i32
    %lt3A_576 = arith.constant 0 : i32
    %lt3A_577 = arith.cmpi slt, %rem3A_573, %lt3A_576 : i32
    %lt3A_578 = arith.constant 0 : i32
    %lt3A_579 = arith.cmpi slt, %select_n3A_572, %lt3A_578 : i32
    %ne3A_580 = arith.xori %lt3A_577, %lt3A_579 : i1
    %and3A_581 = arith.andi %ne3A_580, %ne3A_575 : i1
    %add3A_582 = arith.addi %rem3A_573, %select_n3A_572 : i32
    %select_n3A_583 = arith.select %and3A_581, %add3A_582, %rem3A_573 : i32
    %jit3A_584 = arith.constant 4096 : i32
    %div3A_585 = arith.divsi %select_n3A_583, %jit3A_584 : i32
    %sign3A_586 = arith.constant 0 : i32
    %sign3A_587 = arith.cmpi sgt, %select_n3A_583, %sign3A_586 : i32
    %sign3A_588 = arith.extui %sign3A_587 : i1 to i32
    %sign3A_589 = arith.constant 0 : i32
    %sign3A_590 = arith.cmpi slt, %select_n3A_583, %sign3A_589 : i32
    %sign3A_591 = arith.extui %sign3A_590 : i1 to i32
    %sign3A_592 = arith.subi %sign3A_588, %sign3A_591 : i32
    %sign3A_593 = arith.constant 0 : i32
    %sign3A_594 = arith.cmpi sgt, %jit3A_584, %sign3A_593 : i32
    %sign3A_595 = arith.extui %sign3A_594 : i1 to i32
    %sign3A_596 = arith.constant 0 : i32
    %sign3A_597 = arith.cmpi slt, %jit3A_584, %sign3A_596 : i32
    %sign3A_598 = arith.extui %sign3A_597 : i1 to i32
    %sign3A_599 = arith.subi %sign3A_595, %sign3A_598 : i32
    %ne3A_600 = arith.cmpi ne, %sign3A_592, %sign3A_599 : i32
    %rem3A_601 = arith.remsi %select_n3A_583, %jit3A_584 : i32
    %ne3A_602 = arith.constant 0 : i32
    %ne3A_603 = arith.cmpi ne, %rem3A_601, %ne3A_602 : i32
    %and3A_604 = arith.andi %ne3A_600, %ne3A_603 : i1
    %sub3A_605 = arith.constant 1 : i32
    %sub3A_606 = arith.subi %div3A_585, %sub3A_605 : i32
    %select_n3A_607 = arith.select %and3A_604, %sub3A_606, %div3A_585 : i32
    %mul3A_608 = arith.constant 4096 : i32
    %mul3A_609 = arith.muli %select_n3A_551, %mul3A_608 : i32
    %jit3A_610 = arith.constant 16384 : i32
    %div3A_611 = arith.divsi %select_n3A_567, %jit3A_610 : i32
    %sign3A_612 = arith.constant 0 : i32
    %sign3A_613 = arith.cmpi sgt, %select_n3A_567, %sign3A_612 : i32
    %sign3A_614 = arith.extui %sign3A_613 : i1 to i32
    %sign3A_615 = arith.constant 0 : i32
    %sign3A_616 = arith.cmpi slt, %select_n3A_567, %sign3A_615 : i32
    %sign3A_617 = arith.extui %sign3A_616 : i1 to i32
    %sign3A_618 = arith.subi %sign3A_614, %sign3A_617 : i32
    %sign3A_619 = arith.constant 0 : i32
    %sign3A_620 = arith.cmpi sgt, %jit3A_610, %sign3A_619 : i32
    %sign3A_621 = arith.extui %sign3A_620 : i1 to i32
    %sign3A_622 = arith.constant 0 : i32
    %sign3A_623 = arith.cmpi slt, %jit3A_610, %sign3A_622 : i32
    %sign3A_624 = arith.extui %sign3A_623 : i1 to i32
    %sign3A_625 = arith.subi %sign3A_621, %sign3A_624 : i32
    %ne3A_626 = arith.cmpi ne, %sign3A_618, %sign3A_625 : i32
    %rem3A_627 = arith.remsi %select_n3A_567, %jit3A_610 : i32
    %ne3A_628 = arith.constant 0 : i32
    %ne3A_629 = arith.cmpi ne, %rem3A_627, %ne3A_628 : i32
    %and3A_630 = arith.andi %ne3A_626, %ne3A_629 : i1
    %sub3A_631 = arith.constant 1 : i32
    %sub3A_632 = arith.subi %div3A_611, %sub3A_631 : i32
    %select_n3A_633 = arith.select %and3A_630, %sub3A_632, %div3A_611 : i32
    %mul3A_634 = arith.constant 4096 : i32
    %mul3A_635 = arith.muli %select_n3A_633, %mul3A_634 : i32
    %add3A_636 = arith.addi %mul3A_609, %mul3A_635 : i32
    %jit3A_637 = arith.constant 4096 : i32
    %eq3A_638 = arith.constant 0 : i32
    %eq3A_639 = arith.cmpi eq, %jit3A_637, %eq3A_638 : i32
    %jit3A_640 = arith.constant 1 : i32
    %select_n3A_641 = arith.select %eq3A_639, %jit3A_640, %jit3A_637 : i32
    %rem3A_642 = arith.remsi %select_n3A_567, %select_n3A_641 : i32
    %ne3A_643 = arith.constant 0 : i32
    %ne3A_644 = arith.cmpi ne, %rem3A_642, %ne3A_643 : i32
    %lt3A_645 = arith.constant 0 : i32
    %lt3A_646 = arith.cmpi slt, %rem3A_642, %lt3A_645 : i32
    %lt3A_647 = arith.constant 0 : i32
    %lt3A_648 = arith.cmpi slt, %select_n3A_641, %lt3A_647 : i32
    %ne3A_649 = arith.xori %lt3A_646, %lt3A_648 : i1
    %and3A_650 = arith.andi %ne3A_649, %ne3A_644 : i1
    %add3A_651 = arith.addi %rem3A_642, %select_n3A_641 : i32
    %select_n3A_652 = arith.select %and3A_650, %add3A_651, %rem3A_642 : i32
    %add3A_653 = arith.addi %add3A_636, %select_n3A_652 : i32
    %mul3A_654 = arith.constant 32 : i32
    %mul3A_655 = arith.muli %mul3A_654, %select_n3A_607 : i32
    %dma_start3A_656 = arith.constant 1 : i32
    %dma_start3A_657 = arith.constant 0 : i32
    %dma_start3A_658 = arith.constant 0 : i32
    %dma_start3A_659 = tpu.memref_slice %arg6[%dma_start3A_656, %dma_start3A_657, %dma_start3A_658] : memref<2x1024x32xf32, #tpu.memory_space<vmem>> -> memref<1x1024x32xf32, #tpu.memory_space<vmem>>
    %dma_start3A_660 = tpu.memref_squeeze %dma_start3A_659 : memref<1x1024x32xf32, #tpu.memory_space<vmem>> -> memref<1024x32xf32, #tpu.memory_space<vmem>>
    %dma_start3A_661 = tpu.memref_slice %arg4[%add3A_653, %mul3A_655] : memref<106496x128xf32, #tpu.memory_space<hbm>> -> memref<1024x32xf32, #tpu.memory_space<hbm>>
    %dma_start3A_662 = tpu.memref_slice %arg4[%add3A_653, %mul3A_655] : memref<106496x128xf32, #tpu.memory_space<hbm>> -> memref<1024x32xf32, #tpu.memory_space<hbm>>
    %dma_start3A_663 = arith.constant 0 : i32
    %dma_start3A_664 = arith.constant 0 : i32
    %dma_start3A_665 = tpu.memref_slice %arg6[%dma_start3A_656, %dma_start3A_663, %dma_start3A_664] : memref<2x1024x32xf32, #tpu.memory_space<vmem>> -> memref<1x1024x32xf32, #tpu.memory_space<vmem>>
    %dma_start3A_666 = tpu.memref_squeeze %dma_start3A_665 : memref<1x1024x32xf32, #tpu.memory_space<vmem>> -> memref<1024x32xf32, #tpu.memory_space<vmem>>
    tpu.enqueue_dma source(%dma_start3A_666 : memref<1024x32xf32, #tpu.memory_space<vmem>>) target(%dma_start3A_662 : memref<1024x32xf32, #tpu.memory_space<hbm>>) target_semaphore(%arg8 : memref<!tpu.dma_semaphore, #tpu.memory_space<semaphore_mem>>)
    %dma_start3A_667 = arith.constant 1 : i32
    %dma_start3A_668 = arith.constant 0 : i32
    %dma_start3A_669 = arith.constant 0 : i32
    %dma_start3A_670 = tpu.memref_slice %arg6[%dma_start3A_667, %dma_start3A_668, %dma_start3A_669] : memref<2x1024x32xf32, #tpu.memory_space<vmem>> -> memref<1x1024x32xf32, #tpu.memory_space<vmem>>
    %dma_start3A_671 = tpu.memref_squeeze %dma_start3A_670 : memref<1x1024x32xf32, #tpu.memory_space<vmem>> -> memref<1024x32xf32, #tpu.memory_space<vmem>>
    %dma_start3A_672 = arith.constant 5120 : i32
    %dma_start3A_673 = tpu.memref_slice %arg5[%dma_start3A_672] : memref<13312xi32, #tpu.memory_space<vmem>> -> memref<1024xi32, #tpu.memory_space<vmem>>
    %dma_start3A_674 = arith.constant 0 : i32
    %dma_start3A_675 = arith.constant 0 : i32
    %dma_start3A_676 = tpu.memref_slice %arg2[%dma_start3A_674, %dma_start3A_675] : memref<2031616x32xf32, #tpu.memory_space<hbm>> -> memref<2031616x32xf32, #tpu.memory_space<hbm>>
    tpu.enqueue_indirect_dma source(%dma_start3A_676 : memref<2031616x32xf32, #tpu.memory_space<hbm>>) target(%dma_start3A_671 : memref<1024x32xf32, #tpu.memory_space<vmem>>) offsets(%dma_start3A_673 : memref<1024xi32, #tpu.memory_space<vmem>>) semaphore(%arg7 : memref<!tpu.dma_semaphore, #tpu.memory_space<semaphore_mem>>)
    %dma_wait3A_677 = arith.constant 0 : i32
    %dma_wait3A_678 = arith.constant 0 : i32
    %dma_wait3A_679 = arith.constant 0 : i32
    %dma_wait3A_680 = tpu.memref_slice %arg6[%dma_wait3A_677, %dma_wait3A_678, %dma_wait3A_679] : memref<2x1024x32xf32, #tpu.memory_space<vmem>> -> memref<1x1024x32xf32, #tpu.memory_space<vmem>>
    %dma_wait3A_681 = tpu.memref_squeeze %dma_wait3A_680 : memref<1x1024x32xf32, #tpu.memory_space<vmem>> -> memref<1024x32xf32, #tpu.memory_space<vmem>>
    %dma_wait3A_682 = arith.constant 4096 : i32
    %dma_wait3A_683 = tpu.memref_slice %arg5[%dma_wait3A_682] : memref<13312xi32, #tpu.memory_space<vmem>> -> memref<1024xi32, #tpu.memory_space<vmem>>
    %dma_wait3A_684 = arith.constant 0 : i32
    %dma_wait3A_685 = arith.constant 0 : i32
    %dma_wait3A_686 = tpu.memref_slice %arg2[%dma_wait3A_684, %dma_wait3A_685] : memref<2031616x32xf32, #tpu.memory_space<hbm>> -> memref<2031616x32xf32, #tpu.memory_space<hbm>>
    tpu.wait_indirect_dma semaphore(%arg7 : memref<!tpu.dma_semaphore, #tpu.memory_space<semaphore_mem>>) src(%dma_wait3A_686 : memref<2031616x32xf32, #tpu.memory_space<hbm>>) dst(%dma_wait3A_681 : memref<1024x32xf32, #tpu.memory_space<vmem>>)
    %dma_wait3A_687 = arith.constant 0 : i32
    %dma_wait3A_688 = arith.constant 0 : i32
    %dma_wait3A_689 = arith.constant 0 : i32
    %dma_wait3A_690 = tpu.memref_slice %arg6[%dma_wait3A_687, %dma_wait3A_688, %dma_wait3A_689] : memref<2x1024x32xf32, #tpu.memory_space<vmem>> -> memref<1x1024x32xf32, #tpu.memory_space<vmem>>
    %dma_wait3A_691 = tpu.memref_squeeze %dma_wait3A_690 : memref<1x1024x32xf32, #tpu.memory_space<vmem>> -> memref<1024x32xf32, #tpu.memory_space<vmem>>
    %dma_wait3A_692 = tpu.memref_slice %arg4[%add3A_481, %mul3A_483] : memref<106496x128xf32, #tpu.memory_space<hbm>> -> memref<1024x32xf32, #tpu.memory_space<hbm>>
    %dma_wait3A_693 = tpu.memref_slice %arg4[%add3A_481, %mul3A_483] : memref<106496x128xf32, #tpu.memory_space<hbm>> -> memref<1024x32xf32, #tpu.memory_space<hbm>>
    %dma_wait3A_694 = arith.constant 0 : i32
    %dma_wait3A_695 = arith.constant 0 : i32
    %dma_wait3A_696 = tpu.memref_slice %arg6[%dma_wait3A_687, %dma_wait3A_694, %dma_wait3A_695] : memref<2x1024x32xf32, #tpu.memory_space<vmem>> -> memref<1x1024x32xf32, #tpu.memory_space<vmem>>
    %dma_wait3A_697 = tpu.memref_squeeze %dma_wait3A_696 : memref<1x1024x32xf32, #tpu.memory_space<vmem>> -> memref<1024x32xf32, #tpu.memory_space<vmem>>
    tpu.wait_dma2 semaphore(%arg8 : memref<!tpu.dma_semaphore, #tpu.memory_space<semaphore_mem>>) src(%dma_wait3A_697 : memref<1024x32xf32, #tpu.memory_space<vmem>>) dst(%dma_wait3A_693 : memref<1024x32xf32, #tpu.memory_space<hbm>>)
    %add3A_698 = arith.constant 4096 : i32
    %add3A_699 = arith.addi %mul3A_2, %add3A_698 : i32
    %jit3A_700 = arith.constant 16384 : i32
    %div3A_701 = arith.divsi %add3A_699, %jit3A_700 : i32
    %sign3A_702 = arith.constant 0 : i32
    %sign3A_703 = arith.cmpi sgt, %add3A_699, %sign3A_702 : i32
    %sign3A_704 = arith.extui %sign3A_703 : i1 to i32
    %sign3A_705 = arith.constant 0 : i32
    %sign3A_706 = arith.cmpi slt, %add3A_699, %sign3A_705 : i32
    %sign3A_707 = arith.extui %sign3A_706 : i1 to i32
    %sign3A_708 = arith.subi %sign3A_704, %sign3A_707 : i32
    %sign3A_709 = arith.constant 0 : i32
    %sign3A_710 = arith.cmpi sgt, %jit3A_700, %sign3A_709 : i32
    %sign3A_711 = arith.extui %sign3A_710 : i1 to i32
    %sign3A_712 = arith.constant 0 : i32
    %sign3A_713 = arith.cmpi slt, %jit3A_700, %sign3A_712 : i32
    %sign3A_714 = arith.extui %sign3A_713 : i1 to i32
    %sign3A_715 = arith.subi %sign3A_711, %sign3A_714 : i32
    %ne3A_716 = arith.cmpi ne, %sign3A_708, %sign3A_715 : i32
    %rem3A_717 = arith.remsi %add3A_699, %jit3A_700 : i32
    %ne3A_718 = arith.constant 0 : i32
    %ne3A_719 = arith.cmpi ne, %rem3A_717, %ne3A_718 : i32
    %and3A_720 = arith.andi %ne3A_716, %ne3A_719 : i1
    %sub3A_721 = arith.constant 1 : i32
    %sub3A_722 = arith.subi %div3A_701, %sub3A_721 : i32
    %select_n3A_723 = arith.select %and3A_720, %sub3A_722, %div3A_701 : i32
    %jit3A_724 = arith.constant 16384 : i32
    %eq3A_725 = arith.constant 0 : i32
    %eq3A_726 = arith.cmpi eq, %jit3A_724, %eq3A_725 : i32
    %jit3A_727 = arith.constant 1 : i32
    %select_n3A_728 = arith.select %eq3A_726, %jit3A_727, %jit3A_724 : i32
    %rem3A_729 = arith.remsi %add3A_699, %select_n3A_728 : i32
    %ne3A_730 = arith.constant 0 : i32
    %ne3A_731 = arith.cmpi ne, %rem3A_729, %ne3A_730 : i32
    %lt3A_732 = arith.constant 0 : i32
    %lt3A_733 = arith.cmpi slt, %rem3A_729, %lt3A_732 : i32
    %lt3A_734 = arith.constant 0 : i32
    %lt3A_735 = arith.cmpi slt, %select_n3A_728, %lt3A_734 : i32
    %ne3A_736 = arith.xori %lt3A_733, %lt3A_735 : i1
    %and3A_737 = arith.andi %ne3A_736, %ne3A_731 : i1
    %add3A_738 = arith.addi %rem3A_729, %select_n3A_728 : i32
    %select_n3A_739 = arith.select %and3A_737, %add3A_738, %rem3A_729 : i32
    %jit3A_740 = arith.constant 16384 : i32
    %eq3A_741 = arith.constant 0 : i32
    %eq3A_742 = arith.cmpi eq, %jit3A_740, %eq3A_741 : i32
    %jit3A_743 = arith.constant 1 : i32
    %select_n3A_744 = arith.select %eq3A_742, %jit3A_743, %jit3A_740 : i32
    %rem3A_745 = arith.remsi %select_n3A_739, %select_n3A_744 : i32
    %ne3A_746 = arith.constant 0 : i32
    %ne3A_747 = arith.cmpi ne, %rem3A_745, %ne3A_746 : i32
    %lt3A_748 = arith.constant 0 : i32
    %lt3A_749 = arith.cmpi slt, %rem3A_745, %lt3A_748 : i32
    %lt3A_750 = arith.constant 0 : i32
    %lt3A_751 = arith.cmpi slt, %select_n3A_744, %lt3A_750 : i32
    %ne3A_752 = arith.xori %lt3A_749, %lt3A_751 : i1
    %and3A_753 = arith.andi %ne3A_752, %ne3A_747 : i1
    %add3A_754 = arith.addi %rem3A_745, %select_n3A_744 : i32
    %select_n3A_755 = arith.select %and3A_753, %add3A_754, %rem3A_745 : i32
    %jit3A_756 = arith.constant 4096 : i32
    %div3A_757 = arith.divsi %select_n3A_755, %jit3A_756 : i32
    %sign3A_758 = arith.constant 0 : i32
    %sign3A_759 = arith.cmpi sgt, %select_n3A_755, %sign3A_758 : i32
    %sign3A_760 = arith.extui %sign3A_759 : i1 to i32
    %sign3A_761 = arith.constant 0 : i32
    %sign3A_762 = arith.cmpi slt, %select_n3A_755, %sign3A_761 : i32
    %sign3A_763 = arith.extui %sign3A_762 : i1 to i32
    %sign3A_764 = arith.subi %sign3A_760, %sign3A_763 : i32
    %sign3A_765 = arith.constant 0 : i32
    %sign3A_766 = arith.cmpi sgt, %jit3A_756, %sign3A_765 : i32
    %sign3A_767 = arith.extui %sign3A_766 : i1 to i32
    %sign3A_768 = arith.constant 0 : i32
    %sign3A_769 = arith.cmpi slt, %jit3A_756, %sign3A_768 : i32
    %sign3A_770 = arith.extui %sign3A_769 : i1 to i32
    %sign3A_771 = arith.subi %sign3A_767, %sign3A_770 : i32
    %ne3A_772 = arith.cmpi ne, %sign3A_764, %sign3A_771 : i32
    %rem3A_773 = arith.remsi %select_n3A_755, %jit3A_756 : i32
    %ne3A_774 = arith.constant 0 : i32
    %ne3A_775 = arith.cmpi ne, %rem3A_773, %ne3A_774 : i32
    %and3A_776 = arith.andi %ne3A_772, %ne3A_775 : i1
    %sub3A_777 = arith.constant 1 : i32
    %sub3A_778 = arith.subi %div3A_757, %sub3A_777 : i32
    %select_n3A_779 = arith.select %and3A_776, %sub3A_778, %div3A_757 : i32
    %mul3A_780 = arith.constant 4096 : i32
    %mul3A_781 = arith.muli %select_n3A_723, %mul3A_780 : i32
    %jit3A_782 = arith.constant 16384 : i32
    %div3A_783 = arith.divsi %select_n3A_739, %jit3A_782 : i32
    %sign3A_784 = arith.constant 0 : i32
    %sign3A_785 = arith.cmpi sgt, %select_n3A_739, %sign3A_784 : i32
    %sign3A_786 = arith.extui %sign3A_785 : i1 to i32
    %sign3A_787 = arith.constant 0 : i32
    %sign3A_788 = arith.cmpi slt, %select_n3A_739, %sign3A_787 : i32
    %sign3A_789 = arith.extui %sign3A_788 : i1 to i32
    %sign3A_790 = arith.subi %sign3A_786, %sign3A_789 : i32
    %sign3A_791 = arith.constant 0 : i32
    %sign3A_792 = arith.cmpi sgt, %jit3A_782, %sign3A_791 : i32
    %sign3A_793 = arith.extui %sign3A_792 : i1 to i32
    %sign3A_794 = arith.constant 0 : i32
    %sign3A_795 = arith.cmpi slt, %jit3A_782, %sign3A_794 : i32
    %sign3A_796 = arith.extui %sign3A_795 : i1 to i32
    %sign3A_797 = arith.subi %sign3A_793, %sign3A_796 : i32
    %ne3A_798 = arith.cmpi ne, %sign3A_790, %sign3A_797 : i32
    %rem3A_799 = arith.remsi %select_n3A_739, %jit3A_782 : i32
    %ne3A_800 = arith.constant 0 : i32
    %ne3A_801 = arith.cmpi ne, %rem3A_799, %ne3A_800 : i32
    %and3A_802 = arith.andi %ne3A_798, %ne3A_801 : i1
    %sub3A_803 = arith.constant 1 : i32
    %sub3A_804 = arith.subi %div3A_783, %sub3A_803 : i32
    %select_n3A_805 = arith.select %and3A_802, %sub3A_804, %div3A_783 : i32
    %mul3A_806 = arith.constant 4096 : i32
    %mul3A_807 = arith.muli %select_n3A_805, %mul3A_806 : i32
    %add3A_808 = arith.addi %mul3A_781, %mul3A_807 : i32
    %jit3A_809 = arith.constant 4096 : i32
    %eq3A_810 = arith.constant 0 : i32
    %eq3A_811 = arith.cmpi eq, %jit3A_809, %eq3A_810 : i32
    %jit3A_812 = arith.constant 1 : i32
    %select_n3A_813 = arith.select %eq3A_811, %jit3A_812, %jit3A_809 : i32
    %rem3A_814 = arith.remsi %select_n3A_739, %select_n3A_813 : i32
    %ne3A_815 = arith.constant 0 : i32
    %ne3A_816 = arith.cmpi ne, %rem3A_814, %ne3A_815 : i32
    %lt3A_817 = arith.constant 0 : i32
    %lt3A_818 = arith.cmpi slt, %rem3A_814, %lt3A_817 : i32
    %lt3A_819 = arith.constant 0 : i32
    %lt3A_820 = arith.cmpi slt, %select_n3A_813, %lt3A_819 : i32
    %ne3A_821 = arith.xori %lt3A_818, %lt3A_820 : i1
    %and3A_822 = arith.andi %ne3A_821, %ne3A_816 : i1
    %add3A_823 = arith.addi %rem3A_814, %select_n3A_813 : i32
    %select_n3A_824 = arith.select %and3A_822, %add3A_823, %rem3A_814 : i32
    %add3A_825 = arith.addi %add3A_808, %select_n3A_824 : i32
    %mul3A_826 = arith.constant 32 : i32
    %mul3A_827 = arith.muli %mul3A_826, %select_n3A_779 : i32
    %dma_start3A_828 = arith.constant 0 : i32
    %dma_start3A_829 = arith.constant 0 : i32
    %dma_start3A_830 = arith.constant 0 : i32
    %dma_start3A_831 = tpu.memref_slice %arg6[%dma_start3A_828, %dma_start3A_829, %dma_start3A_830] : memref<2x1024x32xf32, #tpu.memory_space<vmem>> -> memref<1x1024x32xf32, #tpu.memory_space<vmem>>
    %dma_start3A_832 = tpu.memref_squeeze %dma_start3A_831 : memref<1x1024x32xf32, #tpu.memory_space<vmem>> -> memref<1024x32xf32, #tpu.memory_space<vmem>>
    %dma_start3A_833 = tpu.memref_slice %arg4[%add3A_825, %mul3A_827] : memref<106496x128xf32, #tpu.memory_space<hbm>> -> memref<1024x32xf32, #tpu.memory_space<hbm>>
    %dma_start3A_834 = tpu.memref_slice %arg4[%add3A_825, %mul3A_827] : memref<106496x128xf32, #tpu.memory_space<hbm>> -> memref<1024x32xf32, #tpu.memory_space<hbm>>
    %dma_start3A_835 = arith.constant 0 : i32
    %dma_start3A_836 = arith.constant 0 : i32
    %dma_start3A_837 = tpu.memref_slice %arg6[%dma_start3A_828, %dma_start3A_835, %dma_start3A_836] : memref<2x1024x32xf32, #tpu.memory_space<vmem>> -> memref<1x1024x32xf32, #tpu.memory_space<vmem>>
    %dma_start3A_838 = tpu.memref_squeeze %dma_start3A_837 : memref<1x1024x32xf32, #tpu.memory_space<vmem>> -> memref<1024x32xf32, #tpu.memory_space<vmem>>
    tpu.enqueue_dma source(%dma_start3A_838 : memref<1024x32xf32, #tpu.memory_space<vmem>>) target(%dma_start3A_834 : memref<1024x32xf32, #tpu.memory_space<hbm>>) target_semaphore(%arg8 : memref<!tpu.dma_semaphore, #tpu.memory_space<semaphore_mem>>)
    %dma_start3A_839 = arith.constant 0 : i32
    %dma_start3A_840 = arith.constant 0 : i32
    %dma_start3A_841 = arith.constant 0 : i32
    %dma_start3A_842 = tpu.memref_slice %arg6[%dma_start3A_839, %dma_start3A_840, %dma_start3A_841] : memref<2x1024x32xf32, #tpu.memory_space<vmem>> -> memref<1x1024x32xf32, #tpu.memory_space<vmem>>
    %dma_start3A_843 = tpu.memref_squeeze %dma_start3A_842 : memref<1x1024x32xf32, #tpu.memory_space<vmem>> -> memref<1024x32xf32, #tpu.memory_space<vmem>>
    %dma_start3A_844 = arith.constant 6144 : i32
    %dma_start3A_845 = tpu.memref_slice %arg5[%dma_start3A_844] : memref<13312xi32, #tpu.memory_space<vmem>> -> memref<1024xi32, #tpu.memory_space<vmem>>
    %dma_start3A_846 = arith.constant 0 : i32
    %dma_start3A_847 = arith.constant 0 : i32
    %dma_start3A_848 = tpu.memref_slice %arg2[%dma_start3A_846, %dma_start3A_847] : memref<2031616x32xf32, #tpu.memory_space<hbm>> -> memref<2031616x32xf32, #tpu.memory_space<hbm>>
    tpu.enqueue_indirect_dma source(%dma_start3A_848 : memref<2031616x32xf32, #tpu.memory_space<hbm>>) target(%dma_start3A_843 : memref<1024x32xf32, #tpu.memory_space<vmem>>) offsets(%dma_start3A_845 : memref<1024xi32, #tpu.memory_space<vmem>>) semaphore(%arg7 : memref<!tpu.dma_semaphore, #tpu.memory_space<semaphore_mem>>)
    %dma_wait3A_849 = arith.constant 1 : i32
    %dma_wait3A_850 = arith.constant 0 : i32
    %dma_wait3A_851 = arith.constant 0 : i32
    %dma_wait3A_852 = tpu.memref_slice %arg6[%dma_wait3A_849, %dma_wait3A_850, %dma_wait3A_851] : memref<2x1024x32xf32, #tpu.memory_space<vmem>> -> memref<1x1024x32xf32, #tpu.memory_space<vmem>>
    %dma_wait3A_853 = tpu.memref_squeeze %dma_wait3A_852 : memref<1x1024x32xf32, #tpu.memory_space<vmem>> -> memref<1024x32xf32, #tpu.memory_space<vmem>>
    %dma_wait3A_854 = arith.constant 5120 : i32
    %dma_wait3A_855 = tpu.memref_slice %arg5[%dma_wait3A_854] : memref<13312xi32, #tpu.memory_space<vmem>> -> memref<1024xi32, #tpu.memory_space<vmem>>
    %dma_wait3A_856 = arith.constant 0 : i32
    %dma_wait3A_857 = arith.constant 0 : i32
    %dma_wait3A_858 = tpu.memref_slice %arg2[%dma_wait3A_856, %dma_wait3A_857] : memref<2031616x32xf32, #tpu.memory_space<hbm>> -> memref<2031616x32xf32, #tpu.memory_space<hbm>>
    tpu.wait_indirect_dma semaphore(%arg7 : memref<!tpu.dma_semaphore, #tpu.memory_space<semaphore_mem>>) src(%dma_wait3A_858 : memref<2031616x32xf32, #tpu.memory_space<hbm>>) dst(%dma_wait3A_853 : memref<1024x32xf32, #tpu.memory_space<vmem>>)
    %dma_wait3A_859 = arith.constant 1 : i32
    %dma_wait3A_860 = arith.constant 0 : i32
    %dma_wait3A_861 = arith.constant 0 : i32
    %dma_wait3A_862 = tpu.memref_slice %arg6[%dma_wait3A_859, %dma_wait3A_860, %dma_wait3A_861] : memref<2x1024x32xf32, #tpu.memory_space<vmem>> -> memref<1x1024x32xf32, #tpu.memory_space<vmem>>
    %dma_wait3A_863 = tpu.memref_squeeze %dma_wait3A_862 : memref<1x1024x32xf32, #tpu.memory_space<vmem>> -> memref<1024x32xf32, #tpu.memory_space<vmem>>
    %dma_wait3A_864 = tpu.memref_slice %arg4[%add3A_653, %mul3A_655] : memref<106496x128xf32, #tpu.memory_space<hbm>> -> memref<1024x32xf32, #tpu.memory_space<hbm>>
    %dma_wait3A_865 = tpu.memref_slice %arg4[%add3A_653, %mul3A_655] : memref<106496x128xf32, #tpu.memory_space<hbm>> -> memref<1024x32xf32, #tpu.memory_space<hbm>>
    %dma_wait3A_866 = arith.constant 0 : i32
    %dma_wait3A_867 = arith.constant 0 : i32
    %dma_wait3A_868 = tpu.memref_slice %arg6[%dma_wait3A_859, %dma_wait3A_866, %dma_wait3A_867] : memref<2x1024x32xf32, #tpu.memory_space<vmem>> -> memref<1x1024x32xf32, #tpu.memory_space<vmem>>
    %dma_wait3A_869 = tpu.memref_squeeze %dma_wait3A_868 : memref<1x1024x32xf32, #tpu.memory_space<vmem>> -> memref<1024x32xf32, #tpu.memory_space<vmem>>
    tpu.wait_dma2 semaphore(%arg8 : memref<!tpu.dma_semaphore, #tpu.memory_space<semaphore_mem>>) src(%dma_wait3A_869 : memref<1024x32xf32, #tpu.memory_space<vmem>>) dst(%dma_wait3A_865 : memref<1024x32xf32, #tpu.memory_space<hbm>>)
    %add3A_870 = arith.constant 5120 : i32
    %add3A_871 = arith.addi %mul3A_2, %add3A_870 : i32
    %jit3A_872 = arith.constant 16384 : i32
    %div3A_873 = arith.divsi %add3A_871, %jit3A_872 : i32
    %sign3A_874 = arith.constant 0 : i32
    %sign3A_875 = arith.cmpi sgt, %add3A_871, %sign3A_874 : i32
    %sign3A_876 = arith.extui %sign3A_875 : i1 to i32
    %sign3A_877 = arith.constant 0 : i32
    %sign3A_878 = arith.cmpi slt, %add3A_871, %sign3A_877 : i32
    %sign3A_879 = arith.extui %sign3A_878 : i1 to i32
    %sign3A_880 = arith.subi %sign3A_876, %sign3A_879 : i32
    %sign3A_881 = arith.constant 0 : i32
    %sign3A_882 = arith.cmpi sgt, %jit3A_872, %sign3A_881 : i32
    %sign3A_883 = arith.extui %sign3A_882 : i1 to i32
    %sign3A_884 = arith.constant 0 : i32
    %sign3A_885 = arith.cmpi slt, %jit3A_872, %sign3A_884 : i32
    %sign3A_886 = arith.extui %sign3A_885 : i1 to i32
    %sign3A_887 = arith.subi %sign3A_883, %sign3A_886 : i32
    %ne3A_888 = arith.cmpi ne, %sign3A_880, %sign3A_887 : i32
    %rem3A_889 = arith.remsi %add3A_871, %jit3A_872 : i32
    %ne3A_890 = arith.constant 0 : i32
    %ne3A_891 = arith.cmpi ne, %rem3A_889, %ne3A_890 : i32
    %and3A_892 = arith.andi %ne3A_888, %ne3A_891 : i1
    %sub3A_893 = arith.constant 1 : i32
    %sub3A_894 = arith.subi %div3A_873, %sub3A_893 : i32
    %select_n3A_895 = arith.select %and3A_892, %sub3A_894, %div3A_873 : i32
    %jit3A_896 = arith.constant 16384 : i32
    %eq3A_897 = arith.constant 0 : i32
    %eq3A_898 = arith.cmpi eq, %jit3A_896, %eq3A_897 : i32
    %jit3A_899 = arith.constant 1 : i32
    %select_n3A_900 = arith.select %eq3A_898, %jit3A_899, %jit3A_896 : i32
    %rem3A_901 = arith.remsi %add3A_871, %select_n3A_900 : i32
    %ne3A_902 = arith.constant 0 : i32
    %ne3A_903 = arith.cmpi ne, %rem3A_901, %ne3A_902 : i32
    %lt3A_904 = arith.constant 0 : i32
    %lt3A_905 = arith.cmpi slt, %rem3A_901, %lt3A_904 : i32
    %lt3A_906 = arith.constant 0 : i32
    %lt3A_907 = arith.cmpi slt, %select_n3A_900, %lt3A_906 : i32
    %ne3A_908 = arith.xori %lt3A_905, %lt3A_907 : i1
    %and3A_909 = arith.andi %ne3A_908, %ne3A_903 : i1
    %add3A_910 = arith.addi %rem3A_901, %select_n3A_900 : i32
    %select_n3A_911 = arith.select %and3A_909, %add3A_910, %rem3A_901 : i32
    %jit3A_912 = arith.constant 16384 : i32
    %eq3A_913 = arith.constant 0 : i32
    %eq3A_914 = arith.cmpi eq, %jit3A_912, %eq3A_913 : i32
    %jit3A_915 = arith.constant 1 : i32
    %select_n3A_916 = arith.select %eq3A_914, %jit3A_915, %jit3A_912 : i32
    %rem3A_917 = arith.remsi %select_n3A_911, %select_n3A_916 : i32
    %ne3A_918 = arith.constant 0 : i32
    %ne3A_919 = arith.cmpi ne, %rem3A_917, %ne3A_918 : i32
    %lt3A_920 = arith.constant 0 : i32
    %lt3A_921 = arith.cmpi slt, %rem3A_917, %lt3A_920 : i32
    %lt3A_922 = arith.constant 0 : i32
    %lt3A_923 = arith.cmpi slt, %select_n3A_916, %lt3A_922 : i32
    %ne3A_924 = arith.xori %lt3A_921, %lt3A_923 : i1
    %and3A_925 = arith.andi %ne3A_924, %ne3A_919 : i1
    %add3A_926 = arith.addi %rem3A_917, %select_n3A_916 : i32
    %select_n3A_927 = arith.select %and3A_925, %add3A_926, %rem3A_917 : i32
    %jit3A_928 = arith.constant 4096 : i32
    %div3A_929 = arith.divsi %select_n3A_927, %jit3A_928 : i32
    %sign3A_930 = arith.constant 0 : i32
    %sign3A_931 = arith.cmpi sgt, %select_n3A_927, %sign3A_930 : i32
    %sign3A_932 = arith.extui %sign3A_931 : i1 to i32
    %sign3A_933 = arith.constant 0 : i32
    %sign3A_934 = arith.cmpi slt, %select_n3A_927, %sign3A_933 : i32
    %sign3A_935 = arith.extui %sign3A_934 : i1 to i32
    %sign3A_936 = arith.subi %sign3A_932, %sign3A_935 : i32
    %sign3A_937 = arith.constant 0 : i32
    %sign3A_938 = arith.cmpi sgt, %jit3A_928, %sign3A_937 : i32
    %sign3A_939 = arith.extui %sign3A_938 : i1 to i32
    %sign3A_940 = arith.constant 0 : i32
    %sign3A_941 = arith.cmpi slt, %jit3A_928, %sign3A_940 : i32
    %sign3A_942 = arith.extui %sign3A_941 : i1 to i32
    %sign3A_943 = arith.subi %sign3A_939, %sign3A_942 : i32
    %ne3A_944 = arith.cmpi ne, %sign3A_936, %sign3A_943 : i32
    %rem3A_945 = arith.remsi %select_n3A_927, %jit3A_928 : i32
    %ne3A_946 = arith.constant 0 : i32
    %ne3A_947 = arith.cmpi ne, %rem3A_945, %ne3A_946 : i32
    %and3A_948 = arith.andi %ne3A_944, %ne3A_947 : i1
    %sub3A_949 = arith.constant 1 : i32
    %sub3A_950 = arith.subi %div3A_929, %sub3A_949 : i32
    %select_n3A_951 = arith.select %and3A_948, %sub3A_950, %div3A_929 : i32
    %mul3A_952 = arith.constant 4096 : i32
    %mul3A_953 = arith.muli %select_n3A_895, %mul3A_952 : i32
    %jit3A_954 = arith.constant 16384 : i32
    %div3A_955 = arith.divsi %select_n3A_911, %jit3A_954 : i32
    %sign3A_956 = arith.constant 0 : i32
    %sign3A_957 = arith.cmpi sgt, %select_n3A_911, %sign3A_956 : i32
    %sign3A_958 = arith.extui %sign3A_957 : i1 to i32
    %sign3A_959 = arith.constant 0 : i32
    %sign3A_960 = arith.cmpi slt, %select_n3A_911, %sign3A_959 : i32
    %sign3A_961 = arith.extui %sign3A_960 : i1 to i32
    %sign3A_962 = arith.subi %sign3A_958, %sign3A_961 : i32
    %sign3A_963 = arith.constant 0 : i32
    %sign3A_964 = arith.cmpi sgt, %jit3A_954, %sign3A_963 : i32
    %sign3A_965 = arith.extui %sign3A_964 : i1 to i32
    %sign3A_966 = arith.constant 0 : i32
    %sign3A_967 = arith.cmpi slt, %jit3A_954, %sign3A_966 : i32
    %sign3A_968 = arith.extui %sign3A_967 : i1 to i32
    %sign3A_969 = arith.subi %sign3A_965, %sign3A_968 : i32
    %ne3A_970 = arith.cmpi ne, %sign3A_962, %sign3A_969 : i32
    %rem3A_971 = arith.remsi %select_n3A_911, %jit3A_954 : i32
    %ne3A_972 = arith.constant 0 : i32
    %ne3A_973 = arith.cmpi ne, %rem3A_971, %ne3A_972 : i32
    %and3A_974 = arith.andi %ne3A_970, %ne3A_973 : i1
    %sub3A_975 = arith.constant 1 : i32
    %sub3A_976 = arith.subi %div3A_955, %sub3A_975 : i32
    %select_n3A_977 = arith.select %and3A_974, %sub3A_976, %div3A_955 : i32
    %mul3A_978 = arith.constant 4096 : i32
    %mul3A_979 = arith.muli %select_n3A_977, %mul3A_978 : i32
    %add3A_980 = arith.addi %mul3A_953, %mul3A_979 : i32
    %jit3A_981 = arith.constant 4096 : i32
    %eq3A_982 = arith.constant 0 : i32
    %eq3A_983 = arith.cmpi eq, %jit3A_981, %eq3A_982 : i32
    %jit3A_984 = arith.constant 1 : i32
    %select_n3A_985 = arith.select %eq3A_983, %jit3A_984, %jit3A_981 : i32
    %rem3A_986 = arith.remsi %select_n3A_911, %select_n3A_985 : i32
    %ne3A_987 = arith.constant 0 : i32
    %ne3A_988 = arith.cmpi ne, %rem3A_986, %ne3A_987 : i32
    %lt3A_989 = arith.constant 0 : i32
    %lt3A_990 = arith.cmpi slt, %rem3A_986, %lt3A_989 : i32
    %lt3A_991 = arith.constant 0 : i32
    %lt3A_992 = arith.cmpi slt, %select_n3A_985, %lt3A_991 : i32
    %ne3A_993 = arith.xori %lt3A_990, %lt3A_992 : i1
    %and3A_994 = arith.andi %ne3A_993, %ne3A_988 : i1
    %add3A_995 = arith.addi %rem3A_986, %select_n3A_985 : i32
    %select_n3A_996 = arith.select %and3A_994, %add3A_995, %rem3A_986 : i32
    %add3A_997 = arith.addi %add3A_980, %select_n3A_996 : i32
    %mul3A_998 = arith.constant 32 : i32
    %mul3A_999 = arith.muli %mul3A_998, %select_n3A_951 : i32
    %dma_start3A_1000 = arith.constant 1 : i32
    %dma_start3A_1001 = arith.constant 0 : i32
    %dma_start3A_1002 = arith.constant 0 : i32
    %dma_start3A_1003 = tpu.memref_slice %arg6[%dma_start3A_1000, %dma_start3A_1001, %dma_start3A_1002] : memref<2x1024x32xf32, #tpu.memory_space<vmem>> -> memref<1x1024x32xf32, #tpu.memory_space<vmem>>
    %dma_start3A_1004 = tpu.memref_squeeze %dma_start3A_1003 : memref<1x1024x32xf32, #tpu.memory_space<vmem>> -> memref<1024x32xf32, #tpu.memory_space<vmem>>
    %dma_start3A_1005 = tpu.memref_slice %arg4[%add3A_997, %mul3A_999] : memref<106496x128xf32, #tpu.memory_space<hbm>> -> memref<1024x32xf32, #tpu.memory_space<hbm>>
    %dma_start3A_1006 = tpu.memref_slice %arg4[%add3A_997, %mul3A_999] : memref<106496x128xf32, #tpu.memory_space<hbm>> -> memref<1024x32xf32, #tpu.memory_space<hbm>>
    %dma_start3A_1007 = arith.constant 0 : i32
    %dma_start3A_1008 = arith.constant 0 : i32
    %dma_start3A_1009 = tpu.memref_slice %arg6[%dma_start3A_1000, %dma_start3A_1007, %dma_start3A_1008] : memref<2x1024x32xf32, #tpu.memory_space<vmem>> -> memref<1x1024x32xf32, #tpu.memory_space<vmem>>
    %dma_start3A_1010 = tpu.memref_squeeze %dma_start3A_1009 : memref<1x1024x32xf32, #tpu.memory_space<vmem>> -> memref<1024x32xf32, #tpu.memory_space<vmem>>
    tpu.enqueue_dma source(%dma_start3A_1010 : memref<1024x32xf32, #tpu.memory_space<vmem>>) target(%dma_start3A_1006 : memref<1024x32xf32, #tpu.memory_space<hbm>>) target_semaphore(%arg8 : memref<!tpu.dma_semaphore, #tpu.memory_space<semaphore_mem>>)
    %dma_start3A_1011 = arith.constant 1 : i32
    %dma_start3A_1012 = arith.constant 0 : i32
    %dma_start3A_1013 = arith.constant 0 : i32
    %dma_start3A_1014 = tpu.memref_slice %arg6[%dma_start3A_1011, %dma_start3A_1012, %dma_start3A_1013] : memref<2x1024x32xf32, #tpu.memory_space<vmem>> -> memref<1x1024x32xf32, #tpu.memory_space<vmem>>
    %dma_start3A_1015 = tpu.memref_squeeze %dma_start3A_1014 : memref<1x1024x32xf32, #tpu.memory_space<vmem>> -> memref<1024x32xf32, #tpu.memory_space<vmem>>
    %dma_start3A_1016 = arith.constant 7168 : i32
    %dma_start3A_1017 = tpu.memref_slice %arg5[%dma_start3A_1016] : memref<13312xi32, #tpu.memory_space<vmem>> -> memref<1024xi32, #tpu.memory_space<vmem>>
    %dma_start3A_1018 = arith.constant 0 : i32
    %dma_start3A_1019 = arith.constant 0 : i32
    %dma_start3A_1020 = tpu.memref_slice %arg2[%dma_start3A_1018, %dma_start3A_1019] : memref<2031616x32xf32, #tpu.memory_space<hbm>> -> memref<2031616x32xf32, #tpu.memory_space<hbm>>
    tpu.enqueue_indirect_dma source(%dma_start3A_1020 : memref<2031616x32xf32, #tpu.memory_space<hbm>>) target(%dma_start3A_1015 : memref<1024x32xf32, #tpu.memory_space<vmem>>) offsets(%dma_start3A_1017 : memref<1024xi32, #tpu.memory_space<vmem>>) semaphore(%arg7 : memref<!tpu.dma_semaphore, #tpu.memory_space<semaphore_mem>>)
    %dma_wait3A_1021 = arith.constant 0 : i32
    %dma_wait3A_1022 = arith.constant 0 : i32
    %dma_wait3A_1023 = arith.constant 0 : i32
    %dma_wait3A_1024 = tpu.memref_slice %arg6[%dma_wait3A_1021, %dma_wait3A_1022, %dma_wait3A_1023] : memref<2x1024x32xf32, #tpu.memory_space<vmem>> -> memref<1x1024x32xf32, #tpu.memory_space<vmem>>
    %dma_wait3A_1025 = tpu.memref_squeeze %dma_wait3A_1024 : memref<1x1024x32xf32, #tpu.memory_space<vmem>> -> memref<1024x32xf32, #tpu.memory_space<vmem>>
    %dma_wait3A_1026 = arith.constant 6144 : i32
    %dma_wait3A_1027 = tpu.memref_slice %arg5[%dma_wait3A_1026] : memref<13312xi32, #tpu.memory_space<vmem>> -> memref<1024xi32, #tpu.memory_space<vmem>>
    %dma_wait3A_1028 = arith.constant 0 : i32
    %dma_wait3A_1029 = arith.constant 0 : i32
    %dma_wait3A_1030 = tpu.memref_slice %arg2[%dma_wait3A_1028, %dma_wait3A_1029] : memref<2031616x32xf32, #tpu.memory_space<hbm>> -> memref<2031616x32xf32, #tpu.memory_space<hbm>>
    tpu.wait_indirect_dma semaphore(%arg7 : memref<!tpu.dma_semaphore, #tpu.memory_space<semaphore_mem>>) src(%dma_wait3A_1030 : memref<2031616x32xf32, #tpu.memory_space<hbm>>) dst(%dma_wait3A_1025 : memref<1024x32xf32, #tpu.memory_space<vmem>>)
    %dma_wait3A_1031 = arith.constant 0 : i32
    %dma_wait3A_1032 = arith.constant 0 : i32
    %dma_wait3A_1033 = arith.constant 0 : i32
    %dma_wait3A_1034 = tpu.memref_slice %arg6[%dma_wait3A_1031, %dma_wait3A_1032, %dma_wait3A_1033] : memref<2x1024x32xf32, #tpu.memory_space<vmem>> -> memref<1x1024x32xf32, #tpu.memory_space<vmem>>
    %dma_wait3A_1035 = tpu.memref_squeeze %dma_wait3A_1034 : memref<1x1024x32xf32, #tpu.memory_space<vmem>> -> memref<1024x32xf32, #tpu.memory_space<vmem>>
    %dma_wait3A_1036 = tpu.memref_slice %arg4[%add3A_825, %mul3A_827] : memref<106496x128xf32, #tpu.memory_space<hbm>> -> memref<1024x32xf32, #tpu.memory_space<hbm>>
    %dma_wait3A_1037 = tpu.memref_slice %arg4[%add3A_825, %mul3A_827] : memref<106496x128xf32, #tpu.memory_space<hbm>> -> memref<1024x32xf32, #tpu.memory_space<hbm>>
    %dma_wait3A_1038 = arith.constant 0 : i32
    %dma_wait3A_1039 = arith.constant 0 : i32
    %dma_wait3A_1040 = tpu.memref_slice %arg6[%dma_wait3A_1031, %dma_wait3A_1038, %dma_wait3A_1039] : memref<2x1024x32xf32, #tpu.memory_space<vmem>> -> memref<1x1024x32xf32, #tpu.memory_space<vmem>>
    %dma_wait3A_1041 = tpu.memref_squeeze %dma_wait3A_1040 : memref<1x1024x32xf32, #tpu.memory_space<vmem>> -> memref<1024x32xf32, #tpu.memory_space<vmem>>
    tpu.wait_dma2 semaphore(%arg8 : memref<!tpu.dma_semaphore, #tpu.memory_space<semaphore_mem>>) src(%dma_wait3A_1041 : memref<1024x32xf32, #tpu.memory_space<vmem>>) dst(%dma_wait3A_1037 : memref<1024x32xf32, #tpu.memory_space<hbm>>)
    %add3A_1042 = arith.constant 6144 : i32
    %add3A_1043 = arith.addi %mul3A_2, %add3A_1042 : i32
    %jit3A_1044 = arith.constant 16384 : i32
    %div3A_1045 = arith.divsi %add3A_1043, %jit3A_1044 : i32
    %sign3A_1046 = arith.constant 0 : i32
    %sign3A_1047 = arith.cmpi sgt, %add3A_1043, %sign3A_1046 : i32
    %sign3A_1048 = arith.extui %sign3A_1047 : i1 to i32
    %sign3A_1049 = arith.constant 0 : i32
    %sign3A_1050 = arith.cmpi slt, %add3A_1043, %sign3A_1049 : i32
    %sign3A_1051 = arith.extui %sign3A_1050 : i1 to i32
    %sign3A_1052 = arith.subi %sign3A_1048, %sign3A_1051 : i32
    %sign3A_1053 = arith.constant 0 : i32
    %sign3A_1054 = arith.cmpi sgt, %jit3A_1044, %sign3A_1053 : i32
    %sign3A_1055 = arith.extui %sign3A_1054 : i1 to i32
    %sign3A_1056 = arith.constant 0 : i32
    %sign3A_1057 = arith.cmpi slt, %jit3A_1044, %sign3A_1056 : i32
    %sign3A_1058 = arith.extui %sign3A_1057 : i1 to i32
    %sign3A_1059 = arith.subi %sign3A_1055, %sign3A_1058 : i32
    %ne3A_1060 = arith.cmpi ne, %sign3A_1052, %sign3A_1059 : i32
    %rem3A_1061 = arith.remsi %add3A_1043, %jit3A_1044 : i32
    %ne3A_1062 = arith.constant 0 : i32
    %ne3A_1063 = arith.cmpi ne, %rem3A_1061, %ne3A_1062 : i32
    %and3A_1064 = arith.andi %ne3A_1060, %ne3A_1063 : i1
    %sub3A_1065 = arith.constant 1 : i32
    %sub3A_1066 = arith.subi %div3A_1045, %sub3A_1065 : i32
    %select_n3A_1067 = arith.select %and3A_1064, %sub3A_1066, %div3A_1045 : i32
    %jit3A_1068 = arith.constant 16384 : i32
    %eq3A_1069 = arith.constant 0 : i32
    %eq3A_1070 = arith.cmpi eq, %jit3A_1068, %eq3A_1069 : i32
    %jit3A_1071 = arith.constant 1 : i32
    %select_n3A_1072 = arith.select %eq3A_1070, %jit3A_1071, %jit3A_1068 : i32
    %rem3A_1073 = arith.remsi %add3A_1043, %select_n3A_1072 : i32
    %ne3A_1074 = arith.constant 0 : i32
    %ne3A_1075 = arith.cmpi ne, %rem3A_1073, %ne3A_1074 : i32
    %lt3A_1076 = arith.constant 0 : i32
    %lt3A_1077 = arith.cmpi slt, %rem3A_1073, %lt3A_1076 : i32
    %lt3A_1078 = arith.constant 0 : i32
    %lt3A_1079 = arith.cmpi slt, %select_n3A_1072, %lt3A_1078 : i32
    %ne3A_1080 = arith.xori %lt3A_1077, %lt3A_1079 : i1
    %and3A_1081 = arith.andi %ne3A_1080, %ne3A_1075 : i1
    %add3A_1082 = arith.addi %rem3A_1073, %select_n3A_1072 : i32
    %select_n3A_1083 = arith.select %and3A_1081, %add3A_1082, %rem3A_1073 : i32
    %jit3A_1084 = arith.constant 16384 : i32
    %eq3A_1085 = arith.constant 0 : i32
    %eq3A_1086 = arith.cmpi eq, %jit3A_1084, %eq3A_1085 : i32
    %jit3A_1087 = arith.constant 1 : i32
    %select_n3A_1088 = arith.select %eq3A_1086, %jit3A_1087, %jit3A_1084 : i32
    %rem3A_1089 = arith.remsi %select_n3A_1083, %select_n3A_1088 : i32
    %ne3A_1090 = arith.constant 0 : i32
    %ne3A_1091 = arith.cmpi ne, %rem3A_1089, %ne3A_1090 : i32
    %lt3A_1092 = arith.constant 0 : i32
    %lt3A_1093 = arith.cmpi slt, %rem3A_1089, %lt3A_1092 : i32
    %lt3A_1094 = arith.constant 0 : i32
    %lt3A_1095 = arith.cmpi slt, %select_n3A_1088, %lt3A_1094 : i32
    %ne3A_1096 = arith.xori %lt3A_1093, %lt3A_1095 : i1
    %and3A_1097 = arith.andi %ne3A_1096, %ne3A_1091 : i1
    %add3A_1098 = arith.addi %rem3A_1089, %select_n3A_1088 : i32
    %select_n3A_1099 = arith.select %and3A_1097, %add3A_1098, %rem3A_1089 : i32
    %jit3A_1100 = arith.constant 4096 : i32
    %div3A_1101 = arith.divsi %select_n3A_1099, %jit3A_1100 : i32
    %sign3A_1102 = arith.constant 0 : i32
    %sign3A_1103 = arith.cmpi sgt, %select_n3A_1099, %sign3A_1102 : i32
    %sign3A_1104 = arith.extui %sign3A_1103 : i1 to i32
    %sign3A_1105 = arith.constant 0 : i32
    %sign3A_1106 = arith.cmpi slt, %select_n3A_1099, %sign3A_1105 : i32
    %sign3A_1107 = arith.extui %sign3A_1106 : i1 to i32
    %sign3A_1108 = arith.subi %sign3A_1104, %sign3A_1107 : i32
    %sign3A_1109 = arith.constant 0 : i32
    %sign3A_1110 = arith.cmpi sgt, %jit3A_1100, %sign3A_1109 : i32
    %sign3A_1111 = arith.extui %sign3A_1110 : i1 to i32
    %sign3A_1112 = arith.constant 0 : i32
    %sign3A_1113 = arith.cmpi slt, %jit3A_1100, %sign3A_1112 : i32
    %sign3A_1114 = arith.extui %sign3A_1113 : i1 to i32
    %sign3A_1115 = arith.subi %sign3A_1111, %sign3A_1114 : i32
    %ne3A_1116 = arith.cmpi ne, %sign3A_1108, %sign3A_1115 : i32
    %rem3A_1117 = arith.remsi %select_n3A_1099, %jit3A_1100 : i32
    %ne3A_1118 = arith.constant 0 : i32
    %ne3A_1119 = arith.cmpi ne, %rem3A_1117, %ne3A_1118 : i32
    %and3A_1120 = arith.andi %ne3A_1116, %ne3A_1119 : i1
    %sub3A_1121 = arith.constant 1 : i32
    %sub3A_1122 = arith.subi %div3A_1101, %sub3A_1121 : i32
    %select_n3A_1123 = arith.select %and3A_1120, %sub3A_1122, %div3A_1101 : i32
    %mul3A_1124 = arith.constant 4096 : i32
    %mul3A_1125 = arith.muli %select_n3A_1067, %mul3A_1124 : i32
    %jit3A_1126 = arith.constant 16384 : i32
    %div3A_1127 = arith.divsi %select_n3A_1083, %jit3A_1126 : i32
    %sign3A_1128 = arith.constant 0 : i32
    %sign3A_1129 = arith.cmpi sgt, %select_n3A_1083, %sign3A_1128 : i32
    %sign3A_1130 = arith.extui %sign3A_1129 : i1 to i32
    %sign3A_1131 = arith.constant 0 : i32
    %sign3A_1132 = arith.cmpi slt, %select_n3A_1083, %sign3A_1131 : i32
    %sign3A_1133 = arith.extui %sign3A_1132 : i1 to i32
    %sign3A_1134 = arith.subi %sign3A_1130, %sign3A_1133 : i32
    %sign3A_1135 = arith.constant 0 : i32
    %sign3A_1136 = arith.cmpi sgt, %jit3A_1126, %sign3A_1135 : i32
    %sign3A_1137 = arith.extui %sign3A_1136 : i1 to i32
    %sign3A_1138 = arith.constant 0 : i32
    %sign3A_1139 = arith.cmpi slt, %jit3A_1126, %sign3A_1138 : i32
    %sign3A_1140 = arith.extui %sign3A_1139 : i1 to i32
    %sign3A_1141 = arith.subi %sign3A_1137, %sign3A_1140 : i32
    %ne3A_1142 = arith.cmpi ne, %sign3A_1134, %sign3A_1141 : i32
    %rem3A_1143 = arith.remsi %select_n3A_1083, %jit3A_1126 : i32
    %ne3A_1144 = arith.constant 0 : i32
    %ne3A_1145 = arith.cmpi ne, %rem3A_1143, %ne3A_1144 : i32
    %and3A_1146 = arith.andi %ne3A_1142, %ne3A_1145 : i1
    %sub3A_1147 = arith.constant 1 : i32
    %sub3A_1148 = arith.subi %div3A_1127, %sub3A_1147 : i32
    %select_n3A_1149 = arith.select %and3A_1146, %sub3A_1148, %div3A_1127 : i32
    %mul3A_1150 = arith.constant 4096 : i32
    %mul3A_1151 = arith.muli %select_n3A_1149, %mul3A_1150 : i32
    %add3A_1152 = arith.addi %mul3A_1125, %mul3A_1151 : i32
    %jit3A_1153 = arith.constant 4096 : i32
    %eq3A_1154 = arith.constant 0 : i32
    %eq3A_1155 = arith.cmpi eq, %jit3A_1153, %eq3A_1154 : i32
    %jit3A_1156 = arith.constant 1 : i32
    %select_n3A_1157 = arith.select %eq3A_1155, %jit3A_1156, %jit3A_1153 : i32
    %rem3A_1158 = arith.remsi %select_n3A_1083, %select_n3A_1157 : i32
    %ne3A_1159 = arith.constant 0 : i32
    %ne3A_1160 = arith.cmpi ne, %rem3A_1158, %ne3A_1159 : i32
    %lt3A_1161 = arith.constant 0 : i32
    %lt3A_1162 = arith.cmpi slt, %rem3A_1158, %lt3A_1161 : i32
    %lt3A_1163 = arith.constant 0 : i32
    %lt3A_1164 = arith.cmpi slt, %select_n3A_1157, %lt3A_1163 : i32
    %ne3A_1165 = arith.xori %lt3A_1162, %lt3A_1164 : i1
    %and3A_1166 = arith.andi %ne3A_1165, %ne3A_1160 : i1
    %add3A_1167 = arith.addi %rem3A_1158, %select_n3A_1157 : i32
    %select_n3A_1168 = arith.select %and3A_1166, %add3A_1167, %rem3A_1158 : i32
    %add3A_1169 = arith.addi %add3A_1152, %select_n3A_1168 : i32
    %mul3A_1170 = arith.constant 32 : i32
    %mul3A_1171 = arith.muli %mul3A_1170, %select_n3A_1123 : i32
    %dma_start3A_1172 = arith.constant 0 : i32
    %dma_start3A_1173 = arith.constant 0 : i32
    %dma_start3A_1174 = arith.constant 0 : i32
    %dma_start3A_1175 = tpu.memref_slice %arg6[%dma_start3A_1172, %dma_start3A_1173, %dma_start3A_1174] : memref<2x1024x32xf32, #tpu.memory_space<vmem>> -> memref<1x1024x32xf32, #tpu.memory_space<vmem>>
    %dma_start3A_1176 = tpu.memref_squeeze %dma_start3A_1175 : memref<1x1024x32xf32, #tpu.memory_space<vmem>> -> memref<1024x32xf32, #tpu.memory_space<vmem>>
    %dma_start3A_1177 = tpu.memref_slice %arg4[%add3A_1169, %mul3A_1171] : memref<106496x128xf32, #tpu.memory_space<hbm>> -> memref<1024x32xf32, #tpu.memory_space<hbm>>
    %dma_start3A_1178 = tpu.memref_slice %arg4[%add3A_1169, %mul3A_1171] : memref<106496x128xf32, #tpu.memory_space<hbm>> -> memref<1024x32xf32, #tpu.memory_space<hbm>>
    %dma_start3A_1179 = arith.constant 0 : i32
    %dma_start3A_1180 = arith.constant 0 : i32
    %dma_start3A_1181 = tpu.memref_slice %arg6[%dma_start3A_1172, %dma_start3A_1179, %dma_start3A_1180] : memref<2x1024x32xf32, #tpu.memory_space<vmem>> -> memref<1x1024x32xf32, #tpu.memory_space<vmem>>
    %dma_start3A_1182 = tpu.memref_squeeze %dma_start3A_1181 : memref<1x1024x32xf32, #tpu.memory_space<vmem>> -> memref<1024x32xf32, #tpu.memory_space<vmem>>
    tpu.enqueue_dma source(%dma_start3A_1182 : memref<1024x32xf32, #tpu.memory_space<vmem>>) target(%dma_start3A_1178 : memref<1024x32xf32, #tpu.memory_space<hbm>>) target_semaphore(%arg8 : memref<!tpu.dma_semaphore, #tpu.memory_space<semaphore_mem>>)
    %dma_start3A_1183 = arith.constant 0 : i32
    %dma_start3A_1184 = arith.constant 0 : i32
    %dma_start3A_1185 = arith.constant 0 : i32
    %dma_start3A_1186 = tpu.memref_slice %arg6[%dma_start3A_1183, %dma_start3A_1184, %dma_start3A_1185] : memref<2x1024x32xf32, #tpu.memory_space<vmem>> -> memref<1x1024x32xf32, #tpu.memory_space<vmem>>
    %dma_start3A_1187 = tpu.memref_squeeze %dma_start3A_1186 : memref<1x1024x32xf32, #tpu.memory_space<vmem>> -> memref<1024x32xf32, #tpu.memory_space<vmem>>
    %dma_start3A_1188 = arith.constant 8192 : i32
    %dma_start3A_1189 = tpu.memref_slice %arg5[%dma_start3A_1188] : memref<13312xi32, #tpu.memory_space<vmem>> -> memref<1024xi32, #tpu.memory_space<vmem>>
    %dma_start3A_1190 = arith.constant 0 : i32
    %dma_start3A_1191 = arith.constant 0 : i32
    %dma_start3A_1192 = tpu.memref_slice %arg2[%dma_start3A_1190, %dma_start3A_1191] : memref<2031616x32xf32, #tpu.memory_space<hbm>> -> memref<2031616x32xf32, #tpu.memory_space<hbm>>
    tpu.enqueue_indirect_dma source(%dma_start3A_1192 : memref<2031616x32xf32, #tpu.memory_space<hbm>>) target(%dma_start3A_1187 : memref<1024x32xf32, #tpu.memory_space<vmem>>) offsets(%dma_start3A_1189 : memref<1024xi32, #tpu.memory_space<vmem>>) semaphore(%arg7 : memref<!tpu.dma_semaphore, #tpu.memory_space<semaphore_mem>>)
    %dma_wait3A_1193 = arith.constant 1 : i32
    %dma_wait3A_1194 = arith.constant 0 : i32
    %dma_wait3A_1195 = arith.constant 0 : i32
    %dma_wait3A_1196 = tpu.memref_slice %arg6[%dma_wait3A_1193, %dma_wait3A_1194, %dma_wait3A_1195] : memref<2x1024x32xf32, #tpu.memory_space<vmem>> -> memref<1x1024x32xf32, #tpu.memory_space<vmem>>
    %dma_wait3A_1197 = tpu.memref_squeeze %dma_wait3A_1196 : memref<1x1024x32xf32, #tpu.memory_space<vmem>> -> memref<1024x32xf32, #tpu.memory_space<vmem>>
    %dma_wait3A_1198 = arith.constant 7168 : i32
    %dma_wait3A_1199 = tpu.memref_slice %arg5[%dma_wait3A_1198] : memref<13312xi32, #tpu.memory_space<vmem>> -> memref<1024xi32, #tpu.memory_space<vmem>>
    %dma_wait3A_1200 = arith.constant 0 : i32
    %dma_wait3A_1201 = arith.constant 0 : i32
    %dma_wait3A_1202 = tpu.memref_slice %arg2[%dma_wait3A_1200, %dma_wait3A_1201] : memref<2031616x32xf32, #tpu.memory_space<hbm>> -> memref<2031616x32xf32, #tpu.memory_space<hbm>>
    tpu.wait_indirect_dma semaphore(%arg7 : memref<!tpu.dma_semaphore, #tpu.memory_space<semaphore_mem>>) src(%dma_wait3A_1202 : memref<2031616x32xf32, #tpu.memory_space<hbm>>) dst(%dma_wait3A_1197 : memref<1024x32xf32, #tpu.memory_space<vmem>>)
    %dma_wait3A_1203 = arith.constant 1 : i32
    %dma_wait3A_1204 = arith.constant 0 : i32
    %dma_wait3A_1205 = arith.constant 0 : i32
    %dma_wait3A_1206 = tpu.memref_slice %arg6[%dma_wait3A_1203, %dma_wait3A_1204, %dma_wait3A_1205] : memref<2x1024x32xf32, #tpu.memory_space<vmem>> -> memref<1x1024x32xf32, #tpu.memory_space<vmem>>
    %dma_wait3A_1207 = tpu.memref_squeeze %dma_wait3A_1206 : memref<1x1024x32xf32, #tpu.memory_space<vmem>> -> memref<1024x32xf32, #tpu.memory_space<vmem>>
    %dma_wait3A_1208 = tpu.memref_slice %arg4[%add3A_997, %mul3A_999] : memref<106496x128xf32, #tpu.memory_space<hbm>> -> memref<1024x32xf32, #tpu.memory_space<hbm>>
    %dma_wait3A_1209 = tpu.memref_slice %arg4[%add3A_997, %mul3A_999] : memref<106496x128xf32, #tpu.memory_space<hbm>> -> memref<1024x32xf32, #tpu.memory_space<hbm>>
    %dma_wait3A_1210 = arith.constant 0 : i32
    %dma_wait3A_1211 = arith.constant 0 : i32
    %dma_wait3A_1212 = tpu.memref_slice %arg6[%dma_wait3A_1203, %dma_wait3A_1210, %dma_wait3A_1211] : memref<2x1024x32xf32, #tpu.memory_space<vmem>> -> memref<1x1024x32xf32, #tpu.memory_space<vmem>>
    %dma_wait3A_1213 = tpu.memref_squeeze %dma_wait3A_1212 : memref<1x1024x32xf32, #tpu.memory_space<vmem>> -> memref<1024x32xf32, #tpu.memory_space<vmem>>
    tpu.wait_dma2 semaphore(%arg8 : memref<!tpu.dma_semaphore, #tpu.memory_space<semaphore_mem>>) src(%dma_wait3A_1213 : memref<1024x32xf32, #tpu.memory_space<vmem>>) dst(%dma_wait3A_1209 : memref<1024x32xf32, #tpu.memory_space<hbm>>)
    %add3A_1214 = arith.constant 7168 : i32
    %add3A_1215 = arith.addi %mul3A_2, %add3A_1214 : i32
    %jit3A_1216 = arith.constant 16384 : i32
    %div3A_1217 = arith.divsi %add3A_1215, %jit3A_1216 : i32
    %sign3A_1218 = arith.constant 0 : i32
    %sign3A_1219 = arith.cmpi sgt, %add3A_1215, %sign3A_1218 : i32
    %sign3A_1220 = arith.extui %sign3A_1219 : i1 to i32
    %sign3A_1221 = arith.constant 0 : i32
    %sign3A_1222 = arith.cmpi slt, %add3A_1215, %sign3A_1221 : i32
    %sign3A_1223 = arith.extui %sign3A_1222 : i1 to i32
    %sign3A_1224 = arith.subi %sign3A_1220, %sign3A_1223 : i32
    %sign3A_1225 = arith.constant 0 : i32
    %sign3A_1226 = arith.cmpi sgt, %jit3A_1216, %sign3A_1225 : i32
    %sign3A_1227 = arith.extui %sign3A_1226 : i1 to i32
    %sign3A_1228 = arith.constant 0 : i32
    %sign3A_1229 = arith.cmpi slt, %jit3A_1216, %sign3A_1228 : i32
    %sign3A_1230 = arith.extui %sign3A_1229 : i1 to i32
    %sign3A_1231 = arith.subi %sign3A_1227, %sign3A_1230 : i32
    %ne3A_1232 = arith.cmpi ne, %sign3A_1224, %sign3A_1231 : i32
    %rem3A_1233 = arith.remsi %add3A_1215, %jit3A_1216 : i32
    %ne3A_1234 = arith.constant 0 : i32
    %ne3A_1235 = arith.cmpi ne, %rem3A_1233, %ne3A_1234 : i32
    %and3A_1236 = arith.andi %ne3A_1232, %ne3A_1235 : i1
    %sub3A_1237 = arith.constant 1 : i32
    %sub3A_1238 = arith.subi %div3A_1217, %sub3A_1237 : i32
    %select_n3A_1239 = arith.select %and3A_1236, %sub3A_1238, %div3A_1217 : i32
    %jit3A_1240 = arith.constant 16384 : i32
    %eq3A_1241 = arith.constant 0 : i32
    %eq3A_1242 = arith.cmpi eq, %jit3A_1240, %eq3A_1241 : i32
    %jit3A_1243 = arith.constant 1 : i32
    %select_n3A_1244 = arith.select %eq3A_1242, %jit3A_1243, %jit3A_1240 : i32
    %rem3A_1245 = arith.remsi %add3A_1215, %select_n3A_1244 : i32
    %ne3A_1246 = arith.constant 0 : i32
    %ne3A_1247 = arith.cmpi ne, %rem3A_1245, %ne3A_1246 : i32
    %lt3A_1248 = arith.constant 0 : i32
    %lt3A_1249 = arith.cmpi slt, %rem3A_1245, %lt3A_1248 : i32
    %lt3A_1250 = arith.constant 0 : i32
    %lt3A_1251 = arith.cmpi slt, %select_n3A_1244, %lt3A_1250 : i32
    %ne3A_1252 = arith.xori %lt3A_1249, %lt3A_1251 : i1
    %and3A_1253 = arith.andi %ne3A_1252, %ne3A_1247 : i1
    %add3A_1254 = arith.addi %rem3A_1245, %select_n3A_1244 : i32
    %select_n3A_1255 = arith.select %and3A_1253, %add3A_1254, %rem3A_1245 : i32
    %jit3A_1256 = arith.constant 16384 : i32
    %eq3A_1257 = arith.constant 0 : i32
    %eq3A_1258 = arith.cmpi eq, %jit3A_1256, %eq3A_1257 : i32
    %jit3A_1259 = arith.constant 1 : i32
    %select_n3A_1260 = arith.select %eq3A_1258, %jit3A_1259, %jit3A_1256 : i32
    %rem3A_1261 = arith.remsi %select_n3A_1255, %select_n3A_1260 : i32
    %ne3A_1262 = arith.constant 0 : i32
    %ne3A_1263 = arith.cmpi ne, %rem3A_1261, %ne3A_1262 : i32
    %lt3A_1264 = arith.constant 0 : i32
    %lt3A_1265 = arith.cmpi slt, %rem3A_1261, %lt3A_1264 : i32
    %lt3A_1266 = arith.constant 0 : i32
    %lt3A_1267 = arith.cmpi slt, %select_n3A_1260, %lt3A_1266 : i32
    %ne3A_1268 = arith.xori %lt3A_1265, %lt3A_1267 : i1
    %and3A_1269 = arith.andi %ne3A_1268, %ne3A_1263 : i1
    %add3A_1270 = arith.addi %rem3A_1261, %select_n3A_1260 : i32
    %select_n3A_1271 = arith.select %and3A_1269, %add3A_1270, %rem3A_1261 : i32
    %jit3A_1272 = arith.constant 4096 : i32
    %div3A_1273 = arith.divsi %select_n3A_1271, %jit3A_1272 : i32
    %sign3A_1274 = arith.constant 0 : i32
    %sign3A_1275 = arith.cmpi sgt, %select_n3A_1271, %sign3A_1274 : i32
    %sign3A_1276 = arith.extui %sign3A_1275 : i1 to i32
    %sign3A_1277 = arith.constant 0 : i32
    %sign3A_1278 = arith.cmpi slt, %select_n3A_1271, %sign3A_1277 : i32
    %sign3A_1279 = arith.extui %sign3A_1278 : i1 to i32
    %sign3A_1280 = arith.subi %sign3A_1276, %sign3A_1279 : i32
    %sign3A_1281 = arith.constant 0 : i32
    %sign3A_1282 = arith.cmpi sgt, %jit3A_1272, %sign3A_1281 : i32
    %sign3A_1283 = arith.extui %sign3A_1282 : i1 to i32
    %sign3A_1284 = arith.constant 0 : i32
    %sign3A_1285 = arith.cmpi slt, %jit3A_1272, %sign3A_1284 : i32
    %sign3A_1286 = arith.extui %sign3A_1285 : i1 to i32
    %sign3A_1287 = arith.subi %sign3A_1283, %sign3A_1286 : i32
    %ne3A_1288 = arith.cmpi ne, %sign3A_1280, %sign3A_1287 : i32
    %rem3A_1289 = arith.remsi %select_n3A_1271, %jit3A_1272 : i32
    %ne3A_1290 = arith.constant 0 : i32
    %ne3A_1291 = arith.cmpi ne, %rem3A_1289, %ne3A_1290 : i32
    %and3A_1292 = arith.andi %ne3A_1288, %ne3A_1291 : i1
    %sub3A_1293 = arith.constant 1 : i32
    %sub3A_1294 = arith.subi %div3A_1273, %sub3A_1293 : i32
    %select_n3A_1295 = arith.select %and3A_1292, %sub3A_1294, %div3A_1273 : i32
    %mul3A_1296 = arith.constant 4096 : i32
    %mul3A_1297 = arith.muli %select_n3A_1239, %mul3A_1296 : i32
    %jit3A_1298 = arith.constant 16384 : i32
    %div3A_1299 = arith.divsi %select_n3A_1255, %jit3A_1298 : i32
    %sign3A_1300 = arith.constant 0 : i32
    %sign3A_1301 = arith.cmpi sgt, %select_n3A_1255, %sign3A_1300 : i32
    %sign3A_1302 = arith.extui %sign3A_1301 : i1 to i32
    %sign3A_1303 = arith.constant 0 : i32
    %sign3A_1304 = arith.cmpi slt, %select_n3A_1255, %sign3A_1303 : i32
    %sign3A_1305 = arith.extui %sign3A_1304 : i1 to i32
    %sign3A_1306 = arith.subi %sign3A_1302, %sign3A_1305 : i32
    %sign3A_1307 = arith.constant 0 : i32
    %sign3A_1308 = arith.cmpi sgt, %jit3A_1298, %sign3A_1307 : i32
    %sign3A_1309 = arith.extui %sign3A_1308 : i1 to i32
    %sign3A_1310 = arith.constant 0 : i32
    %sign3A_1311 = arith.cmpi slt, %jit3A_1298, %sign3A_1310 : i32
    %sign3A_1312 = arith.extui %sign3A_1311 : i1 to i32
    %sign3A_1313 = arith.subi %sign3A_1309, %sign3A_1312 : i32
    %ne3A_1314 = arith.cmpi ne, %sign3A_1306, %sign3A_1313 : i32
    %rem3A_1315 = arith.remsi %select_n3A_1255, %jit3A_1298 : i32
    %ne3A_1316 = arith.constant 0 : i32
    %ne3A_1317 = arith.cmpi ne, %rem3A_1315, %ne3A_1316 : i32
    %and3A_1318 = arith.andi %ne3A_1314, %ne3A_1317 : i1
    %sub3A_1319 = arith.constant 1 : i32
    %sub3A_1320 = arith.subi %div3A_1299, %sub3A_1319 : i32
    %select_n3A_1321 = arith.select %and3A_1318, %sub3A_1320, %div3A_1299 : i32
    %mul3A_1322 = arith.constant 4096 : i32
    %mul3A_1323 = arith.muli %select_n3A_1321, %mul3A_1322 : i32
    %add3A_1324 = arith.addi %mul3A_1297, %mul3A_1323 : i32
    %jit3A_1325 = arith.constant 4096 : i32
    %eq3A_1326 = arith.constant 0 : i32
    %eq3A_1327 = arith.cmpi eq, %jit3A_1325, %eq3A_1326 : i32
    %jit3A_1328 = arith.constant 1 : i32
    %select_n3A_1329 = arith.select %eq3A_1327, %jit3A_1328, %jit3A_1325 : i32
    %rem3A_1330 = arith.remsi %select_n3A_1255, %select_n3A_1329 : i32
    %ne3A_1331 = arith.constant 0 : i32
    %ne3A_1332 = arith.cmpi ne, %rem3A_1330, %ne3A_1331 : i32
    %lt3A_1333 = arith.constant 0 : i32
    %lt3A_1334 = arith.cmpi slt, %rem3A_1330, %lt3A_1333 : i32
    %lt3A_1335 = arith.constant 0 : i32
    %lt3A_1336 = arith.cmpi slt, %select_n3A_1329, %lt3A_1335 : i32
    %ne3A_1337 = arith.xori %lt3A_1334, %lt3A_1336 : i1
    %and3A_1338 = arith.andi %ne3A_1337, %ne3A_1332 : i1
    %add3A_1339 = arith.addi %rem3A_1330, %select_n3A_1329 : i32
    %select_n3A_1340 = arith.select %and3A_1338, %add3A_1339, %rem3A_1330 : i32
    %add3A_1341 = arith.addi %add3A_1324, %select_n3A_1340 : i32
    %mul3A_1342 = arith.constant 32 : i32
    %mul3A_1343 = arith.muli %mul3A_1342, %select_n3A_1295 : i32
    %dma_start3A_1344 = arith.constant 1 : i32
    %dma_start3A_1345 = arith.constant 0 : i32
    %dma_start3A_1346 = arith.constant 0 : i32
    %dma_start3A_1347 = tpu.memref_slice %arg6[%dma_start3A_1344, %dma_start3A_1345, %dma_start3A_1346] : memref<2x1024x32xf32, #tpu.memory_space<vmem>> -> memref<1x1024x32xf32, #tpu.memory_space<vmem>>
    %dma_start3A_1348 = tpu.memref_squeeze %dma_start3A_1347 : memref<1x1024x32xf32, #tpu.memory_space<vmem>> -> memref<1024x32xf32, #tpu.memory_space<vmem>>
    %dma_start3A_1349 = tpu.memref_slice %arg4[%add3A_1341, %mul3A_1343] : memref<106496x128xf32, #tpu.memory_space<hbm>> -> memref<1024x32xf32, #tpu.memory_space<hbm>>
    %dma_start3A_1350 = tpu.memref_slice %arg4[%add3A_1341, %mul3A_1343] : memref<106496x128xf32, #tpu.memory_space<hbm>> -> memref<1024x32xf32, #tpu.memory_space<hbm>>
    %dma_start3A_1351 = arith.constant 0 : i32
    %dma_start3A_1352 = arith.constant 0 : i32
    %dma_start3A_1353 = tpu.memref_slice %arg6[%dma_start3A_1344, %dma_start3A_1351, %dma_start3A_1352] : memref<2x1024x32xf32, #tpu.memory_space<vmem>> -> memref<1x1024x32xf32, #tpu.memory_space<vmem>>
    %dma_start3A_1354 = tpu.memref_squeeze %dma_start3A_1353 : memref<1x1024x32xf32, #tpu.memory_space<vmem>> -> memref<1024x32xf32, #tpu.memory_space<vmem>>
    tpu.enqueue_dma source(%dma_start3A_1354 : memref<1024x32xf32, #tpu.memory_space<vmem>>) target(%dma_start3A_1350 : memref<1024x32xf32, #tpu.memory_space<hbm>>) target_semaphore(%arg8 : memref<!tpu.dma_semaphore, #tpu.memory_space<semaphore_mem>>)
    %dma_start3A_1355 = arith.constant 1 : i32
    %dma_start3A_1356 = arith.constant 0 : i32
    %dma_start3A_1357 = arith.constant 0 : i32
    %dma_start3A_1358 = tpu.memref_slice %arg6[%dma_start3A_1355, %dma_start3A_1356, %dma_start3A_1357] : memref<2x1024x32xf32, #tpu.memory_space<vmem>> -> memref<1x1024x32xf32, #tpu.memory_space<vmem>>
    %dma_start3A_1359 = tpu.memref_squeeze %dma_start3A_1358 : memref<1x1024x32xf32, #tpu.memory_space<vmem>> -> memref<1024x32xf32, #tpu.memory_space<vmem>>
    %dma_start3A_1360 = arith.constant 9216 : i32
    %dma_start3A_1361 = tpu.memref_slice %arg5[%dma_start3A_1360] : memref<13312xi32, #tpu.memory_space<vmem>> -> memref<1024xi32, #tpu.memory_space<vmem>>
    %dma_start3A_1362 = arith.constant 0 : i32
    %dma_start3A_1363 = arith.constant 0 : i32
    %dma_start3A_1364 = tpu.memref_slice %arg2[%dma_start3A_1362, %dma_start3A_1363] : memref<2031616x32xf32, #tpu.memory_space<hbm>> -> memref<2031616x32xf32, #tpu.memory_space<hbm>>
    tpu.enqueue_indirect_dma source(%dma_start3A_1364 : memref<2031616x32xf32, #tpu.memory_space<hbm>>) target(%dma_start3A_1359 : memref<1024x32xf32, #tpu.memory_space<vmem>>) offsets(%dma_start3A_1361 : memref<1024xi32, #tpu.memory_space<vmem>>) semaphore(%arg7 : memref<!tpu.dma_semaphore, #tpu.memory_space<semaphore_mem>>)
    %dma_wait3A_1365 = arith.constant 0 : i32
    %dma_wait3A_1366 = arith.constant 0 : i32
    %dma_wait3A_1367 = arith.constant 0 : i32
    %dma_wait3A_1368 = tpu.memref_slice %arg6[%dma_wait3A_1365, %dma_wait3A_1366, %dma_wait3A_1367] : memref<2x1024x32xf32, #tpu.memory_space<vmem>> -> memref<1x1024x32xf32, #tpu.memory_space<vmem>>
    %dma_wait3A_1369 = tpu.memref_squeeze %dma_wait3A_1368 : memref<1x1024x32xf32, #tpu.memory_space<vmem>> -> memref<1024x32xf32, #tpu.memory_space<vmem>>
    %dma_wait3A_1370 = arith.constant 8192 : i32
    %dma_wait3A_1371 = tpu.memref_slice %arg5[%dma_wait3A_1370] : memref<13312xi32, #tpu.memory_space<vmem>> -> memref<1024xi32, #tpu.memory_space<vmem>>
    %dma_wait3A_1372 = arith.constant 0 : i32
    %dma_wait3A_1373 = arith.constant 0 : i32
    %dma_wait3A_1374 = tpu.memref_slice %arg2[%dma_wait3A_1372, %dma_wait3A_1373] : memref<2031616x32xf32, #tpu.memory_space<hbm>> -> memref<2031616x32xf32, #tpu.memory_space<hbm>>
    tpu.wait_indirect_dma semaphore(%arg7 : memref<!tpu.dma_semaphore, #tpu.memory_space<semaphore_mem>>) src(%dma_wait3A_1374 : memref<2031616x32xf32, #tpu.memory_space<hbm>>) dst(%dma_wait3A_1369 : memref<1024x32xf32, #tpu.memory_space<vmem>>)
    %dma_wait3A_1375 = arith.constant 0 : i32
    %dma_wait3A_1376 = arith.constant 0 : i32
    %dma_wait3A_1377 = arith.constant 0 : i32
    %dma_wait3A_1378 = tpu.memref_slice %arg6[%dma_wait3A_1375, %dma_wait3A_1376, %dma_wait3A_1377] : memref<2x1024x32xf32, #tpu.memory_space<vmem>> -> memref<1x1024x32xf32, #tpu.memory_space<vmem>>
    %dma_wait3A_1379 = tpu.memref_squeeze %dma_wait3A_1378 : memref<1x1024x32xf32, #tpu.memory_space<vmem>> -> memref<1024x32xf32, #tpu.memory_space<vmem>>
    %dma_wait3A_1380 = tpu.memref_slice %arg4[%add3A_1169, %mul3A_1171] : memref<106496x128xf32, #tpu.memory_space<hbm>> -> memref<1024x32xf32, #tpu.memory_space<hbm>>
    %dma_wait3A_1381 = tpu.memref_slice %arg4[%add3A_1169, %mul3A_1171] : memref<106496x128xf32, #tpu.memory_space<hbm>> -> memref<1024x32xf32, #tpu.memory_space<hbm>>
    %dma_wait3A_1382 = arith.constant 0 : i32
    %dma_wait3A_1383 = arith.constant 0 : i32
    %dma_wait3A_1384 = tpu.memref_slice %arg6[%dma_wait3A_1375, %dma_wait3A_1382, %dma_wait3A_1383] : memref<2x1024x32xf32, #tpu.memory_space<vmem>> -> memref<1x1024x32xf32, #tpu.memory_space<vmem>>
    %dma_wait3A_1385 = tpu.memref_squeeze %dma_wait3A_1384 : memref<1x1024x32xf32, #tpu.memory_space<vmem>> -> memref<1024x32xf32, #tpu.memory_space<vmem>>
    tpu.wait_dma2 semaphore(%arg8 : memref<!tpu.dma_semaphore, #tpu.memory_space<semaphore_mem>>) src(%dma_wait3A_1385 : memref<1024x32xf32, #tpu.memory_space<vmem>>) dst(%dma_wait3A_1381 : memref<1024x32xf32, #tpu.memory_space<hbm>>)
    %add3A_1386 = arith.constant 8192 : i32
    %add3A_1387 = arith.addi %mul3A_2, %add3A_1386 : i32
    %jit3A_1388 = arith.constant 16384 : i32
    %div3A_1389 = arith.divsi %add3A_1387, %jit3A_1388 : i32
    %sign3A_1390 = arith.constant 0 : i32
    %sign3A_1391 = arith.cmpi sgt, %add3A_1387, %sign3A_1390 : i32
    %sign3A_1392 = arith.extui %sign3A_1391 : i1 to i32
    %sign3A_1393 = arith.constant 0 : i32
    %sign3A_1394 = arith.cmpi slt, %add3A_1387, %sign3A_1393 : i32
    %sign3A_1395 = arith.extui %sign3A_1394 : i1 to i32
    %sign3A_1396 = arith.subi %sign3A_1392, %sign3A_1395 : i32
    %sign3A_1397 = arith.constant 0 : i32
    %sign3A_1398 = arith.cmpi sgt, %jit3A_1388, %sign3A_1397 : i32
    %sign3A_1399 = arith.extui %sign3A_1398 : i1 to i32
    %sign3A_1400 = arith.constant 0 : i32
    %sign3A_1401 = arith.cmpi slt, %jit3A_1388, %sign3A_1400 : i32
    %sign3A_1402 = arith.extui %sign3A_1401 : i1 to i32
    %sign3A_1403 = arith.subi %sign3A_1399, %sign3A_1402 : i32
    %ne3A_1404 = arith.cmpi ne, %sign3A_1396, %sign3A_1403 : i32
    %rem3A_1405 = arith.remsi %add3A_1387, %jit3A_1388 : i32
    %ne3A_1406 = arith.constant 0 : i32
    %ne3A_1407 = arith.cmpi ne, %rem3A_1405, %ne3A_1406 : i32
    %and3A_1408 = arith.andi %ne3A_1404, %ne3A_1407 : i1
    %sub3A_1409 = arith.constant 1 : i32
    %sub3A_1410 = arith.subi %div3A_1389, %sub3A_1409 : i32
    %select_n3A_1411 = arith.select %and3A_1408, %sub3A_1410, %div3A_1389 : i32
    %jit3A_1412 = arith.constant 16384 : i32
    %eq3A_1413 = arith.constant 0 : i32
    %eq3A_1414 = arith.cmpi eq, %jit3A_1412, %eq3A_1413 : i32
    %jit3A_1415 = arith.constant 1 : i32
    %select_n3A_1416 = arith.select %eq3A_1414, %jit3A_1415, %jit3A_1412 : i32
    %rem3A_1417 = arith.remsi %add3A_1387, %select_n3A_1416 : i32
    %ne3A_1418 = arith.constant 0 : i32
    %ne3A_1419 = arith.cmpi ne, %rem3A_1417, %ne3A_1418 : i32
    %lt3A_1420 = arith.constant 0 : i32
    %lt3A_1421 = arith.cmpi slt, %rem3A_1417, %lt3A_1420 : i32
    %lt3A_1422 = arith.constant 0 : i32
    %lt3A_1423 = arith.cmpi slt, %select_n3A_1416, %lt3A_1422 : i32
    %ne3A_1424 = arith.xori %lt3A_1421, %lt3A_1423 : i1
    %and3A_1425 = arith.andi %ne3A_1424, %ne3A_1419 : i1
    %add3A_1426 = arith.addi %rem3A_1417, %select_n3A_1416 : i32
    %select_n3A_1427 = arith.select %and3A_1425, %add3A_1426, %rem3A_1417 : i32
    %jit3A_1428 = arith.constant 16384 : i32
    %eq3A_1429 = arith.constant 0 : i32
    %eq3A_1430 = arith.cmpi eq, %jit3A_1428, %eq3A_1429 : i32
    %jit3A_1431 = arith.constant 1 : i32
    %select_n3A_1432 = arith.select %eq3A_1430, %jit3A_1431, %jit3A_1428 : i32
    %rem3A_1433 = arith.remsi %select_n3A_1427, %select_n3A_1432 : i32
    %ne3A_1434 = arith.constant 0 : i32
    %ne3A_1435 = arith.cmpi ne, %rem3A_1433, %ne3A_1434 : i32
    %lt3A_1436 = arith.constant 0 : i32
    %lt3A_1437 = arith.cmpi slt, %rem3A_1433, %lt3A_1436 : i32
    %lt3A_1438 = arith.constant 0 : i32
    %lt3A_1439 = arith.cmpi slt, %select_n3A_1432, %lt3A_1438 : i32
    %ne3A_1440 = arith.xori %lt3A_1437, %lt3A_1439 : i1
    %and3A_1441 = arith.andi %ne3A_1440, %ne3A_1435 : i1
    %add3A_1442 = arith.addi %rem3A_1433, %select_n3A_1432 : i32
    %select_n3A_1443 = arith.select %and3A_1441, %add3A_1442, %rem3A_1433 : i32
    %jit3A_1444 = arith.constant 4096 : i32
    %div3A_1445 = arith.divsi %select_n3A_1443, %jit3A_1444 : i32
    %sign3A_1446 = arith.constant 0 : i32
    %sign3A_1447 = arith.cmpi sgt, %select_n3A_1443, %sign3A_1446 : i32
    %sign3A_1448 = arith.extui %sign3A_1447 : i1 to i32
    %sign3A_1449 = arith.constant 0 : i32
    %sign3A_1450 = arith.cmpi slt, %select_n3A_1443, %sign3A_1449 : i32
    %sign3A_1451 = arith.extui %sign3A_1450 : i1 to i32
    %sign3A_1452 = arith.subi %sign3A_1448, %sign3A_1451 : i32
    %sign3A_1453 = arith.constant 0 : i32
    %sign3A_1454 = arith.cmpi sgt, %jit3A_1444, %sign3A_1453 : i32
    %sign3A_1455 = arith.extui %sign3A_1454 : i1 to i32
    %sign3A_1456 = arith.constant 0 : i32
    %sign3A_1457 = arith.cmpi slt, %jit3A_1444, %sign3A_1456 : i32
    %sign3A_1458 = arith.extui %sign3A_1457 : i1 to i32
    %sign3A_1459 = arith.subi %sign3A_1455, %sign3A_1458 : i32
    %ne3A_1460 = arith.cmpi ne, %sign3A_1452, %sign3A_1459 : i32
    %rem3A_1461 = arith.remsi %select_n3A_1443, %jit3A_1444 : i32
    %ne3A_1462 = arith.constant 0 : i32
    %ne3A_1463 = arith.cmpi ne, %rem3A_1461, %ne3A_1462 : i32
    %and3A_1464 = arith.andi %ne3A_1460, %ne3A_1463 : i1
    %sub3A_1465 = arith.constant 1 : i32
    %sub3A_1466 = arith.subi %div3A_1445, %sub3A_1465 : i32
    %select_n3A_1467 = arith.select %and3A_1464, %sub3A_1466, %div3A_1445 : i32
    %mul3A_1468 = arith.constant 4096 : i32
    %mul3A_1469 = arith.muli %select_n3A_1411, %mul3A_1468 : i32
    %jit3A_1470 = arith.constant 16384 : i32
    %div3A_1471 = arith.divsi %select_n3A_1427, %jit3A_1470 : i32
    %sign3A_1472 = arith.constant 0 : i32
    %sign3A_1473 = arith.cmpi sgt, %select_n3A_1427, %sign3A_1472 : i32
    %sign3A_1474 = arith.extui %sign3A_1473 : i1 to i32
    %sign3A_1475 = arith.constant 0 : i32
    %sign3A_1476 = arith.cmpi slt, %select_n3A_1427, %sign3A_1475 : i32
    %sign3A_1477 = arith.extui %sign3A_1476 : i1 to i32
    %sign3A_1478 = arith.subi %sign3A_1474, %sign3A_1477 : i32
    %sign3A_1479 = arith.constant 0 : i32
    %sign3A_1480 = arith.cmpi sgt, %jit3A_1470, %sign3A_1479 : i32
    %sign3A_1481 = arith.extui %sign3A_1480 : i1 to i32
    %sign3A_1482 = arith.constant 0 : i32
    %sign3A_1483 = arith.cmpi slt, %jit3A_1470, %sign3A_1482 : i32
    %sign3A_1484 = arith.extui %sign3A_1483 : i1 to i32
    %sign3A_1485 = arith.subi %sign3A_1481, %sign3A_1484 : i32
    %ne3A_1486 = arith.cmpi ne, %sign3A_1478, %sign3A_1485 : i32
    %rem3A_1487 = arith.remsi %select_n3A_1427, %jit3A_1470 : i32
    %ne3A_1488 = arith.constant 0 : i32
    %ne3A_1489 = arith.cmpi ne, %rem3A_1487, %ne3A_1488 : i32
    %and3A_1490 = arith.andi %ne3A_1486, %ne3A_1489 : i1
    %sub3A_1491 = arith.constant 1 : i32
    %sub3A_1492 = arith.subi %div3A_1471, %sub3A_1491 : i32
    %select_n3A_1493 = arith.select %and3A_1490, %sub3A_1492, %div3A_1471 : i32
    %mul3A_1494 = arith.constant 4096 : i32
    %mul3A_1495 = arith.muli %select_n3A_1493, %mul3A_1494 : i32
    %add3A_1496 = arith.addi %mul3A_1469, %mul3A_1495 : i32
    %jit3A_1497 = arith.constant 4096 : i32
    %eq3A_1498 = arith.constant 0 : i32
    %eq3A_1499 = arith.cmpi eq, %jit3A_1497, %eq3A_1498 : i32
    %jit3A_1500 = arith.constant 1 : i32
    %select_n3A_1501 = arith.select %eq3A_1499, %jit3A_1500, %jit3A_1497 : i32
    %rem3A_1502 = arith.remsi %select_n3A_1427, %select_n3A_1501 : i32
    %ne3A_1503 = arith.constant 0 : i32
    %ne3A_1504 = arith.cmpi ne, %rem3A_1502, %ne3A_1503 : i32
    %lt3A_1505 = arith.constant 0 : i32
    %lt3A_1506 = arith.cmpi slt, %rem3A_1502, %lt3A_1505 : i32
    %lt3A_1507 = arith.constant 0 : i32
    %lt3A_1508 = arith.cmpi slt, %select_n3A_1501, %lt3A_1507 : i32
    %ne3A_1509 = arith.xori %lt3A_1506, %lt3A_1508 : i1
    %and3A_1510 = arith.andi %ne3A_1509, %ne3A_1504 : i1
    %add3A_1511 = arith.addi %rem3A_1502, %select_n3A_1501 : i32
    %select_n3A_1512 = arith.select %and3A_1510, %add3A_1511, %rem3A_1502 : i32
    %add3A_1513 = arith.addi %add3A_1496, %select_n3A_1512 : i32
    %mul3A_1514 = arith.constant 32 : i32
    %mul3A_1515 = arith.muli %mul3A_1514, %select_n3A_1467 : i32
    %dma_start3A_1516 = arith.constant 0 : i32
    %dma_start3A_1517 = arith.constant 0 : i32
    %dma_start3A_1518 = arith.constant 0 : i32
    %dma_start3A_1519 = tpu.memref_slice %arg6[%dma_start3A_1516, %dma_start3A_1517, %dma_start3A_1518] : memref<2x1024x32xf32, #tpu.memory_space<vmem>> -> memref<1x1024x32xf32, #tpu.memory_space<vmem>>
    %dma_start3A_1520 = tpu.memref_squeeze %dma_start3A_1519 : memref<1x1024x32xf32, #tpu.memory_space<vmem>> -> memref<1024x32xf32, #tpu.memory_space<vmem>>
    %dma_start3A_1521 = tpu.memref_slice %arg4[%add3A_1513, %mul3A_1515] : memref<106496x128xf32, #tpu.memory_space<hbm>> -> memref<1024x32xf32, #tpu.memory_space<hbm>>
    %dma_start3A_1522 = tpu.memref_slice %arg4[%add3A_1513, %mul3A_1515] : memref<106496x128xf32, #tpu.memory_space<hbm>> -> memref<1024x32xf32, #tpu.memory_space<hbm>>
    %dma_start3A_1523 = arith.constant 0 : i32
    %dma_start3A_1524 = arith.constant 0 : i32
    %dma_start3A_1525 = tpu.memref_slice %arg6[%dma_start3A_1516, %dma_start3A_1523, %dma_start3A_1524] : memref<2x1024x32xf32, #tpu.memory_space<vmem>> -> memref<1x1024x32xf32, #tpu.memory_space<vmem>>
    %dma_start3A_1526 = tpu.memref_squeeze %dma_start3A_1525 : memref<1x1024x32xf32, #tpu.memory_space<vmem>> -> memref<1024x32xf32, #tpu.memory_space<vmem>>
    tpu.enqueue_dma source(%dma_start3A_1526 : memref<1024x32xf32, #tpu.memory_space<vmem>>) target(%dma_start3A_1522 : memref<1024x32xf32, #tpu.memory_space<hbm>>) target_semaphore(%arg8 : memref<!tpu.dma_semaphore, #tpu.memory_space<semaphore_mem>>)
    %dma_start3A_1527 = arith.constant 0 : i32
    %dma_start3A_1528 = arith.constant 0 : i32
    %dma_start3A_1529 = arith.constant 0 : i32
    %dma_start3A_1530 = tpu.memref_slice %arg6[%dma_start3A_1527, %dma_start3A_1528, %dma_start3A_1529] : memref<2x1024x32xf32, #tpu.memory_space<vmem>> -> memref<1x1024x32xf32, #tpu.memory_space<vmem>>
    %dma_start3A_1531 = tpu.memref_squeeze %dma_start3A_1530 : memref<1x1024x32xf32, #tpu.memory_space<vmem>> -> memref<1024x32xf32, #tpu.memory_space<vmem>>
    %dma_start3A_1532 = arith.constant 10240 : i32
    %dma_start3A_1533 = tpu.memref_slice %arg5[%dma_start3A_1532] : memref<13312xi32, #tpu.memory_space<vmem>> -> memref<1024xi32, #tpu.memory_space<vmem>>
    %dma_start3A_1534 = arith.constant 0 : i32
    %dma_start3A_1535 = arith.constant 0 : i32
    %dma_start3A_1536 = tpu.memref_slice %arg2[%dma_start3A_1534, %dma_start3A_1535] : memref<2031616x32xf32, #tpu.memory_space<hbm>> -> memref<2031616x32xf32, #tpu.memory_space<hbm>>
    tpu.enqueue_indirect_dma source(%dma_start3A_1536 : memref<2031616x32xf32, #tpu.memory_space<hbm>>) target(%dma_start3A_1531 : memref<1024x32xf32, #tpu.memory_space<vmem>>) offsets(%dma_start3A_1533 : memref<1024xi32, #tpu.memory_space<vmem>>) semaphore(%arg7 : memref<!tpu.dma_semaphore, #tpu.memory_space<semaphore_mem>>)
    %dma_wait3A_1537 = arith.constant 1 : i32
    %dma_wait3A_1538 = arith.constant 0 : i32
    %dma_wait3A_1539 = arith.constant 0 : i32
    %dma_wait3A_1540 = tpu.memref_slice %arg6[%dma_wait3A_1537, %dma_wait3A_1538, %dma_wait3A_1539] : memref<2x1024x32xf32, #tpu.memory_space<vmem>> -> memref<1x1024x32xf32, #tpu.memory_space<vmem>>
    %dma_wait3A_1541 = tpu.memref_squeeze %dma_wait3A_1540 : memref<1x1024x32xf32, #tpu.memory_space<vmem>> -> memref<1024x32xf32, #tpu.memory_space<vmem>>
    %dma_wait3A_1542 = arith.constant 9216 : i32
    %dma_wait3A_1543 = tpu.memref_slice %arg5[%dma_wait3A_1542] : memref<13312xi32, #tpu.memory_space<vmem>> -> memref<1024xi32, #tpu.memory_space<vmem>>
    %dma_wait3A_1544 = arith.constant 0 : i32
    %dma_wait3A_1545 = arith.constant 0 : i32
    %dma_wait3A_1546 = tpu.memref_slice %arg2[%dma_wait3A_1544, %dma_wait3A_1545] : memref<2031616x32xf32, #tpu.memory_space<hbm>> -> memref<2031616x32xf32, #tpu.memory_space<hbm>>
    tpu.wait_indirect_dma semaphore(%arg7 : memref<!tpu.dma_semaphore, #tpu.memory_space<semaphore_mem>>) src(%dma_wait3A_1546 : memref<2031616x32xf32, #tpu.memory_space<hbm>>) dst(%dma_wait3A_1541 : memref<1024x32xf32, #tpu.memory_space<vmem>>)
    %dma_wait3A_1547 = arith.constant 1 : i32
    %dma_wait3A_1548 = arith.constant 0 : i32
    %dma_wait3A_1549 = arith.constant 0 : i32
    %dma_wait3A_1550 = tpu.memref_slice %arg6[%dma_wait3A_1547, %dma_wait3A_1548, %dma_wait3A_1549] : memref<2x1024x32xf32, #tpu.memory_space<vmem>> -> memref<1x1024x32xf32, #tpu.memory_space<vmem>>
    %dma_wait3A_1551 = tpu.memref_squeeze %dma_wait3A_1550 : memref<1x1024x32xf32, #tpu.memory_space<vmem>> -> memref<1024x32xf32, #tpu.memory_space<vmem>>
    %dma_wait3A_1552 = tpu.memref_slice %arg4[%add3A_1341, %mul3A_1343] : memref<106496x128xf32, #tpu.memory_space<hbm>> -> memref<1024x32xf32, #tpu.memory_space<hbm>>
    %dma_wait3A_1553 = tpu.memref_slice %arg4[%add3A_1341, %mul3A_1343] : memref<106496x128xf32, #tpu.memory_space<hbm>> -> memref<1024x32xf32, #tpu.memory_space<hbm>>
    %dma_wait3A_1554 = arith.constant 0 : i32
    %dma_wait3A_1555 = arith.constant 0 : i32
    %dma_wait3A_1556 = tpu.memref_slice %arg6[%dma_wait3A_1547, %dma_wait3A_1554, %dma_wait3A_1555] : memref<2x1024x32xf32, #tpu.memory_space<vmem>> -> memref<1x1024x32xf32, #tpu.memory_space<vmem>>
    %dma_wait3A_1557 = tpu.memref_squeeze %dma_wait3A_1556 : memref<1x1024x32xf32, #tpu.memory_space<vmem>> -> memref<1024x32xf32, #tpu.memory_space<vmem>>
    tpu.wait_dma2 semaphore(%arg8 : memref<!tpu.dma_semaphore, #tpu.memory_space<semaphore_mem>>) src(%dma_wait3A_1557 : memref<1024x32xf32, #tpu.memory_space<vmem>>) dst(%dma_wait3A_1553 : memref<1024x32xf32, #tpu.memory_space<hbm>>)
    %add3A_1558 = arith.constant 9216 : i32
    %add3A_1559 = arith.addi %mul3A_2, %add3A_1558 : i32
    %jit3A_1560 = arith.constant 16384 : i32
    %div3A_1561 = arith.divsi %add3A_1559, %jit3A_1560 : i32
    %sign3A_1562 = arith.constant 0 : i32
    %sign3A_1563 = arith.cmpi sgt, %add3A_1559, %sign3A_1562 : i32
    %sign3A_1564 = arith.extui %sign3A_1563 : i1 to i32
    %sign3A_1565 = arith.constant 0 : i32
    %sign3A_1566 = arith.cmpi slt, %add3A_1559, %sign3A_1565 : i32
    %sign3A_1567 = arith.extui %sign3A_1566 : i1 to i32
    %sign3A_1568 = arith.subi %sign3A_1564, %sign3A_1567 : i32
    %sign3A_1569 = arith.constant 0 : i32
    %sign3A_1570 = arith.cmpi sgt, %jit3A_1560, %sign3A_1569 : i32
    %sign3A_1571 = arith.extui %sign3A_1570 : i1 to i32
    %sign3A_1572 = arith.constant 0 : i32
    %sign3A_1573 = arith.cmpi slt, %jit3A_1560, %sign3A_1572 : i32
    %sign3A_1574 = arith.extui %sign3A_1573 : i1 to i32
    %sign3A_1575 = arith.subi %sign3A_1571, %sign3A_1574 : i32
    %ne3A_1576 = arith.cmpi ne, %sign3A_1568, %sign3A_1575 : i32
    %rem3A_1577 = arith.remsi %add3A_1559, %jit3A_1560 : i32
    %ne3A_1578 = arith.constant 0 : i32
    %ne3A_1579 = arith.cmpi ne, %rem3A_1577, %ne3A_1578 : i32
    %and3A_1580 = arith.andi %ne3A_1576, %ne3A_1579 : i1
    %sub3A_1581 = arith.constant 1 : i32
    %sub3A_1582 = arith.subi %div3A_1561, %sub3A_1581 : i32
    %select_n3A_1583 = arith.select %and3A_1580, %sub3A_1582, %div3A_1561 : i32
    %jit3A_1584 = arith.constant 16384 : i32
    %eq3A_1585 = arith.constant 0 : i32
    %eq3A_1586 = arith.cmpi eq, %jit3A_1584, %eq3A_1585 : i32
    %jit3A_1587 = arith.constant 1 : i32
    %select_n3A_1588 = arith.select %eq3A_1586, %jit3A_1587, %jit3A_1584 : i32
    %rem3A_1589 = arith.remsi %add3A_1559, %select_n3A_1588 : i32
    %ne3A_1590 = arith.constant 0 : i32
    %ne3A_1591 = arith.cmpi ne, %rem3A_1589, %ne3A_1590 : i32
    %lt3A_1592 = arith.constant 0 : i32
    %lt3A_1593 = arith.cmpi slt, %rem3A_1589, %lt3A_1592 : i32
    %lt3A_1594 = arith.constant 0 : i32
    %lt3A_1595 = arith.cmpi slt, %select_n3A_1588, %lt3A_1594 : i32
    %ne3A_1596 = arith.xori %lt3A_1593, %lt3A_1595 : i1
    %and3A_1597 = arith.andi %ne3A_1596, %ne3A_1591 : i1
    %add3A_1598 = arith.addi %rem3A_1589, %select_n3A_1588 : i32
    %select_n3A_1599 = arith.select %and3A_1597, %add3A_1598, %rem3A_1589 : i32
    %jit3A_1600 = arith.constant 16384 : i32
    %eq3A_1601 = arith.constant 0 : i32
    %eq3A_1602 = arith.cmpi eq, %jit3A_1600, %eq3A_1601 : i32
    %jit3A_1603 = arith.constant 1 : i32
    %select_n3A_1604 = arith.select %eq3A_1602, %jit3A_1603, %jit3A_1600 : i32
    %rem3A_1605 = arith.remsi %select_n3A_1599, %select_n3A_1604 : i32
    %ne3A_1606 = arith.constant 0 : i32
    %ne3A_1607 = arith.cmpi ne, %rem3A_1605, %ne3A_1606 : i32
    %lt3A_1608 = arith.constant 0 : i32
    %lt3A_1609 = arith.cmpi slt, %rem3A_1605, %lt3A_1608 : i32
    %lt3A_1610 = arith.constant 0 : i32
    %lt3A_1611 = arith.cmpi slt, %select_n3A_1604, %lt3A_1610 : i32
    %ne3A_1612 = arith.xori %lt3A_1609, %lt3A_1611 : i1
    %and3A_1613 = arith.andi %ne3A_1612, %ne3A_1607 : i1
    %add3A_1614 = arith.addi %rem3A_1605, %select_n3A_1604 : i32
    %select_n3A_1615 = arith.select %and3A_1613, %add3A_1614, %rem3A_1605 : i32
    %jit3A_1616 = arith.constant 4096 : i32
    %div3A_1617 = arith.divsi %select_n3A_1615, %jit3A_1616 : i32
    %sign3A_1618 = arith.constant 0 : i32
    %sign3A_1619 = arith.cmpi sgt, %select_n3A_1615, %sign3A_1618 : i32
    %sign3A_1620 = arith.extui %sign3A_1619 : i1 to i32
    %sign3A_1621 = arith.constant 0 : i32
    %sign3A_1622 = arith.cmpi slt, %select_n3A_1615, %sign3A_1621 : i32
    %sign3A_1623 = arith.extui %sign3A_1622 : i1 to i32
    %sign3A_1624 = arith.subi %sign3A_1620, %sign3A_1623 : i32
    %sign3A_1625 = arith.constant 0 : i32
    %sign3A_1626 = arith.cmpi sgt, %jit3A_1616, %sign3A_1625 : i32
    %sign3A_1627 = arith.extui %sign3A_1626 : i1 to i32
    %sign3A_1628 = arith.constant 0 : i32
    %sign3A_1629 = arith.cmpi slt, %jit3A_1616, %sign3A_1628 : i32
    %sign3A_1630 = arith.extui %sign3A_1629 : i1 to i32
    %sign3A_1631 = arith.subi %sign3A_1627, %sign3A_1630 : i32
    %ne3A_1632 = arith.cmpi ne, %sign3A_1624, %sign3A_1631 : i32
    %rem3A_1633 = arith.remsi %select_n3A_1615, %jit3A_1616 : i32
    %ne3A_1634 = arith.constant 0 : i32
    %ne3A_1635 = arith.cmpi ne, %rem3A_1633, %ne3A_1634 : i32
    %and3A_1636 = arith.andi %ne3A_1632, %ne3A_1635 : i1
    %sub3A_1637 = arith.constant 1 : i32
    %sub3A_1638 = arith.subi %div3A_1617, %sub3A_1637 : i32
    %select_n3A_1639 = arith.select %and3A_1636, %sub3A_1638, %div3A_1617 : i32
    %mul3A_1640 = arith.constant 4096 : i32
    %mul3A_1641 = arith.muli %select_n3A_1583, %mul3A_1640 : i32
    %jit3A_1642 = arith.constant 16384 : i32
    %div3A_1643 = arith.divsi %select_n3A_1599, %jit3A_1642 : i32
    %sign3A_1644 = arith.constant 0 : i32
    %sign3A_1645 = arith.cmpi sgt, %select_n3A_1599, %sign3A_1644 : i32
    %sign3A_1646 = arith.extui %sign3A_1645 : i1 to i32
    %sign3A_1647 = arith.constant 0 : i32
    %sign3A_1648 = arith.cmpi slt, %select_n3A_1599, %sign3A_1647 : i32
    %sign3A_1649 = arith.extui %sign3A_1648 : i1 to i32
    %sign3A_1650 = arith.subi %sign3A_1646, %sign3A_1649 : i32
    %sign3A_1651 = arith.constant 0 : i32
    %sign3A_1652 = arith.cmpi sgt, %jit3A_1642, %sign3A_1651 : i32
    %sign3A_1653 = arith.extui %sign3A_1652 : i1 to i32
    %sign3A_1654 = arith.constant 0 : i32
    %sign3A_1655 = arith.cmpi slt, %jit3A_1642, %sign3A_1654 : i32
    %sign3A_1656 = arith.extui %sign3A_1655 : i1 to i32
    %sign3A_1657 = arith.subi %sign3A_1653, %sign3A_1656 : i32
    %ne3A_1658 = arith.cmpi ne, %sign3A_1650, %sign3A_1657 : i32
    %rem3A_1659 = arith.remsi %select_n3A_1599, %jit3A_1642 : i32
    %ne3A_1660 = arith.constant 0 : i32
    %ne3A_1661 = arith.cmpi ne, %rem3A_1659, %ne3A_1660 : i32
    %and3A_1662 = arith.andi %ne3A_1658, %ne3A_1661 : i1
    %sub3A_1663 = arith.constant 1 : i32
    %sub3A_1664 = arith.subi %div3A_1643, %sub3A_1663 : i32
    %select_n3A_1665 = arith.select %and3A_1662, %sub3A_1664, %div3A_1643 : i32
    %mul3A_1666 = arith.constant 4096 : i32
    %mul3A_1667 = arith.muli %select_n3A_1665, %mul3A_1666 : i32
    %add3A_1668 = arith.addi %mul3A_1641, %mul3A_1667 : i32
    %jit3A_1669 = arith.constant 4096 : i32
    %eq3A_1670 = arith.constant 0 : i32
    %eq3A_1671 = arith.cmpi eq, %jit3A_1669, %eq3A_1670 : i32
    %jit3A_1672 = arith.constant 1 : i32
    %select_n3A_1673 = arith.select %eq3A_1671, %jit3A_1672, %jit3A_1669 : i32
    %rem3A_1674 = arith.remsi %select_n3A_1599, %select_n3A_1673 : i32
    %ne3A_1675 = arith.constant 0 : i32
    %ne3A_1676 = arith.cmpi ne, %rem3A_1674, %ne3A_1675 : i32
    %lt3A_1677 = arith.constant 0 : i32
    %lt3A_1678 = arith.cmpi slt, %rem3A_1674, %lt3A_1677 : i32
    %lt3A_1679 = arith.constant 0 : i32
    %lt3A_1680 = arith.cmpi slt, %select_n3A_1673, %lt3A_1679 : i32
    %ne3A_1681 = arith.xori %lt3A_1678, %lt3A_1680 : i1
    %and3A_1682 = arith.andi %ne3A_1681, %ne3A_1676 : i1
    %add3A_1683 = arith.addi %rem3A_1674, %select_n3A_1673 : i32
    %select_n3A_1684 = arith.select %and3A_1682, %add3A_1683, %rem3A_1674 : i32
    %add3A_1685 = arith.addi %add3A_1668, %select_n3A_1684 : i32
    %mul3A_1686 = arith.constant 32 : i32
    %mul3A_1687 = arith.muli %mul3A_1686, %select_n3A_1639 : i32
    %dma_start3A_1688 = arith.constant 1 : i32
    %dma_start3A_1689 = arith.constant 0 : i32
    %dma_start3A_1690 = arith.constant 0 : i32
    %dma_start3A_1691 = tpu.memref_slice %arg6[%dma_start3A_1688, %dma_start3A_1689, %dma_start3A_1690] : memref<2x1024x32xf32, #tpu.memory_space<vmem>> -> memref<1x1024x32xf32, #tpu.memory_space<vmem>>
    %dma_start3A_1692 = tpu.memref_squeeze %dma_start3A_1691 : memref<1x1024x32xf32, #tpu.memory_space<vmem>> -> memref<1024x32xf32, #tpu.memory_space<vmem>>
    %dma_start3A_1693 = tpu.memref_slice %arg4[%add3A_1685, %mul3A_1687] : memref<106496x128xf32, #tpu.memory_space<hbm>> -> memref<1024x32xf32, #tpu.memory_space<hbm>>
    %dma_start3A_1694 = tpu.memref_slice %arg4[%add3A_1685, %mul3A_1687] : memref<106496x128xf32, #tpu.memory_space<hbm>> -> memref<1024x32xf32, #tpu.memory_space<hbm>>
    %dma_start3A_1695 = arith.constant 0 : i32
    %dma_start3A_1696 = arith.constant 0 : i32
    %dma_start3A_1697 = tpu.memref_slice %arg6[%dma_start3A_1688, %dma_start3A_1695, %dma_start3A_1696] : memref<2x1024x32xf32, #tpu.memory_space<vmem>> -> memref<1x1024x32xf32, #tpu.memory_space<vmem>>
    %dma_start3A_1698 = tpu.memref_squeeze %dma_start3A_1697 : memref<1x1024x32xf32, #tpu.memory_space<vmem>> -> memref<1024x32xf32, #tpu.memory_space<vmem>>
    tpu.enqueue_dma source(%dma_start3A_1698 : memref<1024x32xf32, #tpu.memory_space<vmem>>) target(%dma_start3A_1694 : memref<1024x32xf32, #tpu.memory_space<hbm>>) target_semaphore(%arg8 : memref<!tpu.dma_semaphore, #tpu.memory_space<semaphore_mem>>)
    %dma_start3A_1699 = arith.constant 1 : i32
    %dma_start3A_1700 = arith.constant 0 : i32
    %dma_start3A_1701 = arith.constant 0 : i32
    %dma_start3A_1702 = tpu.memref_slice %arg6[%dma_start3A_1699, %dma_start3A_1700, %dma_start3A_1701] : memref<2x1024x32xf32, #tpu.memory_space<vmem>> -> memref<1x1024x32xf32, #tpu.memory_space<vmem>>
    %dma_start3A_1703 = tpu.memref_squeeze %dma_start3A_1702 : memref<1x1024x32xf32, #tpu.memory_space<vmem>> -> memref<1024x32xf32, #tpu.memory_space<vmem>>
    %dma_start3A_1704 = arith.constant 11264 : i32
    %dma_start3A_1705 = tpu.memref_slice %arg5[%dma_start3A_1704] : memref<13312xi32, #tpu.memory_space<vmem>> -> memref<1024xi32, #tpu.memory_space<vmem>>
    %dma_start3A_1706 = arith.constant 0 : i32
    %dma_start3A_1707 = arith.constant 0 : i32
    %dma_start3A_1708 = tpu.memref_slice %arg2[%dma_start3A_1706, %dma_start3A_1707] : memref<2031616x32xf32, #tpu.memory_space<hbm>> -> memref<2031616x32xf32, #tpu.memory_space<hbm>>
    tpu.enqueue_indirect_dma source(%dma_start3A_1708 : memref<2031616x32xf32, #tpu.memory_space<hbm>>) target(%dma_start3A_1703 : memref<1024x32xf32, #tpu.memory_space<vmem>>) offsets(%dma_start3A_1705 : memref<1024xi32, #tpu.memory_space<vmem>>) semaphore(%arg7 : memref<!tpu.dma_semaphore, #tpu.memory_space<semaphore_mem>>)
    %dma_wait3A_1709 = arith.constant 0 : i32
    %dma_wait3A_1710 = arith.constant 0 : i32
    %dma_wait3A_1711 = arith.constant 0 : i32
    %dma_wait3A_1712 = tpu.memref_slice %arg6[%dma_wait3A_1709, %dma_wait3A_1710, %dma_wait3A_1711] : memref<2x1024x32xf32, #tpu.memory_space<vmem>> -> memref<1x1024x32xf32, #tpu.memory_space<vmem>>
    %dma_wait3A_1713 = tpu.memref_squeeze %dma_wait3A_1712 : memref<1x1024x32xf32, #tpu.memory_space<vmem>> -> memref<1024x32xf32, #tpu.memory_space<vmem>>
    %dma_wait3A_1714 = arith.constant 10240 : i32
    %dma_wait3A_1715 = tpu.memref_slice %arg5[%dma_wait3A_1714] : memref<13312xi32, #tpu.memory_space<vmem>> -> memref<1024xi32, #tpu.memory_space<vmem>>
    %dma_wait3A_1716 = arith.constant 0 : i32
    %dma_wait3A_1717 = arith.constant 0 : i32
    %dma_wait3A_1718 = tpu.memref_slice %arg2[%dma_wait3A_1716, %dma_wait3A_1717] : memref<2031616x32xf32, #tpu.memory_space<hbm>> -> memref<2031616x32xf32, #tpu.memory_space<hbm>>
    tpu.wait_indirect_dma semaphore(%arg7 : memref<!tpu.dma_semaphore, #tpu.memory_space<semaphore_mem>>) src(%dma_wait3A_1718 : memref<2031616x32xf32, #tpu.memory_space<hbm>>) dst(%dma_wait3A_1713 : memref<1024x32xf32, #tpu.memory_space<vmem>>)
    %dma_wait3A_1719 = arith.constant 0 : i32
    %dma_wait3A_1720 = arith.constant 0 : i32
    %dma_wait3A_1721 = arith.constant 0 : i32
    %dma_wait3A_1722 = tpu.memref_slice %arg6[%dma_wait3A_1719, %dma_wait3A_1720, %dma_wait3A_1721] : memref<2x1024x32xf32, #tpu.memory_space<vmem>> -> memref<1x1024x32xf32, #tpu.memory_space<vmem>>
    %dma_wait3A_1723 = tpu.memref_squeeze %dma_wait3A_1722 : memref<1x1024x32xf32, #tpu.memory_space<vmem>> -> memref<1024x32xf32, #tpu.memory_space<vmem>>
    %dma_wait3A_1724 = tpu.memref_slice %arg4[%add3A_1513, %mul3A_1515] : memref<106496x128xf32, #tpu.memory_space<hbm>> -> memref<1024x32xf32, #tpu.memory_space<hbm>>
    %dma_wait3A_1725 = tpu.memref_slice %arg4[%add3A_1513, %mul3A_1515] : memref<106496x128xf32, #tpu.memory_space<hbm>> -> memref<1024x32xf32, #tpu.memory_space<hbm>>
    %dma_wait3A_1726 = arith.constant 0 : i32
    %dma_wait3A_1727 = arith.constant 0 : i32
    %dma_wait3A_1728 = tpu.memref_slice %arg6[%dma_wait3A_1719, %dma_wait3A_1726, %dma_wait3A_1727] : memref<2x1024x32xf32, #tpu.memory_space<vmem>> -> memref<1x1024x32xf32, #tpu.memory_space<vmem>>
    %dma_wait3A_1729 = tpu.memref_squeeze %dma_wait3A_1728 : memref<1x1024x32xf32, #tpu.memory_space<vmem>> -> memref<1024x32xf32, #tpu.memory_space<vmem>>
    tpu.wait_dma2 semaphore(%arg8 : memref<!tpu.dma_semaphore, #tpu.memory_space<semaphore_mem>>) src(%dma_wait3A_1729 : memref<1024x32xf32, #tpu.memory_space<vmem>>) dst(%dma_wait3A_1725 : memref<1024x32xf32, #tpu.memory_space<hbm>>)
    %add3A_1730 = arith.constant 10240 : i32
    %add3A_1731 = arith.addi %mul3A_2, %add3A_1730 : i32
    %jit3A_1732 = arith.constant 16384 : i32
    %div3A_1733 = arith.divsi %add3A_1731, %jit3A_1732 : i32
    %sign3A_1734 = arith.constant 0 : i32
    %sign3A_1735 = arith.cmpi sgt, %add3A_1731, %sign3A_1734 : i32
    %sign3A_1736 = arith.extui %sign3A_1735 : i1 to i32
    %sign3A_1737 = arith.constant 0 : i32
    %sign3A_1738 = arith.cmpi slt, %add3A_1731, %sign3A_1737 : i32
    %sign3A_1739 = arith.extui %sign3A_1738 : i1 to i32
    %sign3A_1740 = arith.subi %sign3A_1736, %sign3A_1739 : i32
    %sign3A_1741 = arith.constant 0 : i32
    %sign3A_1742 = arith.cmpi sgt, %jit3A_1732, %sign3A_1741 : i32
    %sign3A_1743 = arith.extui %sign3A_1742 : i1 to i32
    %sign3A_1744 = arith.constant 0 : i32
    %sign3A_1745 = arith.cmpi slt, %jit3A_1732, %sign3A_1744 : i32
    %sign3A_1746 = arith.extui %sign3A_1745 : i1 to i32
    %sign3A_1747 = arith.subi %sign3A_1743, %sign3A_1746 : i32
    %ne3A_1748 = arith.cmpi ne, %sign3A_1740, %sign3A_1747 : i32
    %rem3A_1749 = arith.remsi %add3A_1731, %jit3A_1732 : i32
    %ne3A_1750 = arith.constant 0 : i32
    %ne3A_1751 = arith.cmpi ne, %rem3A_1749, %ne3A_1750 : i32
    %and3A_1752 = arith.andi %ne3A_1748, %ne3A_1751 : i1
    %sub3A_1753 = arith.constant 1 : i32
    %sub3A_1754 = arith.subi %div3A_1733, %sub3A_1753 : i32
    %select_n3A_1755 = arith.select %and3A_1752, %sub3A_1754, %div3A_1733 : i32
    %jit3A_1756 = arith.constant 16384 : i32
    %eq3A_1757 = arith.constant 0 : i32
    %eq3A_1758 = arith.cmpi eq, %jit3A_1756, %eq3A_1757 : i32
    %jit3A_1759 = arith.constant 1 : i32
    %select_n3A_1760 = arith.select %eq3A_1758, %jit3A_1759, %jit3A_1756 : i32
    %rem3A_1761 = arith.remsi %add3A_1731, %select_n3A_1760 : i32
    %ne3A_1762 = arith.constant 0 : i32
    %ne3A_1763 = arith.cmpi ne, %rem3A_1761, %ne3A_1762 : i32
    %lt3A_1764 = arith.constant 0 : i32
    %lt3A_1765 = arith.cmpi slt, %rem3A_1761, %lt3A_1764 : i32
    %lt3A_1766 = arith.constant 0 : i32
    %lt3A_1767 = arith.cmpi slt, %select_n3A_1760, %lt3A_1766 : i32
    %ne3A_1768 = arith.xori %lt3A_1765, %lt3A_1767 : i1
    %and3A_1769 = arith.andi %ne3A_1768, %ne3A_1763 : i1
    %add3A_1770 = arith.addi %rem3A_1761, %select_n3A_1760 : i32
    %select_n3A_1771 = arith.select %and3A_1769, %add3A_1770, %rem3A_1761 : i32
    %jit3A_1772 = arith.constant 16384 : i32
    %eq3A_1773 = arith.constant 0 : i32
    %eq3A_1774 = arith.cmpi eq, %jit3A_1772, %eq3A_1773 : i32
    %jit3A_1775 = arith.constant 1 : i32
    %select_n3A_1776 = arith.select %eq3A_1774, %jit3A_1775, %jit3A_1772 : i32
    %rem3A_1777 = arith.remsi %select_n3A_1771, %select_n3A_1776 : i32
    %ne3A_1778 = arith.constant 0 : i32
    %ne3A_1779 = arith.cmpi ne, %rem3A_1777, %ne3A_1778 : i32
    %lt3A_1780 = arith.constant 0 : i32
    %lt3A_1781 = arith.cmpi slt, %rem3A_1777, %lt3A_1780 : i32
    %lt3A_1782 = arith.constant 0 : i32
    %lt3A_1783 = arith.cmpi slt, %select_n3A_1776, %lt3A_1782 : i32
    %ne3A_1784 = arith.xori %lt3A_1781, %lt3A_1783 : i1
    %and3A_1785 = arith.andi %ne3A_1784, %ne3A_1779 : i1
    %add3A_1786 = arith.addi %rem3A_1777, %select_n3A_1776 : i32
    %select_n3A_1787 = arith.select %and3A_1785, %add3A_1786, %rem3A_1777 : i32
    %jit3A_1788 = arith.constant 4096 : i32
    %div3A_1789 = arith.divsi %select_n3A_1787, %jit3A_1788 : i32
    %sign3A_1790 = arith.constant 0 : i32
    %sign3A_1791 = arith.cmpi sgt, %select_n3A_1787, %sign3A_1790 : i32
    %sign3A_1792 = arith.extui %sign3A_1791 : i1 to i32
    %sign3A_1793 = arith.constant 0 : i32
    %sign3A_1794 = arith.cmpi slt, %select_n3A_1787, %sign3A_1793 : i32
    %sign3A_1795 = arith.extui %sign3A_1794 : i1 to i32
    %sign3A_1796 = arith.subi %sign3A_1792, %sign3A_1795 : i32
    %sign3A_1797 = arith.constant 0 : i32
    %sign3A_1798 = arith.cmpi sgt, %jit3A_1788, %sign3A_1797 : i32
    %sign3A_1799 = arith.extui %sign3A_1798 : i1 to i32
    %sign3A_1800 = arith.constant 0 : i32
    %sign3A_1801 = arith.cmpi slt, %jit3A_1788, %sign3A_1800 : i32
    %sign3A_1802 = arith.extui %sign3A_1801 : i1 to i32
    %sign3A_1803 = arith.subi %sign3A_1799, %sign3A_1802 : i32
    %ne3A_1804 = arith.cmpi ne, %sign3A_1796, %sign3A_1803 : i32
    %rem3A_1805 = arith.remsi %select_n3A_1787, %jit3A_1788 : i32
    %ne3A_1806 = arith.constant 0 : i32
    %ne3A_1807 = arith.cmpi ne, %rem3A_1805, %ne3A_1806 : i32
    %and3A_1808 = arith.andi %ne3A_1804, %ne3A_1807 : i1
    %sub3A_1809 = arith.constant 1 : i32
    %sub3A_1810 = arith.subi %div3A_1789, %sub3A_1809 : i32
    %select_n3A_1811 = arith.select %and3A_1808, %sub3A_1810, %div3A_1789 : i32
    %mul3A_1812 = arith.constant 4096 : i32
    %mul3A_1813 = arith.muli %select_n3A_1755, %mul3A_1812 : i32
    %jit3A_1814 = arith.constant 16384 : i32
    %div3A_1815 = arith.divsi %select_n3A_1771, %jit3A_1814 : i32
    %sign3A_1816 = arith.constant 0 : i32
    %sign3A_1817 = arith.cmpi sgt, %select_n3A_1771, %sign3A_1816 : i32
    %sign3A_1818 = arith.extui %sign3A_1817 : i1 to i32
    %sign3A_1819 = arith.constant 0 : i32
    %sign3A_1820 = arith.cmpi slt, %select_n3A_1771, %sign3A_1819 : i32
    %sign3A_1821 = arith.extui %sign3A_1820 : i1 to i32
    %sign3A_1822 = arith.subi %sign3A_1818, %sign3A_1821 : i32
    %sign3A_1823 = arith.constant 0 : i32
    %sign3A_1824 = arith.cmpi sgt, %jit3A_1814, %sign3A_1823 : i32
    %sign3A_1825 = arith.extui %sign3A_1824 : i1 to i32
    %sign3A_1826 = arith.constant 0 : i32
    %sign3A_1827 = arith.cmpi slt, %jit3A_1814, %sign3A_1826 : i32
    %sign3A_1828 = arith.extui %sign3A_1827 : i1 to i32
    %sign3A_1829 = arith.subi %sign3A_1825, %sign3A_1828 : i32
    %ne3A_1830 = arith.cmpi ne, %sign3A_1822, %sign3A_1829 : i32
    %rem3A_1831 = arith.remsi %select_n3A_1771, %jit3A_1814 : i32
    %ne3A_1832 = arith.constant 0 : i32
    %ne3A_1833 = arith.cmpi ne, %rem3A_1831, %ne3A_1832 : i32
    %and3A_1834 = arith.andi %ne3A_1830, %ne3A_1833 : i1
    %sub3A_1835 = arith.constant 1 : i32
    %sub3A_1836 = arith.subi %div3A_1815, %sub3A_1835 : i32
    %select_n3A_1837 = arith.select %and3A_1834, %sub3A_1836, %div3A_1815 : i32
    %mul3A_1838 = arith.constant 4096 : i32
    %mul3A_1839 = arith.muli %select_n3A_1837, %mul3A_1838 : i32
    %add3A_1840 = arith.addi %mul3A_1813, %mul3A_1839 : i32
    %jit3A_1841 = arith.constant 4096 : i32
    %eq3A_1842 = arith.constant 0 : i32
    %eq3A_1843 = arith.cmpi eq, %jit3A_1841, %eq3A_1842 : i32
    %jit3A_1844 = arith.constant 1 : i32
    %select_n3A_1845 = arith.select %eq3A_1843, %jit3A_1844, %jit3A_1841 : i32
    %rem3A_1846 = arith.remsi %select_n3A_1771, %select_n3A_1845 : i32
    %ne3A_1847 = arith.constant 0 : i32
    %ne3A_1848 = arith.cmpi ne, %rem3A_1846, %ne3A_1847 : i32
    %lt3A_1849 = arith.constant 0 : i32
    %lt3A_1850 = arith.cmpi slt, %rem3A_1846, %lt3A_1849 : i32
    %lt3A_1851 = arith.constant 0 : i32
    %lt3A_1852 = arith.cmpi slt, %select_n3A_1845, %lt3A_1851 : i32
    %ne3A_1853 = arith.xori %lt3A_1850, %lt3A_1852 : i1
    %and3A_1854 = arith.andi %ne3A_1853, %ne3A_1848 : i1
    %add3A_1855 = arith.addi %rem3A_1846, %select_n3A_1845 : i32
    %select_n3A_1856 = arith.select %and3A_1854, %add3A_1855, %rem3A_1846 : i32
    %add3A_1857 = arith.addi %add3A_1840, %select_n3A_1856 : i32
    %mul3A_1858 = arith.constant 32 : i32
    %mul3A_1859 = arith.muli %mul3A_1858, %select_n3A_1811 : i32
    %dma_start3A_1860 = arith.constant 0 : i32
    %dma_start3A_1861 = arith.constant 0 : i32
    %dma_start3A_1862 = arith.constant 0 : i32
    %dma_start3A_1863 = tpu.memref_slice %arg6[%dma_start3A_1860, %dma_start3A_1861, %dma_start3A_1862] : memref<2x1024x32xf32, #tpu.memory_space<vmem>> -> memref<1x1024x32xf32, #tpu.memory_space<vmem>>
    %dma_start3A_1864 = tpu.memref_squeeze %dma_start3A_1863 : memref<1x1024x32xf32, #tpu.memory_space<vmem>> -> memref<1024x32xf32, #tpu.memory_space<vmem>>
    %dma_start3A_1865 = tpu.memref_slice %arg4[%add3A_1857, %mul3A_1859] : memref<106496x128xf32, #tpu.memory_space<hbm>> -> memref<1024x32xf32, #tpu.memory_space<hbm>>
    %dma_start3A_1866 = tpu.memref_slice %arg4[%add3A_1857, %mul3A_1859] : memref<106496x128xf32, #tpu.memory_space<hbm>> -> memref<1024x32xf32, #tpu.memory_space<hbm>>
    %dma_start3A_1867 = arith.constant 0 : i32
    %dma_start3A_1868 = arith.constant 0 : i32
    %dma_start3A_1869 = tpu.memref_slice %arg6[%dma_start3A_1860, %dma_start3A_1867, %dma_start3A_1868] : memref<2x1024x32xf32, #tpu.memory_space<vmem>> -> memref<1x1024x32xf32, #tpu.memory_space<vmem>>
    %dma_start3A_1870 = tpu.memref_squeeze %dma_start3A_1869 : memref<1x1024x32xf32, #tpu.memory_space<vmem>> -> memref<1024x32xf32, #tpu.memory_space<vmem>>
    tpu.enqueue_dma source(%dma_start3A_1870 : memref<1024x32xf32, #tpu.memory_space<vmem>>) target(%dma_start3A_1866 : memref<1024x32xf32, #tpu.memory_space<hbm>>) target_semaphore(%arg8 : memref<!tpu.dma_semaphore, #tpu.memory_space<semaphore_mem>>)
    %dma_start3A_1871 = arith.constant 0 : i32
    %dma_start3A_1872 = arith.constant 0 : i32
    %dma_start3A_1873 = arith.constant 0 : i32
    %dma_start3A_1874 = tpu.memref_slice %arg6[%dma_start3A_1871, %dma_start3A_1872, %dma_start3A_1873] : memref<2x1024x32xf32, #tpu.memory_space<vmem>> -> memref<1x1024x32xf32, #tpu.memory_space<vmem>>
    %dma_start3A_1875 = tpu.memref_squeeze %dma_start3A_1874 : memref<1x1024x32xf32, #tpu.memory_space<vmem>> -> memref<1024x32xf32, #tpu.memory_space<vmem>>
    %dma_start3A_1876 = arith.constant 12288 : i32
    %dma_start3A_1877 = tpu.memref_slice %arg5[%dma_start3A_1876] : memref<13312xi32, #tpu.memory_space<vmem>> -> memref<1024xi32, #tpu.memory_space<vmem>>
    %dma_start3A_1878 = arith.constant 0 : i32
    %dma_start3A_1879 = arith.constant 0 : i32
    %dma_start3A_1880 = tpu.memref_slice %arg2[%dma_start3A_1878, %dma_start3A_1879] : memref<2031616x32xf32, #tpu.memory_space<hbm>> -> memref<2031616x32xf32, #tpu.memory_space<hbm>>
    tpu.enqueue_indirect_dma source(%dma_start3A_1880 : memref<2031616x32xf32, #tpu.memory_space<hbm>>) target(%dma_start3A_1875 : memref<1024x32xf32, #tpu.memory_space<vmem>>) offsets(%dma_start3A_1877 : memref<1024xi32, #tpu.memory_space<vmem>>) semaphore(%arg7 : memref<!tpu.dma_semaphore, #tpu.memory_space<semaphore_mem>>)
    %dma_wait3A_1881 = arith.constant 1 : i32
    %dma_wait3A_1882 = arith.constant 0 : i32
    %dma_wait3A_1883 = arith.constant 0 : i32
    %dma_wait3A_1884 = tpu.memref_slice %arg6[%dma_wait3A_1881, %dma_wait3A_1882, %dma_wait3A_1883] : memref<2x1024x32xf32, #tpu.memory_space<vmem>> -> memref<1x1024x32xf32, #tpu.memory_space<vmem>>
    %dma_wait3A_1885 = tpu.memref_squeeze %dma_wait3A_1884 : memref<1x1024x32xf32, #tpu.memory_space<vmem>> -> memref<1024x32xf32, #tpu.memory_space<vmem>>
    %dma_wait3A_1886 = arith.constant 11264 : i32
    %dma_wait3A_1887 = tpu.memref_slice %arg5[%dma_wait3A_1886] : memref<13312xi32, #tpu.memory_space<vmem>> -> memref<1024xi32, #tpu.memory_space<vmem>>
    %dma_wait3A_1888 = arith.constant 0 : i32
    %dma_wait3A_1889 = arith.constant 0 : i32
    %dma_wait3A_1890 = tpu.memref_slice %arg2[%dma_wait3A_1888, %dma_wait3A_1889] : memref<2031616x32xf32, #tpu.memory_space<hbm>> -> memref<2031616x32xf32, #tpu.memory_space<hbm>>
    tpu.wait_indirect_dma semaphore(%arg7 : memref<!tpu.dma_semaphore, #tpu.memory_space<semaphore_mem>>) src(%dma_wait3A_1890 : memref<2031616x32xf32, #tpu.memory_space<hbm>>) dst(%dma_wait3A_1885 : memref<1024x32xf32, #tpu.memory_space<vmem>>)
    %dma_wait3A_1891 = arith.constant 1 : i32
    %dma_wait3A_1892 = arith.constant 0 : i32
    %dma_wait3A_1893 = arith.constant 0 : i32
    %dma_wait3A_1894 = tpu.memref_slice %arg6[%dma_wait3A_1891, %dma_wait3A_1892, %dma_wait3A_1893] : memref<2x1024x32xf32, #tpu.memory_space<vmem>> -> memref<1x1024x32xf32, #tpu.memory_space<vmem>>
    %dma_wait3A_1895 = tpu.memref_squeeze %dma_wait3A_1894 : memref<1x1024x32xf32, #tpu.memory_space<vmem>> -> memref<1024x32xf32, #tpu.memory_space<vmem>>
    %dma_wait3A_1896 = tpu.memref_slice %arg4[%add3A_1685, %mul3A_1687] : memref<106496x128xf32, #tpu.memory_space<hbm>> -> memref<1024x32xf32, #tpu.memory_space<hbm>>
    %dma_wait3A_1897 = tpu.memref_slice %arg4[%add3A_1685, %mul3A_1687] : memref<106496x128xf32, #tpu.memory_space<hbm>> -> memref<1024x32xf32, #tpu.memory_space<hbm>>
    %dma_wait3A_1898 = arith.constant 0 : i32
    %dma_wait3A_1899 = arith.constant 0 : i32
    %dma_wait3A_1900 = tpu.memref_slice %arg6[%dma_wait3A_1891, %dma_wait3A_1898, %dma_wait3A_1899] : memref<2x1024x32xf32, #tpu.memory_space<vmem>> -> memref<1x1024x32xf32, #tpu.memory_space<vmem>>
    %dma_wait3A_1901 = tpu.memref_squeeze %dma_wait3A_1900 : memref<1x1024x32xf32, #tpu.memory_space<vmem>> -> memref<1024x32xf32, #tpu.memory_space<vmem>>
    tpu.wait_dma2 semaphore(%arg8 : memref<!tpu.dma_semaphore, #tpu.memory_space<semaphore_mem>>) src(%dma_wait3A_1901 : memref<1024x32xf32, #tpu.memory_space<vmem>>) dst(%dma_wait3A_1897 : memref<1024x32xf32, #tpu.memory_space<hbm>>)
    %add3A_1902 = arith.constant 11264 : i32
    %add3A_1903 = arith.addi %mul3A_2, %add3A_1902 : i32
    %jit3A_1904 = arith.constant 16384 : i32
    %div3A_1905 = arith.divsi %add3A_1903, %jit3A_1904 : i32
    %sign3A_1906 = arith.constant 0 : i32
    %sign3A_1907 = arith.cmpi sgt, %add3A_1903, %sign3A_1906 : i32
    %sign3A_1908 = arith.extui %sign3A_1907 : i1 to i32
    %sign3A_1909 = arith.constant 0 : i32
    %sign3A_1910 = arith.cmpi slt, %add3A_1903, %sign3A_1909 : i32
    %sign3A_1911 = arith.extui %sign3A_1910 : i1 to i32
    %sign3A_1912 = arith.subi %sign3A_1908, %sign3A_1911 : i32
    %sign3A_1913 = arith.constant 0 : i32
    %sign3A_1914 = arith.cmpi sgt, %jit3A_1904, %sign3A_1913 : i32
    %sign3A_1915 = arith.extui %sign3A_1914 : i1 to i32
    %sign3A_1916 = arith.constant 0 : i32
    %sign3A_1917 = arith.cmpi slt, %jit3A_1904, %sign3A_1916 : i32
    %sign3A_1918 = arith.extui %sign3A_1917 : i1 to i32
    %sign3A_1919 = arith.subi %sign3A_1915, %sign3A_1918 : i32
    %ne3A_1920 = arith.cmpi ne, %sign3A_1912, %sign3A_1919 : i32
    %rem3A_1921 = arith.remsi %add3A_1903, %jit3A_1904 : i32
    %ne3A_1922 = arith.constant 0 : i32
    %ne3A_1923 = arith.cmpi ne, %rem3A_1921, %ne3A_1922 : i32
    %and3A_1924 = arith.andi %ne3A_1920, %ne3A_1923 : i1
    %sub3A_1925 = arith.constant 1 : i32
    %sub3A_1926 = arith.subi %div3A_1905, %sub3A_1925 : i32
    %select_n3A_1927 = arith.select %and3A_1924, %sub3A_1926, %div3A_1905 : i32
    %jit3A_1928 = arith.constant 16384 : i32
    %eq3A_1929 = arith.constant 0 : i32
    %eq3A_1930 = arith.cmpi eq, %jit3A_1928, %eq3A_1929 : i32
    %jit3A_1931 = arith.constant 1 : i32
    %select_n3A_1932 = arith.select %eq3A_1930, %jit3A_1931, %jit3A_1928 : i32
    %rem3A_1933 = arith.remsi %add3A_1903, %select_n3A_1932 : i32
    %ne3A_1934 = arith.constant 0 : i32
    %ne3A_1935 = arith.cmpi ne, %rem3A_1933, %ne3A_1934 : i32
    %lt3A_1936 = arith.constant 0 : i32
    %lt3A_1937 = arith.cmpi slt, %rem3A_1933, %lt3A_1936 : i32
    %lt3A_1938 = arith.constant 0 : i32
    %lt3A_1939 = arith.cmpi slt, %select_n3A_1932, %lt3A_1938 : i32
    %ne3A_1940 = arith.xori %lt3A_1937, %lt3A_1939 : i1
    %and3A_1941 = arith.andi %ne3A_1940, %ne3A_1935 : i1
    %add3A_1942 = arith.addi %rem3A_1933, %select_n3A_1932 : i32
    %select_n3A_1943 = arith.select %and3A_1941, %add3A_1942, %rem3A_1933 : i32
    %jit3A_1944 = arith.constant 16384 : i32
    %eq3A_1945 = arith.constant 0 : i32
    %eq3A_1946 = arith.cmpi eq, %jit3A_1944, %eq3A_1945 : i32
    %jit3A_1947 = arith.constant 1 : i32
    %select_n3A_1948 = arith.select %eq3A_1946, %jit3A_1947, %jit3A_1944 : i32
    %rem3A_1949 = arith.remsi %select_n3A_1943, %select_n3A_1948 : i32
    %ne3A_1950 = arith.constant 0 : i32
    %ne3A_1951 = arith.cmpi ne, %rem3A_1949, %ne3A_1950 : i32
    %lt3A_1952 = arith.constant 0 : i32
    %lt3A_1953 = arith.cmpi slt, %rem3A_1949, %lt3A_1952 : i32
    %lt3A_1954 = arith.constant 0 : i32
    %lt3A_1955 = arith.cmpi slt, %select_n3A_1948, %lt3A_1954 : i32
    %ne3A_1956 = arith.xori %lt3A_1953, %lt3A_1955 : i1
    %and3A_1957 = arith.andi %ne3A_1956, %ne3A_1951 : i1
    %add3A_1958 = arith.addi %rem3A_1949, %select_n3A_1948 : i32
    %select_n3A_1959 = arith.select %and3A_1957, %add3A_1958, %rem3A_1949 : i32
    %jit3A_1960 = arith.constant 4096 : i32
    %div3A_1961 = arith.divsi %select_n3A_1959, %jit3A_1960 : i32
    %sign3A_1962 = arith.constant 0 : i32
    %sign3A_1963 = arith.cmpi sgt, %select_n3A_1959, %sign3A_1962 : i32
    %sign3A_1964 = arith.extui %sign3A_1963 : i1 to i32
    %sign3A_1965 = arith.constant 0 : i32
    %sign3A_1966 = arith.cmpi slt, %select_n3A_1959, %sign3A_1965 : i32
    %sign3A_1967 = arith.extui %sign3A_1966 : i1 to i32
    %sign3A_1968 = arith.subi %sign3A_1964, %sign3A_1967 : i32
    %sign3A_1969 = arith.constant 0 : i32
    %sign3A_1970 = arith.cmpi sgt, %jit3A_1960, %sign3A_1969 : i32
    %sign3A_1971 = arith.extui %sign3A_1970 : i1 to i32
    %sign3A_1972 = arith.constant 0 : i32
    %sign3A_1973 = arith.cmpi slt, %jit3A_1960, %sign3A_1972 : i32
    %sign3A_1974 = arith.extui %sign3A_1973 : i1 to i32
    %sign3A_1975 = arith.subi %sign3A_1971, %sign3A_1974 : i32
    %ne3A_1976 = arith.cmpi ne, %sign3A_1968, %sign3A_1975 : i32
    %rem3A_1977 = arith.remsi %select_n3A_1959, %jit3A_1960 : i32
    %ne3A_1978 = arith.constant 0 : i32
    %ne3A_1979 = arith.cmpi ne, %rem3A_1977, %ne3A_1978 : i32
    %and3A_1980 = arith.andi %ne3A_1976, %ne3A_1979 : i1
    %sub3A_1981 = arith.constant 1 : i32
    %sub3A_1982 = arith.subi %div3A_1961, %sub3A_1981 : i32
    %select_n3A_1983 = arith.select %and3A_1980, %sub3A_1982, %div3A_1961 : i32
    %mul3A_1984 = arith.constant 4096 : i32
    %mul3A_1985 = arith.muli %select_n3A_1927, %mul3A_1984 : i32
    %jit3A_1986 = arith.constant 16384 : i32
    %div3A_1987 = arith.divsi %select_n3A_1943, %jit3A_1986 : i32
    %sign3A_1988 = arith.constant 0 : i32
    %sign3A_1989 = arith.cmpi sgt, %select_n3A_1943, %sign3A_1988 : i32
    %sign3A_1990 = arith.extui %sign3A_1989 : i1 to i32
    %sign3A_1991 = arith.constant 0 : i32
    %sign3A_1992 = arith.cmpi slt, %select_n3A_1943, %sign3A_1991 : i32
    %sign3A_1993 = arith.extui %sign3A_1992 : i1 to i32
    %sign3A_1994 = arith.subi %sign3A_1990, %sign3A_1993 : i32
    %sign3A_1995 = arith.constant 0 : i32
    %sign3A_1996 = arith.cmpi sgt, %jit3A_1986, %sign3A_1995 : i32
    %sign3A_1997 = arith.extui %sign3A_1996 : i1 to i32
    %sign3A_1998 = arith.constant 0 : i32
    %sign3A_1999 = arith.cmpi slt, %jit3A_1986, %sign3A_1998 : i32
    %sign3A_2000 = arith.extui %sign3A_1999 : i1 to i32
    %sign3A_2001 = arith.subi %sign3A_1997, %sign3A_2000 : i32
    %ne3A_2002 = arith.cmpi ne, %sign3A_1994, %sign3A_2001 : i32
    %rem3A_2003 = arith.remsi %select_n3A_1943, %jit3A_1986 : i32
    %ne3A_2004 = arith.constant 0 : i32
    %ne3A_2005 = arith.cmpi ne, %rem3A_2003, %ne3A_2004 : i32
    %and3A_2006 = arith.andi %ne3A_2002, %ne3A_2005 : i1
    %sub3A_2007 = arith.constant 1 : i32
    %sub3A_2008 = arith.subi %div3A_1987, %sub3A_2007 : i32
    %select_n3A_2009 = arith.select %and3A_2006, %sub3A_2008, %div3A_1987 : i32
    %mul3A_2010 = arith.constant 4096 : i32
    %mul3A_2011 = arith.muli %select_n3A_2009, %mul3A_2010 : i32
    %add3A_2012 = arith.addi %mul3A_1985, %mul3A_2011 : i32
    %jit3A_2013 = arith.constant 4096 : i32
    %eq3A_2014 = arith.constant 0 : i32
    %eq3A_2015 = arith.cmpi eq, %jit3A_2013, %eq3A_2014 : i32
    %jit3A_2016 = arith.constant 1 : i32
    %select_n3A_2017 = arith.select %eq3A_2015, %jit3A_2016, %jit3A_2013 : i32
    %rem3A_2018 = arith.remsi %select_n3A_1943, %select_n3A_2017 : i32
    %ne3A_2019 = arith.constant 0 : i32
    %ne3A_2020 = arith.cmpi ne, %rem3A_2018, %ne3A_2019 : i32
    %lt3A_2021 = arith.constant 0 : i32
    %lt3A_2022 = arith.cmpi slt, %rem3A_2018, %lt3A_2021 : i32
    %lt3A_2023 = arith.constant 0 : i32
    %lt3A_2024 = arith.cmpi slt, %select_n3A_2017, %lt3A_2023 : i32
    %ne3A_2025 = arith.xori %lt3A_2022, %lt3A_2024 : i1
    %and3A_2026 = arith.andi %ne3A_2025, %ne3A_2020 : i1
    %add3A_2027 = arith.addi %rem3A_2018, %select_n3A_2017 : i32
    %select_n3A_2028 = arith.select %and3A_2026, %add3A_2027, %rem3A_2018 : i32
    %add3A_2029 = arith.addi %add3A_2012, %select_n3A_2028 : i32
    %mul3A_2030 = arith.constant 32 : i32
    %mul3A_2031 = arith.muli %mul3A_2030, %select_n3A_1983 : i32
    %dma_start3A_2032 = arith.constant 1 : i32
    %dma_start3A_2033 = arith.constant 0 : i32
    %dma_start3A_2034 = arith.constant 0 : i32
    %dma_start3A_2035 = tpu.memref_slice %arg6[%dma_start3A_2032, %dma_start3A_2033, %dma_start3A_2034] : memref<2x1024x32xf32, #tpu.memory_space<vmem>> -> memref<1x1024x32xf32, #tpu.memory_space<vmem>>
    %dma_start3A_2036 = tpu.memref_squeeze %dma_start3A_2035 : memref<1x1024x32xf32, #tpu.memory_space<vmem>> -> memref<1024x32xf32, #tpu.memory_space<vmem>>
    %dma_start3A_2037 = tpu.memref_slice %arg4[%add3A_2029, %mul3A_2031] : memref<106496x128xf32, #tpu.memory_space<hbm>> -> memref<1024x32xf32, #tpu.memory_space<hbm>>
    %dma_start3A_2038 = tpu.memref_slice %arg4[%add3A_2029, %mul3A_2031] : memref<106496x128xf32, #tpu.memory_space<hbm>> -> memref<1024x32xf32, #tpu.memory_space<hbm>>
    %dma_start3A_2039 = arith.constant 0 : i32
    %dma_start3A_2040 = arith.constant 0 : i32
    %dma_start3A_2041 = tpu.memref_slice %arg6[%dma_start3A_2032, %dma_start3A_2039, %dma_start3A_2040] : memref<2x1024x32xf32, #tpu.memory_space<vmem>> -> memref<1x1024x32xf32, #tpu.memory_space<vmem>>
    %dma_start3A_2042 = tpu.memref_squeeze %dma_start3A_2041 : memref<1x1024x32xf32, #tpu.memory_space<vmem>> -> memref<1024x32xf32, #tpu.memory_space<vmem>>
    tpu.enqueue_dma source(%dma_start3A_2042 : memref<1024x32xf32, #tpu.memory_space<vmem>>) target(%dma_start3A_2038 : memref<1024x32xf32, #tpu.memory_space<hbm>>) target_semaphore(%arg8 : memref<!tpu.dma_semaphore, #tpu.memory_space<semaphore_mem>>)
    %dma_wait3A_2043 = arith.constant 0 : i32
    %dma_wait3A_2044 = arith.constant 0 : i32
    %dma_wait3A_2045 = arith.constant 0 : i32
    %dma_wait3A_2046 = tpu.memref_slice %arg6[%dma_wait3A_2043, %dma_wait3A_2044, %dma_wait3A_2045] : memref<2x1024x32xf32, #tpu.memory_space<vmem>> -> memref<1x1024x32xf32, #tpu.memory_space<vmem>>
    %dma_wait3A_2047 = tpu.memref_squeeze %dma_wait3A_2046 : memref<1x1024x32xf32, #tpu.memory_space<vmem>> -> memref<1024x32xf32, #tpu.memory_space<vmem>>
    %dma_wait3A_2048 = arith.constant 12288 : i32
    %dma_wait3A_2049 = tpu.memref_slice %arg5[%dma_wait3A_2048] : memref<13312xi32, #tpu.memory_space<vmem>> -> memref<1024xi32, #tpu.memory_space<vmem>>
    %dma_wait3A_2050 = arith.constant 0 : i32
    %dma_wait3A_2051 = arith.constant 0 : i32
    %dma_wait3A_2052 = tpu.memref_slice %arg2[%dma_wait3A_2050, %dma_wait3A_2051] : memref<2031616x32xf32, #tpu.memory_space<hbm>> -> memref<2031616x32xf32, #tpu.memory_space<hbm>>
    tpu.wait_indirect_dma semaphore(%arg7 : memref<!tpu.dma_semaphore, #tpu.memory_space<semaphore_mem>>) src(%dma_wait3A_2052 : memref<2031616x32xf32, #tpu.memory_space<hbm>>) dst(%dma_wait3A_2047 : memref<1024x32xf32, #tpu.memory_space<vmem>>)
    %dma_wait3A_2053 = arith.constant 0 : i32
    %dma_wait3A_2054 = arith.constant 0 : i32
    %dma_wait3A_2055 = arith.constant 0 : i32
    %dma_wait3A_2056 = tpu.memref_slice %arg6[%dma_wait3A_2053, %dma_wait3A_2054, %dma_wait3A_2055] : memref<2x1024x32xf32, #tpu.memory_space<vmem>> -> memref<1x1024x32xf32, #tpu.memory_space<vmem>>
    %dma_wait3A_2057 = tpu.memref_squeeze %dma_wait3A_2056 : memref<1x1024x32xf32, #tpu.memory_space<vmem>> -> memref<1024x32xf32, #tpu.memory_space<vmem>>
    %dma_wait3A_2058 = tpu.memref_slice %arg4[%add3A_1857, %mul3A_1859] : memref<106496x128xf32, #tpu.memory_space<hbm>> -> memref<1024x32xf32, #tpu.memory_space<hbm>>
    %dma_wait3A_2059 = tpu.memref_slice %arg4[%add3A_1857, %mul3A_1859] : memref<106496x128xf32, #tpu.memory_space<hbm>> -> memref<1024x32xf32, #tpu.memory_space<hbm>>
    %dma_wait3A_2060 = arith.constant 0 : i32
    %dma_wait3A_2061 = arith.constant 0 : i32
    %dma_wait3A_2062 = tpu.memref_slice %arg6[%dma_wait3A_2053, %dma_wait3A_2060, %dma_wait3A_2061] : memref<2x1024x32xf32, #tpu.memory_space<vmem>> -> memref<1x1024x32xf32, #tpu.memory_space<vmem>>
    %dma_wait3A_2063 = tpu.memref_squeeze %dma_wait3A_2062 : memref<1x1024x32xf32, #tpu.memory_space<vmem>> -> memref<1024x32xf32, #tpu.memory_space<vmem>>
    tpu.wait_dma2 semaphore(%arg8 : memref<!tpu.dma_semaphore, #tpu.memory_space<semaphore_mem>>) src(%dma_wait3A_2063 : memref<1024x32xf32, #tpu.memory_space<vmem>>) dst(%dma_wait3A_2059 : memref<1024x32xf32, #tpu.memory_space<hbm>>)
    %add3A_2064 = arith.constant 12288 : i32
    %add3A_2065 = arith.addi %mul3A_2, %add3A_2064 : i32
    %jit3A_2066 = arith.constant 16384 : i32
    %div3A_2067 = arith.divsi %add3A_2065, %jit3A_2066 : i32
    %sign3A_2068 = arith.constant 0 : i32
    %sign3A_2069 = arith.cmpi sgt, %add3A_2065, %sign3A_2068 : i32
    %sign3A_2070 = arith.extui %sign3A_2069 : i1 to i32
    %sign3A_2071 = arith.constant 0 : i32
    %sign3A_2072 = arith.cmpi slt, %add3A_2065, %sign3A_2071 : i32
    %sign3A_2073 = arith.extui %sign3A_2072 : i1 to i32
    %sign3A_2074 = arith.subi %sign3A_2070, %sign3A_2073 : i32
    %sign3A_2075 = arith.constant 0 : i32
    %sign3A_2076 = arith.cmpi sgt, %jit3A_2066, %sign3A_2075 : i32
    %sign3A_2077 = arith.extui %sign3A_2076 : i1 to i32
    %sign3A_2078 = arith.constant 0 : i32
    %sign3A_2079 = arith.cmpi slt, %jit3A_2066, %sign3A_2078 : i32
    %sign3A_2080 = arith.extui %sign3A_2079 : i1 to i32
    %sign3A_2081 = arith.subi %sign3A_2077, %sign3A_2080 : i32
    %ne3A_2082 = arith.cmpi ne, %sign3A_2074, %sign3A_2081 : i32
    %rem3A_2083 = arith.remsi %add3A_2065, %jit3A_2066 : i32
    %ne3A_2084 = arith.constant 0 : i32
    %ne3A_2085 = arith.cmpi ne, %rem3A_2083, %ne3A_2084 : i32
    %and3A_2086 = arith.andi %ne3A_2082, %ne3A_2085 : i1
    %sub3A_2087 = arith.constant 1 : i32
    %sub3A_2088 = arith.subi %div3A_2067, %sub3A_2087 : i32
    %select_n3A_2089 = arith.select %and3A_2086, %sub3A_2088, %div3A_2067 : i32
    %jit3A_2090 = arith.constant 16384 : i32
    %eq3A_2091 = arith.constant 0 : i32
    %eq3A_2092 = arith.cmpi eq, %jit3A_2090, %eq3A_2091 : i32
    %jit3A_2093 = arith.constant 1 : i32
    %select_n3A_2094 = arith.select %eq3A_2092, %jit3A_2093, %jit3A_2090 : i32
    %rem3A_2095 = arith.remsi %add3A_2065, %select_n3A_2094 : i32
    %ne3A_2096 = arith.constant 0 : i32
    %ne3A_2097 = arith.cmpi ne, %rem3A_2095, %ne3A_2096 : i32
    %lt3A_2098 = arith.constant 0 : i32
    %lt3A_2099 = arith.cmpi slt, %rem3A_2095, %lt3A_2098 : i32
    %lt3A_2100 = arith.constant 0 : i32
    %lt3A_2101 = arith.cmpi slt, %select_n3A_2094, %lt3A_2100 : i32
    %ne3A_2102 = arith.xori %lt3A_2099, %lt3A_2101 : i1
    %and3A_2103 = arith.andi %ne3A_2102, %ne3A_2097 : i1
    %add3A_2104 = arith.addi %rem3A_2095, %select_n3A_2094 : i32
    %select_n3A_2105 = arith.select %and3A_2103, %add3A_2104, %rem3A_2095 : i32
    %jit3A_2106 = arith.constant 16384 : i32
    %eq3A_2107 = arith.constant 0 : i32
    %eq3A_2108 = arith.cmpi eq, %jit3A_2106, %eq3A_2107 : i32
    %jit3A_2109 = arith.constant 1 : i32
    %select_n3A_2110 = arith.select %eq3A_2108, %jit3A_2109, %jit3A_2106 : i32
    %rem3A_2111 = arith.remsi %select_n3A_2105, %select_n3A_2110 : i32
    %ne3A_2112 = arith.constant 0 : i32
    %ne3A_2113 = arith.cmpi ne, %rem3A_2111, %ne3A_2112 : i32
    %lt3A_2114 = arith.constant 0 : i32
    %lt3A_2115 = arith.cmpi slt, %rem3A_2111, %lt3A_2114 : i32
    %lt3A_2116 = arith.constant 0 : i32
    %lt3A_2117 = arith.cmpi slt, %select_n3A_2110, %lt3A_2116 : i32
    %ne3A_2118 = arith.xori %lt3A_2115, %lt3A_2117 : i1
    %and3A_2119 = arith.andi %ne3A_2118, %ne3A_2113 : i1
    %add3A_2120 = arith.addi %rem3A_2111, %select_n3A_2110 : i32
    %select_n3A_2121 = arith.select %and3A_2119, %add3A_2120, %rem3A_2111 : i32
    %jit3A_2122 = arith.constant 4096 : i32
    %div3A_2123 = arith.divsi %select_n3A_2121, %jit3A_2122 : i32
    %sign3A_2124 = arith.constant 0 : i32
    %sign3A_2125 = arith.cmpi sgt, %select_n3A_2121, %sign3A_2124 : i32
    %sign3A_2126 = arith.extui %sign3A_2125 : i1 to i32
    %sign3A_2127 = arith.constant 0 : i32
    %sign3A_2128 = arith.cmpi slt, %select_n3A_2121, %sign3A_2127 : i32
    %sign3A_2129 = arith.extui %sign3A_2128 : i1 to i32
    %sign3A_2130 = arith.subi %sign3A_2126, %sign3A_2129 : i32
    %sign3A_2131 = arith.constant 0 : i32
    %sign3A_2132 = arith.cmpi sgt, %jit3A_2122, %sign3A_2131 : i32
    %sign3A_2133 = arith.extui %sign3A_2132 : i1 to i32
    %sign3A_2134 = arith.constant 0 : i32
    %sign3A_2135 = arith.cmpi slt, %jit3A_2122, %sign3A_2134 : i32
    %sign3A_2136 = arith.extui %sign3A_2135 : i1 to i32
    %sign3A_2137 = arith.subi %sign3A_2133, %sign3A_2136 : i32
    %ne3A_2138 = arith.cmpi ne, %sign3A_2130, %sign3A_2137 : i32
    %rem3A_2139 = arith.remsi %select_n3A_2121, %jit3A_2122 : i32
    %ne3A_2140 = arith.constant 0 : i32
    %ne3A_2141 = arith.cmpi ne, %rem3A_2139, %ne3A_2140 : i32
    %and3A_2142 = arith.andi %ne3A_2138, %ne3A_2141 : i1
    %sub3A_2143 = arith.constant 1 : i32
    %sub3A_2144 = arith.subi %div3A_2123, %sub3A_2143 : i32
    %select_n3A_2145 = arith.select %and3A_2142, %sub3A_2144, %div3A_2123 : i32
    %mul3A_2146 = arith.constant 4096 : i32
    %mul3A_2147 = arith.muli %select_n3A_2089, %mul3A_2146 : i32
    %jit3A_2148 = arith.constant 16384 : i32
    %div3A_2149 = arith.divsi %select_n3A_2105, %jit3A_2148 : i32
    %sign3A_2150 = arith.constant 0 : i32
    %sign3A_2151 = arith.cmpi sgt, %select_n3A_2105, %sign3A_2150 : i32
    %sign3A_2152 = arith.extui %sign3A_2151 : i1 to i32
    %sign3A_2153 = arith.constant 0 : i32
    %sign3A_2154 = arith.cmpi slt, %select_n3A_2105, %sign3A_2153 : i32
    %sign3A_2155 = arith.extui %sign3A_2154 : i1 to i32
    %sign3A_2156 = arith.subi %sign3A_2152, %sign3A_2155 : i32
    %sign3A_2157 = arith.constant 0 : i32
    %sign3A_2158 = arith.cmpi sgt, %jit3A_2148, %sign3A_2157 : i32
    %sign3A_2159 = arith.extui %sign3A_2158 : i1 to i32
    %sign3A_2160 = arith.constant 0 : i32
    %sign3A_2161 = arith.cmpi slt, %jit3A_2148, %sign3A_2160 : i32
    %sign3A_2162 = arith.extui %sign3A_2161 : i1 to i32
    %sign3A_2163 = arith.subi %sign3A_2159, %sign3A_2162 : i32
    %ne3A_2164 = arith.cmpi ne, %sign3A_2156, %sign3A_2163 : i32
    %rem3A_2165 = arith.remsi %select_n3A_2105, %jit3A_2148 : i32
    %ne3A_2166 = arith.constant 0 : i32
    %ne3A_2167 = arith.cmpi ne, %rem3A_2165, %ne3A_2166 : i32
    %and3A_2168 = arith.andi %ne3A_2164, %ne3A_2167 : i1
    %sub3A_2169 = arith.constant 1 : i32
    %sub3A_2170 = arith.subi %div3A_2149, %sub3A_2169 : i32
    %select_n3A_2171 = arith.select %and3A_2168, %sub3A_2170, %div3A_2149 : i32
    %mul3A_2172 = arith.constant 4096 : i32
    %mul3A_2173 = arith.muli %select_n3A_2171, %mul3A_2172 : i32
    %add3A_2174 = arith.addi %mul3A_2147, %mul3A_2173 : i32
    %jit3A_2175 = arith.constant 4096 : i32
    %eq3A_2176 = arith.constant 0 : i32
    %eq3A_2177 = arith.cmpi eq, %jit3A_2175, %eq3A_2176 : i32
    %jit3A_2178 = arith.constant 1 : i32
    %select_n3A_2179 = arith.select %eq3A_2177, %jit3A_2178, %jit3A_2175 : i32
    %rem3A_2180 = arith.remsi %select_n3A_2105, %select_n3A_2179 : i32
    %ne3A_2181 = arith.constant 0 : i32
    %ne3A_2182 = arith.cmpi ne, %rem3A_2180, %ne3A_2181 : i32
    %lt3A_2183 = arith.constant 0 : i32
    %lt3A_2184 = arith.cmpi slt, %rem3A_2180, %lt3A_2183 : i32
    %lt3A_2185 = arith.constant 0 : i32
    %lt3A_2186 = arith.cmpi slt, %select_n3A_2179, %lt3A_2185 : i32
    %ne3A_2187 = arith.xori %lt3A_2184, %lt3A_2186 : i1
    %and3A_2188 = arith.andi %ne3A_2187, %ne3A_2182 : i1
    %add3A_2189 = arith.addi %rem3A_2180, %select_n3A_2179 : i32
    %select_n3A_2190 = arith.select %and3A_2188, %add3A_2189, %rem3A_2180 : i32
    %add3A_2191 = arith.addi %add3A_2174, %select_n3A_2190 : i32
    %mul3A_2192 = arith.constant 32 : i32
    %mul3A_2193 = arith.muli %mul3A_2192, %select_n3A_2145 : i32
    %dma_start3A_2194 = arith.constant 0 : i32
    %dma_start3A_2195 = arith.constant 0 : i32
    %dma_start3A_2196 = arith.constant 0 : i32
    %dma_start3A_2197 = tpu.memref_slice %arg6[%dma_start3A_2194, %dma_start3A_2195, %dma_start3A_2196] : memref<2x1024x32xf32, #tpu.memory_space<vmem>> -> memref<1x1024x32xf32, #tpu.memory_space<vmem>>
    %dma_start3A_2198 = tpu.memref_squeeze %dma_start3A_2197 : memref<1x1024x32xf32, #tpu.memory_space<vmem>> -> memref<1024x32xf32, #tpu.memory_space<vmem>>
    %dma_start3A_2199 = tpu.memref_slice %arg4[%add3A_2191, %mul3A_2193] : memref<106496x128xf32, #tpu.memory_space<hbm>> -> memref<1024x32xf32, #tpu.memory_space<hbm>>
    %dma_start3A_2200 = tpu.memref_slice %arg4[%add3A_2191, %mul3A_2193] : memref<106496x128xf32, #tpu.memory_space<hbm>> -> memref<1024x32xf32, #tpu.memory_space<hbm>>
    %dma_start3A_2201 = arith.constant 0 : i32
    %dma_start3A_2202 = arith.constant 0 : i32
    %dma_start3A_2203 = tpu.memref_slice %arg6[%dma_start3A_2194, %dma_start3A_2201, %dma_start3A_2202] : memref<2x1024x32xf32, #tpu.memory_space<vmem>> -> memref<1x1024x32xf32, #tpu.memory_space<vmem>>
    %dma_start3A_2204 = tpu.memref_squeeze %dma_start3A_2203 : memref<1x1024x32xf32, #tpu.memory_space<vmem>> -> memref<1024x32xf32, #tpu.memory_space<vmem>>
    tpu.enqueue_dma source(%dma_start3A_2204 : memref<1024x32xf32, #tpu.memory_space<vmem>>) target(%dma_start3A_2200 : memref<1024x32xf32, #tpu.memory_space<hbm>>) target_semaphore(%arg8 : memref<!tpu.dma_semaphore, #tpu.memory_space<semaphore_mem>>)
    %dma_wait3A_2205 = arith.constant 0 : i32
    %dma_wait3A_2206 = arith.constant 0 : i32
    %dma_wait3A_2207 = arith.constant 0 : i32
    %dma_wait3A_2208 = tpu.memref_slice %arg6[%dma_wait3A_2205, %dma_wait3A_2206, %dma_wait3A_2207] : memref<2x1024x32xf32, #tpu.memory_space<vmem>> -> memref<1x1024x32xf32, #tpu.memory_space<vmem>>
    %dma_wait3A_2209 = tpu.memref_squeeze %dma_wait3A_2208 : memref<1x1024x32xf32, #tpu.memory_space<vmem>> -> memref<1024x32xf32, #tpu.memory_space<vmem>>
    %dma_wait3A_2210 = tpu.memref_slice %arg4[%add3A_2191, %mul3A_2193] : memref<106496x128xf32, #tpu.memory_space<hbm>> -> memref<1024x32xf32, #tpu.memory_space<hbm>>
    %dma_wait3A_2211 = tpu.memref_slice %arg4[%add3A_2191, %mul3A_2193] : memref<106496x128xf32, #tpu.memory_space<hbm>> -> memref<1024x32xf32, #tpu.memory_space<hbm>>
    %dma_wait3A_2212 = arith.constant 0 : i32
    %dma_wait3A_2213 = arith.constant 0 : i32
    %dma_wait3A_2214 = tpu.memref_slice %arg6[%dma_wait3A_2205, %dma_wait3A_2212, %dma_wait3A_2213] : memref<2x1024x32xf32, #tpu.memory_space<vmem>> -> memref<1x1024x32xf32, #tpu.memory_space<vmem>>
    %dma_wait3A_2215 = tpu.memref_squeeze %dma_wait3A_2214 : memref<1x1024x32xf32, #tpu.memory_space<vmem>> -> memref<1024x32xf32, #tpu.memory_space<vmem>>
    tpu.wait_dma2 semaphore(%arg8 : memref<!tpu.dma_semaphore, #tpu.memory_space<semaphore_mem>>) src(%dma_wait3A_2215 : memref<1024x32xf32, #tpu.memory_space<vmem>>) dst(%dma_wait3A_2211 : memref<1024x32xf32, #tpu.memory_space<hbm>>)
    %dma_wait3A_2216 = arith.constant 1 : i32
    %dma_wait3A_2217 = arith.constant 0 : i32
    %dma_wait3A_2218 = arith.constant 0 : i32
    %dma_wait3A_2219 = tpu.memref_slice %arg6[%dma_wait3A_2216, %dma_wait3A_2217, %dma_wait3A_2218] : memref<2x1024x32xf32, #tpu.memory_space<vmem>> -> memref<1x1024x32xf32, #tpu.memory_space<vmem>>
    %dma_wait3A_2220 = tpu.memref_squeeze %dma_wait3A_2219 : memref<1x1024x32xf32, #tpu.memory_space<vmem>> -> memref<1024x32xf32, #tpu.memory_space<vmem>>
    %dma_wait3A_2221 = tpu.memref_slice %arg4[%add3A_2029, %mul3A_2031] : memref<106496x128xf32, #tpu.memory_space<hbm>> -> memref<1024x32xf32, #tpu.memory_space<hbm>>
    %dma_wait3A_2222 = tpu.memref_slice %arg4[%add3A_2029, %mul3A_2031] : memref<106496x128xf32, #tpu.memory_space<hbm>> -> memref<1024x32xf32, #tpu.memory_space<hbm>>
    %dma_wait3A_2223 = arith.constant 0 : i32
    %dma_wait3A_2224 = arith.constant 0 : i32
    %dma_wait3A_2225 = tpu.memref_slice %arg6[%dma_wait3A_2216, %dma_wait3A_2223, %dma_wait3A_2224] : memref<2x1024x32xf32, #tpu.memory_space<vmem>> -> memref<1x1024x32xf32, #tpu.memory_space<vmem>>
    %dma_wait3A_2226 = tpu.memref_squeeze %dma_wait3A_2225 : memref<1x1024x32xf32, #tpu.memory_space<vmem>> -> memref<1024x32xf32, #tpu.memory_space<vmem>>
    tpu.wait_dma2 semaphore(%arg8 : memref<!tpu.dma_semaphore, #tpu.memory_space<semaphore_mem>>) src(%dma_wait3A_2226 : memref<1024x32xf32, #tpu.memory_space<vmem>>) dst(%dma_wait3A_2222 : memref<1024x32xf32, #tpu.memory_space<hbm>>)
    return
  }
}

module attributes {stable_mosaic.version = 14 : i64} {
  func.func @_pack2_transpose_kernel(%arg0: i32, %arg1: memref<32x16384xf32, #tpu.memory_space<vmem>>, %arg2: memref<8192x128xf32, #tpu.memory_space<vmem>>) attributes {dimension_semantics = [#tpu.dimension_semantics<arbitrary>], iteration_bounds = array<i64: 62>, scalar_prefetch = 0 : i64, scratch_operands = 0 : i64, tpu.core_type = #tpu.core_type<tc>, window_params = [{transform_indices = @transform_0, window_bounds = array<i64: 32, 16384>}, {transform_indices = @transform_1, window_bounds = array<i64: 8192, 128>}]} {
    %get3A = arith.constant 0 : index
    %get3A_0 = arith.constant 0 : index
    %get3A_1 = vector.load %arg1[%get3A, %get3A_0] : memref<32x16384xf32, #tpu.memory_space<vmem>>, vector<32x16384xf32>
    %transpose3A = tpu.transpose %get3A_1, [1, 0] : vector<32x16384xf32> -> vector<16384x32xf32>
    %slice3A = vector.extract_strided_slice %transpose3A {offsets = [0, 0], sizes = [8192, 32], strides = [1, 1]} : vector<16384x32xf32> to vector<8192x32xf32>
    %swap3A = arith.constant 0 : index
    %swap3A_2 = arith.constant 0 : index
    %swap3A_3 = vector.load %arg2[%swap3A, %swap3A_2] : memref<8192x128xf32, #tpu.memory_space<vmem>>, vector<8192x32xf32>
    tpu.vector_store %arg2[%swap3A, %swap3A_2], %slice3A {strides = array<i32>} : memref<8192x128xf32, #tpu.memory_space<vmem>>, vector<8192x32xf32>,
    %slice3A_4 = vector.extract_strided_slice %transpose3A {offsets = [8192, 0], sizes = [8192, 32], strides = [1, 1]} : vector<16384x32xf32> to vector<8192x32xf32>
    %swap3A_5 = arith.constant 0 : index
    %swap3A_6 = arith.constant 32 : index
    %swap3A_7 = vector.load %arg2[%swap3A_5, %swap3A_6] : memref<8192x128xf32, #tpu.memory_space<vmem>>, vector<8192x32xf32>
    tpu.vector_store %arg2[%swap3A_5, %swap3A_6], %slice3A_4 {strides = array<i32>} : memref<8192x128xf32, #tpu.memory_space<vmem>>, vector<8192x32xf32>,
    return
  }
  func.func @transform_0(%arg0: i32) -> (i32, i32) {
    %c0_i32 = arith.constant 0 : i32
    %c0_i32_0 = arith.constant 0 : i32
    return %c0_i32, %arg0 : i32, i32
  }
  func.func @transform_1(%arg0: i32) -> (i32, i32) {
    %c0_i32 = arith.constant 0 : i32
    %c0_i32_0 = arith.constant 0 : i32
    return %arg0, %c0_i32 : i32, i32
  }
}

module attributes {stable_mosaic.version = 14 : i64} {
  func.func @_unpack4_transpose_kernel(%arg0: i32, %arg1: i32, %arg2: memref<4096x128xf32, #tpu.memory_space<vmem>>, %arg3: memref<1x32x16384xf32, #tpu.memory_space<vmem>>) attributes {dimension_semantics = [#tpu.dimension_semantics<arbitrary>, #tpu.dimension_semantics<arbitrary>], iteration_bounds = array<i64: 26, 1>, scalar_prefetch = 0 : i64, scratch_operands = 0 : i64, tpu.core_type = #tpu.core_type<tc>, window_params = [{transform_indices = @transform_0, window_bounds = array<i64: 4096, 128>}, {transform_indices = @transform_1, window_bounds = array<i64: 1, 32, 16384>}]} {
    %get3A = arith.constant 0 : index
    %get3A_0 = arith.constant 0 : index
    %get3A_1 = vector.load %arg2[%get3A, %get3A_0] : memref<4096x128xf32, #tpu.memory_space<vmem>>, vector<4096x32xf32>
    %transpose3A = tpu.transpose %get3A_1, [1, 0] : vector<4096x32xf32> -> vector<32x4096xf32>
    %swap3A = arith.constant 0 : index
    %swap3A_2 = arith.constant 0 : index
    %swap3A_3 = arith.constant 0 : index
    %swap3A_4 = vector.load %arg3[%swap3A, %swap3A_2, %swap3A_3] : memref<1x32x16384xf32, #tpu.memory_space<vmem>>, vector<1x32x4096xf32>
    %swap3A_5 = vector.shape_cast %swap3A_4 : vector<1x32x4096xf32> to vector<32x4096xf32>
    %swap3A_6 = vector.shape_cast %transpose3A : vector<32x4096xf32> to vector<1x32x4096xf32>
    tpu.vector_store %arg3[%swap3A, %swap3A_2, %swap3A_3], %swap3A_6 {strides = array<i32>} : memref<1x32x16384xf32, #tpu.memory_space<vmem>>, vector<1x32x4096xf32>,
    %get3A_7 = arith.constant 0 : index
    %get3A_8 = arith.constant 32 : index
    %get3A_9 = vector.load %arg2[%get3A_7, %get3A_8] : memref<4096x128xf32, #tpu.memory_space<vmem>>, vector<4096x32xf32>
    %transpose3A_10 = tpu.transpose %get3A_9, [1, 0] : vector<4096x32xf32> -> vector<32x4096xf32>
    %swap3A_11 = arith.constant 0 : index
    %swap3A_12 = arith.constant 0 : index
    %swap3A_13 = arith.constant 4096 : index
    %swap3A_14 = vector.load %arg3[%swap3A_11, %swap3A_12, %swap3A_13] : memref<1x32x16384xf32, #tpu.memory_space<vmem>>, vector<1x32x4096xf32>
    %swap3A_15 = vector.shape_cast %swap3A_14 : vector<1x32x4096xf32> to vector<32x4096xf32>
    %swap3A_16 = vector.shape_cast %transpose3A_10 : vector<32x4096xf32> to vector<1x32x4096xf32>
    tpu.vector_store %arg3[%swap3A_11, %swap3A_12, %swap3A_13], %swap3A_16 {strides = array<i32>} : memref<1x32x16384xf32, #tpu.memory_space<vmem>>, vector<1x32x4096xf32>,
    %get3A_17 = arith.constant 0 : index
    %get3A_18 = arith.constant 64 : index
    %get3A_19 = vector.load %arg2[%get3A_17, %get3A_18] : memref<4096x128xf32, #tpu.memory_space<vmem>>, vector<4096x32xf32>
    %transpose3A_20 = tpu.transpose %get3A_19, [1, 0] : vector<4096x32xf32> -> vector<32x4096xf32>
    %swap3A_21 = arith.constant 0 : index
    %swap3A_22 = arith.constant 0 : index
    %swap3A_23 = arith.constant 8192 : index
    %swap3A_24 = vector.load %arg3[%swap3A_21, %swap3A_22, %swap3A_23] : memref<1x32x16384xf32, #tpu.memory_space<vmem>>, vector<1x32x4096xf32>
    %swap3A_25 = vector.shape_cast %swap3A_24 : vector<1x32x4096xf32> to vector<32x4096xf32>
    %swap3A_26 = vector.shape_cast %transpose3A_20 : vector<32x4096xf32> to vector<1x32x4096xf32>
    tpu.vector_store %arg3[%swap3A_21, %swap3A_22, %swap3A_23], %swap3A_26 {strides = array<i32>} : memref<1x32x16384xf32, #tpu.memory_space<vmem>>, vector<1x32x4096xf32>,
    %get3A_27 = arith.constant 0 : index
    %get3A_28 = arith.constant 96 : index
    %get3A_29 = vector.load %arg2[%get3A_27, %get3A_28] : memref<4096x128xf32, #tpu.memory_space<vmem>>, vector<4096x32xf32>
    %transpose3A_30 = tpu.transpose %get3A_29, [1, 0] : vector<4096x32xf32> -> vector<32x4096xf32>
    %swap3A_31 = arith.constant 0 : index
    %swap3A_32 = arith.constant 0 : index
    %swap3A_33 = arith.constant 12288 : index
    %swap3A_34 = vector.load %arg3[%swap3A_31, %swap3A_32, %swap3A_33] : memref<1x32x16384xf32, #tpu.memory_space<vmem>>, vector<1x32x4096xf32>
    %swap3A_35 = vector.shape_cast %swap3A_34 : vector<1x32x4096xf32> to vector<32x4096xf32>
    %swap3A_36 = vector.shape_cast %transpose3A_30 : vector<32x4096xf32> to vector<1x32x4096xf32>
    tpu.vector_store %arg3[%swap3A_31, %swap3A_32, %swap3A_33], %swap3A_36 {strides = array<i32>} : memref<1x32x16384xf32, #tpu.memory_space<vmem>>, vector<1x32x4096xf32>,
    return
  }
  func.func @transform_0(%arg0: i32, %arg1: i32) -> (i32, i32) {
    %mul3A = arith.constant 1 : i32
    %mul3A_0 = arith.muli %arg0, %mul3A : i32
    %add3A = arith.addi %mul3A_0, %arg1 : i32
    %c0_i32 = arith.constant 0 : i32
    %c0_i32_1 = arith.constant 0 : i32
    return %add3A, %c0_i32 : i32, i32
  }
  func.func @transform_1(%arg0: i32, %arg1: i32) -> (i32, i32, i32) {
    %c0_i32 = arith.constant 0 : i32
    %c0_i32_0 = arith.constant 0 : i32
    return %arg0, %c0_i32, %arg1 : i32, i32, i32
  }
}

</mosaic_0001>

<sc_bundles>
// kernel: kernel.5.cloned.1.call-start
scs
__scs_entry_jumppad:
0x0: {  	(pc) =	sbr.rel $0x88, $3  }
0x1: {  	(tag) =	ssettag $0x0;
	lr =	simm.s32 $0x1  }
0x2: {  	[smem:$0x3F9F] =	sst lr;
	_ =	strace $0xD0000000  }
0x3: {  	_ = 	snop  }
0x4: {  	_ = 	snop  }
0x5: {  	_ = 	snop  }
0x6: {  	_ = 	snop  }
0x7: {  	_ = 	snop  }
__scs_overlays_trampoline_lowered:
0x8: {  	[smem:$0x3FAE] =	sst s0  }
0x9: {  	[smem:$0x3FAF] =	sst s1  }
0xa: {  	[smem:$0x3FB0] =	sst s2  }
0xb: {  	[smem:$0x3FB1] =	sst s3  }
0xc: {  	[smem:$0x3FB2] =	sst s4  }
0xd: {  	[smem:$0x3FB3] =	sst s5  }
0xe: {  	[smem:$0x3FB4] =	sst s6  }
0xf: {  	[smem:$0x3FB5] =	sst s7  }
0x10: {  	[smem:$0x3FB6] =	sst s8  }
0x11: {  	[smem:$0x3FB7] =	sst s9;
	s0 =	simm.s32 @!p0 $0x0  }
0x12: {  	s1 =	sld [smem:$0x3F9D];
	s0 =	simm.s32 @p0 $0x1  }
0x13: {  	[smem:$0x3FB8] =	sst s0;
	s0 =	simm.s32 @!p1 $0x0  }
0x14: {  	s2 =	sld [smem:$0x3F9C];
	s0 =	simm.s32 @p1 $0x1  }
0x15: {  	[smem:$0x3FB9] =	sst s0;
	s0 =	simm.s32 @!p2 $0x0  }
0x16: {  	s3 =	sld [smem:$0x3FDB];
	s0 =	simm.s32 @p2 $0x1  }
0x17: {  	s4 =	simm.s32 $0x1BF5;
	[smem:$0x3FBB] =	sst s0  }
0x18: {  	s0 =	sld [smem:$0x3F9E];
	_ =	swait.ge [sflag:s4], $0x0  }
0x19: {  	s7 =	sld [smem:$0x3F9F]  }
0x1a: {  	s8 =	sadd.s32 $0xFFFFE003, lr  }
0x1b: {  	s9 =	sadd.s32 $0xFFFFFEF7, lr;
	s5 =	simm.s32 $0xFFFFFFFF;
	p2 =	slt.u32 s8, $0xFFFFF086  }
0x1c: {  	p1 =	slt.u32 s9, $0xF7A;
	s5 =	simm.s32 @!p2 $0x0  }
0x1d: {  	s5 =	simm.s32 @p1 $0x1;
	p0 =	seq.s32 s7, s2  }
0x1e: {  	s7 =	smul.u32 @!p0 $0xF7A, s2;
	p2 =	seq.s32 @!p0 s5, $0x0  }
0x1f: {  	s9 =	smul.u32 $0xF7A, s1;
	s8 =	simm.s32 @!p0 $0x1BF5;
	p2 =	por !p2, p0  }
0x20: {  	[sflag:s8] =	ssyncset.s32 @!p0 $0xFFFFF086;
	s6 =	sadd.s32 @!p0 s3, s7;
	s7 =	simm.s32 @!p0 $0x108  }
0x21: {  	s3 =	sadd.s32 s3, s9;
	s6 =	sadd.s32 @!p0 $0x88, s6;
	s7 =	simm.s32 @p2 $0x1082  }
0x22: {  	[simem:s7], [sflag:s8] =	dma.local @!p0 [hbm:s6], $0xF7A  }
0x23: {  	s9 =	sor.u32 $0xD0000000, s2;
	s6 =	simm.s32 $0x108;
	_ =	swait.ge @!p0 [sflag:s8], $0x0  }
0x24: {  	s3 =	sadd.s32 $0x88, s3;
	s6 =	simm.s32 @!p1 $0x1082;
	[sflag:s4] =	ssyncset.s32 $0xFFFFF086  }
0x25: {  	[simem:s6], [sflag:s4] =	dma.local [hbm:s3], $0xF7A  }
0x26: {  	[smem:$0x3F9F] =	sst s1;
	(tag) =	ssettag s2;
	_ =	strace s9  }
0x27: {  	s1 =	sld [smem:$0x3FAF]  }
0x28: {  	s2 =	sld [smem:$0x3FB0]  }
0x29: {  	s4 =	sld [smem:$0x3FB2]  }
0x2a: {  	p0 =	seq.s32 s5, $0x0;
	s5 =	sld [smem:$0x3FB3]  }
0x2b: {  	s6 =	sld [smem:$0x3FB4]  }
0x2c: {  	s7 =	sld [smem:$0x3FB5]  }
0x2d: {  	s3 =	simm.s32 $0x108;
	s8 =	sld [smem:$0x3FB6]  }
0x2e: {  	s3 =	simm.s32 @!p0 $0x1082;
	s9 =	sld [smem:$0x3FB7]  }
0x2f: {  	lr =	sadd.s32 s0, s3;
	s0 =	sld [smem:$0x3FAE]  }
0x30: {  	s3 =	sld [smem:$0x3FB1]  }
0x31: {  	[smem:$0x3FBA] =	sst s10  }
0x32: {  	s10 =	sld [smem:$0x3FB8];
	_ =	sdelay $0x3  }
0x33: {  	p0 =	seq.s32 s10, $0x1;
	s10 =	sld [smem:$0x3FBA];
	_ =	sdelay $0x3  }
0x34: {  	[smem:$0x3FBA] =	sst s10  }
0x35: {  	s10 =	sld [smem:$0x3FB9];
	_ =	sdelay $0x3  }
0x36: {  	p1 =	seq.s32 s10, $0x1;
	s10 =	sld [smem:$0x3FBA];
	_ =	sdelay $0x3  }
0x37: {  	[smem:$0x3FBA] =	sst s10  }
0x38: {  	s10 =	sld [smem:$0x3FBB]  }
0x39: {  	_ = 	snop;
	(pc) =	sbr.ind lr, $3  }
0x3a: {  	_ = 	snop  }
0x3b: {  	_ = 	snop  }
0x3c: {  	p2 =	seq.s32 s10, $0x1;
	s10 =	sld [smem:$0x3FBA]  }
0x3d: {  	_ =	shalt  }
0x3e: {  	_ =	shalt  }
0x3f: {  	_ =	shalt  }
0x40: {  	_ =	shalt  }
0x41: {  	_ =	shalt  }
0x42: {  	_ =	shalt  }
0x43: {  	_ =	shalt  }
0x44: {  	_ =	shalt  }
0x45: {  	_ =	shalt  }
0x46: {  	_ =	shalt  }
0x47: {  	_ =	shalt  }
0x48: {  	_ =	shalt  }
0x49: {  	_ =	shalt  }
0x4a: {  	_ =	shalt  }
0x4b: {  	_ =	shalt  }
0x4c: {  	_ =	shalt  }
0x4d: {  	_ =	shalt  }
0x4e: {  	_ =	shalt  }
0x4f: {  	_ =	shalt  }
0x50: {  	_ =	shalt  }
0x51: {  	_ =	shalt  }
0x52: {  	_ =	shalt  }
0x53: {  	_ =	shalt  }
0x54: {  	_ =	shalt  }
0x55: {  	_ =	shalt  }
0x56: {  	_ =	shalt  }
0x57: {  	_ =	shalt  }
0x58: {  	_ =	shalt  }
0x59: {  	_ =	shalt  }
0x5a: {  	_ =	shalt  }
0x5b: {  	_ =	shalt  }
0x5c: {  	_ =	shalt  }
0x5d: {  	_ =	shalt  }
0x5e: {  	_ =	shalt  }
0x5f: {  	_ =	shalt  }
0x60: {  	_ =	shalt  }
0x61: {  	_ =	shalt  }
0x62: {  	_ =	shalt  }
0x63: {  	_ =	shalt  }
0x64: {  	_ =	shalt  }
0x65: {  	_ =	shalt  }
0x66: {  	_ =	shalt  }
0x67: {  	_ =	shalt  }
0x68: {  	_ =	shalt  }
0x69: {  	_ =	shalt  }
0x6a: {  	_ =	shalt  }
0x6b: {  	_ =	shalt  }
0x6c: {  	_ =	shalt  }
0x6d: {  	_ =	shalt  }
0x6e: {  	_ =	shalt  }
0x6f: {  	_ =	shalt  }
0x70: {  	_ =	shalt  }
0x71: {  	_ =	shalt  }
0x72: {  	_ =	shalt  }
0x73: {  	_ =	shalt  }
0x74: {  	_ =	shalt  }
0x75: {  	_ =	shalt  }
0x76: {  	_ =	shalt  }
0x77: {  	_ =	shalt  }
0x78: {  	_ =	shalt  }
0x79: {  	_ =	shalt  }
0x7a: {  	_ =	shalt  }
0x7b: {  	_ =	shalt  }
0x7c: {  	_ =	shalt  }
0x7d: {  	_ =	shalt  }
0x7e: {  	_ =	shalt  }
0x7f: {  	_ =	shalt  }
0x80: {  	_ =	shalt  }
0x81: {  	_ =	shalt  }
0x82: {  	_ =	shalt  }
0x83: {  	_ =	shalt  }
0x84: {  	_ =	shalt  }
0x85: {  	_ =	shalt  }
0x86: {  	_ =	shalt  }
0x87: {  	_ =	shalt  }
.Lfunc_end0:
.L_simem_size_0:
called_computation_lowered:
.L_overlay_start_0:
0x88: {  	s2 =	sld [smem:$0x3FD9]  }
0x89: {  	s3 =	sld [smem:$0x3FFE];
	_ =	sdelay $0x1  }
0x8a: {  	s1 =	srdreg.scid  }
0x8b: {  	s0 =	sand.u32 $0x1, s1  }
0x8c: {  	s17 =	sshll.u32 s0, $0xA;
	s2 =	sadd.s32 s3, s2  }
0x8d: {  	s2 =	sadd.s32 s2, s17  }
0x8e: {  	[smem:$0x3FC6] =	sst s2  }
0x8f: {  	_ = 	snop  }
0x90: {  	s2 =	sld [smem:$0x3FD0];
	(tm) =	ssettm $0x1  }
0x91: {  	s18 =	sld [smem:$0x3FFB];
	_ =	sdelay $0x3  }
0x92: {  	_ =	strace s18  }
0x93: {  	s3 =	sld [smem:$0x3FFC];
	_ =	sdelay $0x3  }
0x94: {  	_ =	strace s3  }
0x95: {  	s3 =	sld [smem:$0x3FFD];
	_ =	sdelay $0x3  }
0x96: {  	_ =	strace s3  }
0x97: {  	_ =	strace $0x8FFFFFFF  }
0x98: {  	s19 =	sld [smem:$0x3FDB];
	_ =	sdelay $0x1  }
0x99: {  	s4 =	simm.s32 $_scs_section_size  }
0x9a: {  	s5 =	simm.s32 $_size__tile_overlayer_lowered;
	s6 =	simm.s32 $_tile_overlayer_lowered  }
0x9b: {  	s22 =	simm.s32 $0x1BFF;
	s21 =	sshll.u32 s6, $0x1;
	s3 =	sadd.s32 s4, s19  }
0x9c: {  	s7 =	simm.s32 $0x0;
	s20 =	sshll.u32 s5, $0x1;
	s5 =	sadd.s32 s21, s3  }
0x9d: {  	[timem:s7], [sflag:s22] =	dma.local [hbm:s5], s20  }
0x9e: {  	_ =	swait.ge [sflag:s22], s20  }
0x9f: {  	s4 =	ssub.s32 $0x0, s20;
	[sflag:s22] =	ssyncset.done $0x0  }
0xa0: {  	[sflag:s22] =	ssyncadd.s32 s4;
	_ =	sdelay $0x1  }
0xa1: {  	s23 =	simm.s32 $0x1B8B  }
0xa2: {  	_ =	swait.ge [sflag:s23], $0x1  }
0xa3: {  	[sflag:s23] =	ssyncset.done $0x0  }
0xa4: {  	s25 =	simm.s32 $0x1B8E;
	s24 =	sld [smem:$0x3FFE];
	[sflag:s23] =	ssyncadd.s32 $0xFFFFFFFF  }
0xa5: {  	s26 =	simm.s32 $execute0_lowered;
	[smem:$0x3FD2] =	sst s25  }
0xa6: {  	s5 =	sshll.u32 s26, $0x1;
	_ =	strace $0x80000046;
	[dreg:$0x1] =	wrdreg $0xFFFFFFFF  }
0xa7: {  	s28 =	simm.s32 $_size_execute0_lowered;
	s3 =	sadd.s32 s3, s5;
	[dreg:$0x0] =	wrdreg $0x0  }
0xa8: {  	s5 =	sshll.u32 s28, $0x1;
	[dreg:$0x2] =	wrdreg s3  }
0xa9: {  	[dreg:$0x3] =	wrdreg s5  }
0xaa: {  	[dreg:$0x4] =	wrdreg $0xC0  }
0xab: {  	_ =	task [dreg:s7], $0x5FFFF  }
0xac: {  	[dreg:$0x1] =	wrdreg $0xFFFFFFFF  }
0xad: {  	[dreg:$0x0] =	wrdreg $0x60  }
0xae: {  	[dreg:$0x2] =	wrdreg s24  }
0xaf: {  	[dreg:$0x3] =	wrdreg s2  }
0xb0: {  	[dreg:$0x4] =	wrdreg $0x9  }
0xb1: {  	_ =	task.clear_ibuf [dreg:s7], $0x5FFFF;
	_ =	strace $0x90000046  }
0xb2: {  	s29 =	simm.s32 $0x9;
	_ =	strace $0x80000048  }
0xb3: {  	_ =	swait.ge [sflag:s29], $0x1  }
0xb4: {  	[sflag:s29] =	ssyncadd.s32 $0xFFFFFFFF  }
0xb5: {  	_ =	strace $0x90000048  }
0xb6: {  	_ =	sfence  }
0xb7: {  	s30 =	sld [smem:$0x0];
	_ =	sdelay $0x2  }
0xb8: {  	s31 =	sshll.u32 s1, $0xD;
	s1 =	sshrl.u32 s1, $0x2  }
0xb9: {  	s3 =	sand.u32 $0x4000, s31;
	s1 =	sadd.s32 s1, s30  }
0xba: {  	s0 =	sor.u32 s3, s0;
	s1 =	sshll.u32 s1, $0x11  }
0xbb: {  	s0 =	sor.u32 s1, s0  }
0xbc: {  	s0 =	sadd.s32 $0x8F2B, s0  }
0xbd: {  	[sflag:s0] =	ssyncadd.remote.s32 $0x1  }
0xbe: {  	_ =	sfence.sel $0xFFFF  }
0xbf: {  	[dreg:$0x0] =	wrdreg $0xFFFFFFFF;
	(pc) =	sbr.abs _section_cstart, $3  }
0xc0: {  	[dreg:$0x1] =	wrdreg $0xFFFFFFFF  }
0xc1: {  	_ =	task.clear_ibuf [dreg:s7], $0x2FFFF;
	_ =	strace $0x9FFFFFFF  }
0xc2: {  	(tm) =	ssettm $0x7FFFFFFF  }
0xc3: {  	_ =	shalt  }
tec
execute0_lowered:
.L_overlay_start_1:
0x0: {  	(tag) =	ssettag $0x1  }
0x1: {  	s0 =	rddreg [dreg:$0x0]  }
0x2: {  	s1 =	rddreg [dreg:$0x1]  }
0x3: {  	s2 =	srdreg.scid;
	s4 =	stileid.u32  }
0x4: {  	s3 =	simm.s32 $0x0;
	s31 =	simm.s32 $0x3;
	s30 =	simm.s32 $0x800  }
0x5: {  	s29 =	simm.s32 $0xC00;
	s28 =	simm.s32 $0x1000;
	p0 =	por $0x0, $0x0  }
0x6: {  	s2 =	sand.u32 $0x1, s2;
	s4 =	sshll.u32 s4, $0x1;
	[smem:$0x7FF] =	sst s3  }
0x7: {  	s4 =	sor.u32 s2, s4;
	_ =	strace $0x80000047;
	s5 =	ssub.s32 $0x2, s2  }
0x8: {  	s2 =	sadd.s32 $0x400, s0;
	s0 =	sadd.s32 $0x7C0400, s0;
	s11 =	smul.u32 $0x3400, s4  }
0x9: {  	s6 =	sshrl.u32 s5, $0x1;
	s7 =	smul.u32 $0x68000, s4;
	s4 =	sshll.u32 s4, $0x11  }
0xa: {  	s10 =	ssub.s32 s5, s6;
	s8 =	sand.u32 $0x60000, s4;
	s14 =	sshrl.u32 s11, $0x7  }
0xb: {  	s15 =	sshrl.u32 s11, $0x3;
	s18 =	sadd.s32 $0x400, s11;
	s22 =	sadd.s32 $0x800, s11  }
0xc: {  	s26 =	sadd.s32 $0xC00, s11;
	s12 =	sadd.s32 $0x1000, s11;
	s5 =	sor.u32 s14, s7  }
0xd: {  	s1 =	sadd.s32 s1, s15;
	s19 =	sshll.u32 s18, $0x5;
	s20 =	sshll.u32 s18, $0x7  }
0xe: {  	s4 =	sshrl.u32 s18, $0x7;
	s23 =	sshll.u32 s22, $0x5;
	s24 =	sshll.u32 s22, $0x7  }
0xf: {  	s7 =	sshll.u32 s26, $0x5;
	s9 =	sshll.u32 s26, $0x7;
	s13 =	sshll.u32 s12, $0x5  }
0x10: {  	s16 =	sand.u32 $0xF80060, s5;
	[dreg:$0x3] =	wrdreg s1;
	s5 =	sand.u32 $0x1F80000, s19  }
0x11: {  	s6 =	sand.u32 $0x60000, s20;
	s4 =	sand.u32 $0x60, s4;
	s20 =	sadd.s32 $0x1800, s11  }
0x12: {  	s17 =	sor.u32 s8, s16;
	s5 =	sor.u32 s6, s5;
	s6 =	sand.u32 $0x60000, s24  }
0x13: {  	s1 =	sshrl.u32 s17, $0x3;
	s21 =	sor.u32 s4, s5;
	s5 =	sand.u32 $0x1F80000, s23  }
0x14: {  	s4 =	sshrl.u32 s22, $0x7;
	s17 =	sadd.s32 $0x1400, s11;
	s1 =	sadd.s32 s0, s1  }
0x15: {  	s5 =	sor.u32 s6, s5;
	s4 =	sand.u32 $0x60, s4;
	s6 =	sand.u32 $0x60000, s9  }
0x16: {  	s18 =	sshll.u32 s17, $0x5;
	s19 =	sshll.u32 s17, $0x7;
	s9 =	sshll.u32 s20, $0x7  }
0x17: {  	[dreg:$0x4] =	wrdreg s1;
	s1 =	sshrl.u32 s21, $0x3;
	s25 =	sor.u32 s4, s5  }
0x18: {  	s5 =	sand.u32 $0x1F80000, s7;
	s4 =	sshrl.u32 s26, $0x7;
	s21 =	sshll.u32 s20, $0x5  }
0x19: {  	s9 =	sand.u32 $0x60000, s9;
	s26 =	sadd.s32 $0x1C00, s11;
	s1 =	sadd.s32 s0, s1  }
0x1a: {  	s5 =	sor.u32 s6, s5;
	s4 =	sand.u32 $0x60, s4;
	s6 =	sshrl.u32 s12, $0x7  }
0x1b: {  	s7 =	sand.u32 $0x1F80000, s21;
	s12 =	sadd.s32 $0x2000, s11;
	[dreg:$0x5] =	wrdreg s1  }
0x1c: {  	s1 =	sshrl.u32 s25, $0x3;
	s4 =	sor.u32 s4, s5;
	s5 =	sor.u32 s13, s6  }
0x1d: {  	s6 =	sand.u32 $0x60000, s19;
	s22 =	sor.u32 s9, s7;
	s7 =	sshll.u32 s26, $0x5  }
0x1e: {  	s9 =	sshll.u32 s26, $0x7;
	s13 =	sshll.u32 s12, $0x5;
	s19 =	sadd.s32 $0x2800, s11  }
0x1f: {  	s1 =	sadd.s32 s0, s1;
	s4 =	sshrl.u32 s4, $0x3;
	s15 =	sand.u32 $0x7FF80060, s5  }
0x20: {  	s5 =	sand.u32 $0x1F80000, s18;
	[dreg:$0x6] =	wrdreg s1;
	s14 =	sadd.s32 s0, s4  }
0x21: {  	s16 =	sor.u32 s8, s15;
	s5 =	sor.u32 s6, s5;
	s4 =	sshrl.u32 s17, $0x7  }
0x22: {  	s6 =	sshrl.u32 s20, $0x7;
	s20 =	sshll.u32 s19, $0x5;
	[dreg:$0x7] =	wrdreg s14  }
0x23: {  	s1 =	sshrl.u32 s16, $0x3;
	s4 =	sand.u32 $0x60, s4;
	s6 =	sand.u32 $0x60, s6  }
0x24: {  	s14 =	sadd.s32 $0x2400, s11;
	s1 =	sadd.s32 s0, s1;
	s4 =	sor.u32 s4, s5  }
0x25: {  	s24 =	sor.u32 s6, s22;
	s6 =	sshrl.u32 s26, $0x7;
	s15 =	sshll.u32 s14, $0x5  }
0x26: {  	s26 =	simm.s32 $0x1400;
	[dreg:$0x8] =	wrdreg s1;
	s23 =	sshrl.u32 s4, $0x3  }
0x27: {  	s25 =	sshrl.u32 s24, $0x3;
	s1 =	sand.u32 $0x1F80000, s7;
	s7 =	sand.u32 $0x60000, s9  }
0x28: {  	s6 =	sand.u32 $0x60, s6;
	s9 =	sand.u32 $0x1F80000, s15;
	s24 =	smax.u32 s10, $0x1  }
0x29: {  	s10 =	simm.s32 $0x3400;
	s5 =	sadd.s32 s0, s23;
	s4 =	sadd.s32 s0, s25  }
0x2a: {  	s1 =	sor.u32 s7, s1;
	s7 =	sshrl.u32 s12, $0x7;
	s12 =	sshll.u32 s14, $0x7  }
0x2b: {  	s25 =	simm.s32 $0x1800;
	p1 =	sne.s32 s24, $0x1;
	s1 =	sor.u32 s6, s1  }
0x2c: {  	s6 =	sor.u32 s13, s7;
	s12 =	sand.u32 $0x60000, s12;
	s7 =	sshrl.u32 s14, $0x7  }
0x2d: {  	s13 =	sshll.u32 s19, $0x7;
	s14 =	sadd.s32 $0x2C00, s11;
	s11 =	sadd.s32 $0x3000, s11  }
0x2e: {  	s1 =	sshrl.u32 s1, $0x3;
	s6 =	sand.u32 $0x7FF80060, s6;
	s12 =	sor.u32 s12, s9  }
0x2f: {  	s7 =	sand.u32 $0x60, s7;
	s13 =	sand.u32 $0x60000, s13;
	s21 =	sshll.u32 s14, $0x5  }
0x30: {  	s15 =	sshll.u32 s14, $0x7;
	s14 =	sshrl.u32 s14, $0x7;
	s6 =	sor.u32 s8, s6  }
0x31: {  	s9 =	sadd.s32 s0, s1;
	s17 =	sor.u32 s7, s12;
	s1 =	sand.u32 $0x1F80000, s20  }
0x32: {  	s12 =	sshrl.u32 s19, $0x7;
	s15 =	sand.u32 $0x60000, s15;
	s14 =	sand.u32 $0x60, s14  }
0x33: {  	s20 =	simm.s32 $0x2C00;
	s19 =	simm.s32 $0x3000;
	s16 =	sshrl.u32 s6, $0x3  }
0x34: {  	s18 =	sshrl.u32 s17, $0x3;
	s1 =	sor.u32 s13, s1;
	s12 =	sand.u32 $0x60, s12  }
0x35: {  	s13 =	sand.u32 $0x1F80000, s21;
	s21 =	simm.s32 $0x2800;
	s7 =	sadd.s32 s0, s16  }
0x36: {  	s6 =	sadd.s32 s0, s18;
	s16 =	sshll.u32 s11, $0x5;
	s11 =	sshrl.u32 s11, $0x7  }
0x37: {  	s13 =	sor.u32 s15, s13;
	s1 =	sor.u32 s12, s1;
	s18 =	simm.s32 $0x400  }
0x38: {  	s15 =	simm.s32 $0x1;
	s11 =	sor.u32 s16, s11;
	s22 =	sor.u32 s14, s13  }
0x39: {  	s1 =	sshrl.u32 s1, $0x3;
	s16 =	simm.s32 $0xB400;
	s13 =	simm.s32 $0x20  }
.Ltmp0:
0x3a: {  	s14 =	simm.s32 $0x80;
	s11 =	sand.u32 $0x7FF80060, s11;
	(pc) =	sbr.rel @!p1 .LBB2_3-.Ltmp0, $4  }
0x3b: {  	s23 =	sshrl.u32 s22, $0x3;
	s17 =	sadd.s32 s0, s1;
	s22 =	simm.s32 $0x2400  }
0x3c: {  	s1 =	rddreg [dreg:$0x3];
	s8 =	sor.u32 s8, s11;
	s12 =	sadd.s32 s0, s23  }
0x3d: {  	s11 =	simm.s32 $0x2;
	s23 =	simm.s32 $0x2000;
	s8 =	sshrl.u32 s8, $0x3  }
0x3e: {  	s8 =	sadd.s32 s0, s8;
	s0 =	sadd.s32 $0xFFFFFFFF, s24;
	s24 =	simm.s32 $0x1C00  }
0x3f: {  	[tilespmem:s3], [sflag:$0x3] =	stream.linear.gather [hbm4b:s1+s3], $0x3400, $0x38;
	[tilespmem:$0x13400] =	vst v63  }
0x40: {  	_ =	swait.ge [sflag:s31], $0x3400  }
0x41: {  	[sflag:s31] =	ssyncset.done $0x0  }
0x42: {  	[sflag:s31] =	ssyncadd.s32 $0xFFFFCC00  }
0x43: {  	[tilespmem:s10], [sflag:$0x1] =	stream.indirect.gather [hbm4b:s2+s18], $0x20, s3, s18, $0xb8;
	[tilespmem:$0x13400] =	vst v63  }
0x44: {  	_ = 	snop  }
0x45: {  	[tilespmem:s16], [sflag:$0x1] =	stream.indirect.gather [hbm4b:s2+s18], $0x20, s18, s18, $0xb8;
	[tilespmem:$0x13400] =	vst v63  }
0x46: {  	_ =	swait.ge [sflag:s15], $0x8000  }
0x47: {  	[sflag:s15] =	ssyncset.done $0x0  }
0x48: {  	s1 =	rddreg [dreg:$0x4];
	[sflag:s15] =	ssyncadd.s32 $0xFFFF8000  }
0x49: {  	[hbm4b:s1+s13] =	stream.strided.scatter [tilespmem:s10], [sflag:$0x2], $0x8000, s14, s13, $0x38;
	[tilespmem:$0x13400] =	vst v63  }
0x4a: {  	_ = 	snop  }
0x4b: {  	[tilespmem:s10], [sflag:$0x1] =	stream.indirect.gather [hbm4b:s2+s18], $0x20, s30, s18, $0xb8;
	[tilespmem:$0x13400] =	vst v63  }
0x4c: {  	_ =	swait.ge [sflag:s15], $0x8000  }
0x4d: {  	[sflag:s15] =	ssyncset.done $0x0  }
0x4e: {  	s1 =	rddreg [dreg:$0x5];
	[sflag:s15] =	ssyncadd.s32 $0xFFFF8000  }
0x4f: {  	[hbm4b:s1+s13] =	stream.strided.scatter [tilespmem:s16], [sflag:$0x2], $0x8000, s14, s13, $0x38;
	[tilespmem:$0x13400] =	vst v63  }
0x50: {  	_ = 	snop  }
0x51: {  	[tilespmem:s16], [sflag:$0x1] =	stream.indirect.gather [hbm4b:s2+s18], $0x20, s29, s18, $0xb8;
	[tilespmem:$0x13400] =	vst v63  }
0x52: {  	_ =	swait.ge [sflag:s15], $0x8000  }
0x53: {  	[sflag:s15] =	ssyncset.done $0x0  }
0x54: {  	[sflag:s15] =	ssyncadd.s32 $0xFFFF8000  }
0x55: {  	_ =	swait.ge [sflag:s11], $0x8000  }
0x56: {  	[sflag:s11] =	ssyncset.done $0x0  }
0x57: {  	s1 =	rddreg [dreg:$0x6];
	[sflag:s11] =	ssyncadd.s32 $0xFFFF8000  }
0x58: {  	[hbm4b:s1+s13] =	stream.strided.scatter [tilespmem:s10], [sflag:$0x2], $0x8000, s14, s13, $0x38;
	[tilespmem:$0x13400] =	vst v63  }
0x59: {  	_ = 	snop  }
0x5a: {  	[tilespmem:s10], [sflag:$0x1] =	stream.indirect.gather [hbm4b:s2+s18], $0x20, s28, s18, $0xb8;
	[tilespmem:$0x13400] =	vst v63  }
0x5b: {  	_ =	swait.ge [sflag:s15], $0x8000  }
0x5c: {  	[sflag:s15] =	ssyncset.done $0x0  }
0x5d: {  	[sflag:s15] =	ssyncadd.s32 $0xFFFF8000  }
0x5e: {  	_ =	swait.ge [sflag:s11], $0x8000  }
0x5f: {  	[sflag:s11] =	ssyncset.done $0x0  }
0x60: {  	s1 =	rddreg [dreg:$0x7];
	[sflag:s11] =	ssyncadd.s32 $0xFFFF8000  }
0x61: {  	[hbm4b:s1+s13] =	stream.strided.scatter [tilespmem:s16], [sflag:$0x2], $0x8000, s14, s13, $0x38;
	[tilespmem:$0x13400] =	vst v63  }
0x62: {  	_ = 	snop  }
0x63: {  	[tilespmem:s16], [sflag:$0x1] =	stream.indirect.gather [hbm4b:s2+s18], $0x20, s26, s18, $0xb8;
	[tilespmem:$0x13400] =	vst v63  }
0x64: {  	_ =	swait.ge [sflag:s15], $0x8000  }
0x65: {  	[sflag:s15] =	ssyncset.done $0x0  }
0x66: {  	[sflag:s15] =	ssyncadd.s32 $0xFFFF8000  }
0x67: {  	_ =	swait.ge [sflag:s11], $0x8000  }
0x68: {  	[sflag:s11] =	ssyncset.done $0x0  }
0x69: {  	s1 =	rddreg [dreg:$0x8];
	[sflag:s11] =	ssyncadd.s32 $0xFFFF8000  }
0x6a: {  	[hbm4b:s1+s13] =	stream.strided.scatter [tilespmem:s10], [sflag:$0x2], $0x8000, s14, s13, $0x38;
	[tilespmem:$0x13400] =	vst v63  }
0x6b: {  	_ = 	snop  }
0x6c: {  	[tilespmem:s10], [sflag:$0x1] =	stream.indirect.gather [hbm4b:s2+s18], $0x20, s25, s18, $0xb8;
	[tilespmem:$0x13400] =	vst v63  }
0x6d: {  	_ =	swait.ge [sflag:s15], $0x8000  }
0x6e: {  	[sflag:s15] =	ssyncset.done $0x0  }
0x6f: {  	[sflag:s15] =	ssyncadd.s32 $0xFFFF8000  }
0x70: {  	_ =	swait.ge [sflag:s11], $0x8000  }
0x71: {  	[sflag:s11] =	ssyncset.done $0x0  }
0x72: {  	[sflag:s11] =	ssyncadd.s32 $0xFFFF8000  }
0x73: {  	[hbm4b:s5+s13] =	stream.strided.scatter [tilespmem:s16], [sflag:$0x2], $0x8000, s14, s13, $0x38;
	[tilespmem:$0x13400] =	vst v63  }
0x74: {  	_ = 	snop  }
0x75: {  	[tilespmem:s16], [sflag:$0x1] =	stream.indirect.gather [hbm4b:s2+s18], $0x20, s24, s18, $0xb8;
	[tilespmem:$0x13400] =	vst v63  }
0x76: {  	_ =	swait.ge [sflag:s15], $0x8000  }
0x77: {  	[sflag:s15] =	ssyncset.done $0x0  }
0x78: {  	[sflag:s15] =	ssyncadd.s32 $0xFFFF8000  }
0x79: {  	_ =	swait.ge [sflag:s11], $0x8000  }
0x7a: {  	[sflag:s11] =	ssyncset.done $0x0  }
0x7b: {  	[sflag:s11] =	ssyncadd.s32 $0xFFFF8000  }
0x7c: {  	[hbm4b:s4+s13] =	stream.strided.scatter [tilespmem:s10], [sflag:$0x2], $0x8000, s14, s13, $0x38;
	[tilespmem:$0x13400] =	vst v63  }
0x7d: {  	_ = 	snop  }
0x7e: {  	[tilespmem:s10], [sflag:$0x1] =	stream.indirect.gather [hbm4b:s2+s18], $0x20, s23, s18, $0xb8;
	[tilespmem:$0x13400] =	vst v63  }
0x7f: {  	_ =	swait.ge [sflag:s15], $0x8000  }
0x80: {  	[sflag:s15] =	ssyncset.done $0x0  }
0x81: {  	[sflag:s15] =	ssyncadd.s32 $0xFFFF8000  }
0x82: {  	_ =	swait.ge [sflag:s11], $0x8000  }
0x83: {  	[sflag:s11] =	ssyncset.done $0x0  }
0x84: {  	[sflag:s11] =	ssyncadd.s32 $0xFFFF8000  }
0x85: {  	[hbm4b:s9+s13] =	stream.strided.scatter [tilespmem:s16], [sflag:$0x2], $0x8000, s14, s13, $0x38;
	[tilespmem:$0x13400] =	vst v63  }
0x86: {  	_ = 	snop  }
0x87: {  	[tilespmem:s16], [sflag:$0x1] =	stream.indirect.gather [hbm4b:s2+s18], $0x20, s22, s18, $0xb8;
	[tilespmem:$0x13400] =	vst v63  }
0x88: {  	_ =	swait.ge [sflag:s15], $0x8000  }
0x89: {  	[sflag:s15] =	ssyncset.done $0x0  }
0x8a: {  	[sflag:s15] =	ssyncadd.s32 $0xFFFF8000  }
0x8b: {  	_ =	swait.ge [sflag:s11], $0x8000  }
0x8c: {  	[sflag:s11] =	ssyncset.done $0x0  }
0x8d: {  	[sflag:s11] =	ssyncadd.s32 $0xFFFF8000  }
0x8e: {  	[hbm4b:s7+s13] =	stream.strided.scatter [tilespmem:s10], [sflag:$0x2], $0x8000, s14, s13, $0x38;
	[tilespmem:$0x13400] =	vst v63  }
0x8f: {  	_ = 	snop  }
0x90: {  	[tilespmem:s10], [sflag:$0x1] =	stream.indirect.gather [hbm4b:s2+s18], $0x20, s21, s18, $0xb8;
	[tilespmem:$0x13400] =	vst v63  }
0x91: {  	_ =	swait.ge [sflag:s15], $0x8000  }
0x92: {  	[sflag:s15] =	ssyncset.done $0x0  }
0x93: {  	[sflag:s15] =	ssyncadd.s32 $0xFFFF8000  }
0x94: {  	_ =	swait.ge [sflag:s11], $0x8000  }
0x95: {  	[sflag:s11] =	ssyncset.done $0x0  }
0x96: {  	[sflag:s11] =	ssyncadd.s32 $0xFFFF8000  }
0x97: {  	[hbm4b:s6+s13] =	stream.strided.scatter [tilespmem:s16], [sflag:$0x2], $0x8000, s14, s13, $0x38;
	[tilespmem:$0x13400] =	vst v63  }
0x98: {  	_ = 	snop  }
0x99: {  	[tilespmem:s16], [sflag:$0x1] =	stream.indirect.gather [hbm4b:s2+s18], $0x20, s20, s18, $0xb8;
	[tilespmem:$0x13400] =	vst v63  }
0x9a: {  	_ =	swait.ge [sflag:s15], $0x8000  }
0x9b: {  	[sflag:s15] =	ssyncset.done $0x0  }
0x9c: {  	[sflag:s15] =	ssyncadd.s32 $0xFFFF8000  }
0x9d: {  	_ =	swait.ge [sflag:s11], $0x8000  }
0x9e: {  	[sflag:s11] =	ssyncset.done $0x0  }
0x9f: {  	[sflag:s11] =	ssyncadd.s32 $0xFFFF8000  }
0xa0: {  	[hbm4b:s17+s13] =	stream.strided.scatter [tilespmem:s10], [sflag:$0x2], $0x8000, s14, s13, $0x38;
	[tilespmem:$0x13400] =	vst v63  }
0xa1: {  	_ = 	snop  }
0xa2: {  	[tilespmem:s10], [sflag:$0x1] =	stream.indirect.gather [hbm4b:s2+s18], $0x20, s19, s18, $0xb8;
	[tilespmem:$0x13400] =	vst v63  }
0xa3: {  	_ =	swait.ge [sflag:s15], $0x8000  }
0xa4: {  	[sflag:s15] =	ssyncset.done $0x0  }
0xa5: {  	[sflag:s15] =	ssyncadd.s32 $0xFFFF8000  }
0xa6: {  	_ =	swait.ge [sflag:s11], $0x8000  }
0xa7: {  	[sflag:s11] =	ssyncset.done $0x0  }
0xa8: {  	[sflag:s11] =	ssyncadd.s32 $0xFFFF8000  }
0xa9: {  	[hbm4b:s12+s13] =	stream.strided.scatter [tilespmem:s16], [sflag:$0x2], $0x8000, s14, s13, $0x38;
	[tilespmem:$0x13400] =	vst v63  }
0xaa: {  	_ =	swait.ge [sflag:s15], $0x8000  }
0xab: {  	[sflag:s15] =	ssyncset.done $0x0  }
0xac: {  	[sflag:s15] =	ssyncadd.s32 $0xFFFF8000  }
0xad: {  	_ =	swait.ge [sflag:s11], $0x8000  }
0xae: {  	[sflag:s11] =	ssyncset.done $0x0  }
0xaf: {  	p1 =	sne.s32 s0, $0x1;
	[sflag:s11] =	ssyncadd.s32 $0xFFFF8000  }
0xb0: {  	[hbm4b:s8+s13] =	stream.strided.scatter [tilespmem:s10], [sflag:$0x2], $0x8000, s14, s13, $0x38;
	[tilespmem:$0x13400] =	vst v63  }
.Ltmp1:
0xb1: {  	_ =	swait.ge [sflag:s11], $0x8000;
	(pc) =	sbr.rel @!p1 .LBB2_3-.Ltmp1, $4  }
0xb2: {  	[sflag:s11] =	ssyncset.done $0x0  }
0xb3: {  	[sflag:s11] =	ssyncadd.s32 $0xFFFF8000  }
0xb4: {  	s0 =	sadd.s32 $0xFFFFFFFF, s0;
	_ =	swait.ge [sflag:s11], $0x8000  }
0xb5: {  	p0 =	por $0x1, $0x1;
	s1 =	rddreg [dreg:$0x3];
	[sflag:s11] =	ssyncset.done $0x0  }
.LBB2_2:
0xb6: {  	[sflag:s11] =	ssyncadd.s32 $0xFFFF8000  }
0xb7: {  	[tilespmem:s3], [sflag:$0x3] =	stream.linear.gather [hbm4b:s1+s3], $0x3400, $0x38;
	[tilespmem:$0x13400] =	vst v63  }
0xb8: {  	_ =	swait.ge [sflag:s31], $0x3400  }
0xb9: {  	[sflag:s31] =	ssyncset.done $0x0  }
0xba: {  	[sflag:s31] =	ssyncadd.s32 $0xFFFFCC00  }
0xbb: {  	[tilespmem:s10], [sflag:$0x1] =	stream.indirect.gather [hbm4b:s2+s18], $0x20, s3, s18, $0xb8;
	[tilespmem:$0x13400] =	vst v63  }
0xbc: {  	_ = 	snop  }
0xbd: {  	[tilespmem:s16], [sflag:$0x1] =	stream.indirect.gather [hbm4b:s2+s18], $0x20, s18, s18, $0xb8;
	[tilespmem:$0x13400] =	vst v63  }
0xbe: {  	_ =	swait.ge [sflag:s15], $0x8000  }
0xbf: {  	[sflag:s15] =	ssyncset.done $0x0  }
0xc0: {  	s1 =	rddreg [dreg:$0x4];
	[sflag:s15] =	ssyncadd.s32 $0xFFFF8000  }
0xc1: {  	[hbm4b:s1+s13] =	stream.strided.scatter [tilespmem:s10], [sflag:$0x2], $0x8000, s14, s13, $0x38;
	[tilespmem:$0x13400] =	vst v63  }
0xc2: {  	_ = 	snop  }
0xc3: {  	[tilespmem:s10], [sflag:$0x1] =	stream.indirect.gather [hbm4b:s2+s18], $0x20, s30, s18, $0xb8;
	[tilespmem:$0x13400] =	vst v63  }
0xc4: {  	_ =	swait.ge [sflag:s15], $0x8000  }
0xc5: {  	[sflag:s15] =	ssyncset.done $0x0  }
0xc6: {  	s1 =	rddreg [dreg:$0x5];
	[sflag:s15] =	ssyncadd.s32 $0xFFFF8000  }
0xc7: {  	[hbm4b:s1+s13] =	stream.strided.scatter [tilespmem:s16], [sflag:$0x2], $0x8000, s14, s13, $0x38;
	[tilespmem:$0x13400] =	vst v63  }
0xc8: {  	_ = 	snop  }
0xc9: {  	[tilespmem:s16], [sflag:$0x1] =	stream.indirect.gather [hbm4b:s2+s18], $0x20, s29, s18, $0xb8;
	[tilespmem:$0x13400] =	vst v63  }
0xca: {  	_ =	swait.ge [sflag:s15], $0x8000  }
0xcb: {  	[sflag:s15] =	ssyncset.done $0x0  }
0xcc: {  	[sflag:s15] =	ssyncadd.s32 $0xFFFF8000  }
0xcd: {  	_ =	swait.ge [sflag:s11], $0x8000  }
0xce: {  	[sflag:s11] =	ssyncset.done $0x0  }
0xcf: {  	s1 =	rddreg [dreg:$0x6];
	[sflag:s11] =	ssyncadd.s32 $0xFFFF8000  }
0xd0: {  	[hbm4b:s1+s13] =	stream.strided.scatter [tilespmem:s10], [sflag:$0x2], $0x8000, s14, s13, $0x38;
	[tilespmem:$0x13400] =	vst v63  }
0xd1: {  	_ = 	snop  }
0xd2: {  	[tilespmem:s10], [sflag:$0x1] =	stream.indirect.gather [hbm4b:s2+s18], $0x20, s28, s18, $0xb8;
	[tilespmem:$0x13400] =	vst v63  }
0xd3: {  	_ =	swait.ge [sflag:s15], $0x8000  }
0xd4: {  	[sflag:s15] =	ssyncset.done $0x0  }
0xd5: {  	[sflag:s15] =	ssyncadd.s32 $0xFFFF8000  }
0xd6: {  	_ =	swait.ge [sflag:s11], $0x8000  }
0xd7: {  	[sflag:s11] =	ssyncset.done $0x0  }
0xd8: {  	s1 =	rddreg [dreg:$0x7];
	[sflag:s11] =	ssyncadd.s32 $0xFFFF8000  }
0xd9: {  	[hbm4b:s1+s13] =	stream.strided.scatter [tilespmem:s16], [sflag:$0x2], $0x8000, s14, s13, $0x38;
	[tilespmem:$0x13400] =	vst v63  }
0xda: {  	_ = 	snop  }
0xdb: {  	[tilespmem:s16], [sflag:$0x1] =	stream.indirect.gather [hbm4b:s2+s18], $0x20, s26, s18, $0xb8;
	[tilespmem:$0x13400] =	vst v63  }
0xdc: {  	_ =	swait.ge [sflag:s15], $0x8000  }
0xdd: {  	[sflag:s15] =	ssyncset.done $0x0  }
0xde: {  	[sflag:s15] =	ssyncadd.s32 $0xFFFF8000  }
0xdf: {  	_ =	swait.ge [sflag:s11], $0x8000  }
0xe0: {  	[sflag:s11] =	ssyncset.done $0x0  }
0xe1: {  	s1 =	rddreg [dreg:$0x8];
	[sflag:s11] =	ssyncadd.s32 $0xFFFF8000  }
0xe2: {  	[hbm4b:s1+s13] =	stream.strided.scatter [tilespmem:s10], [sflag:$0x2], $0x8000, s14, s13, $0x38;
	[tilespmem:$0x13400] =	vst v63  }
0xe3: {  	_ = 	snop  }
0xe4: {  	[tilespmem:s10], [sflag:$0x1] =	stream.indirect.gather [hbm4b:s2+s18], $0x20, s25, s18, $0xb8;
	[tilespmem:$0x13400] =	vst v63  }
0xe5: {  	_ =	swait.ge [sflag:s15], $0x8000  }
0xe6: {  	[sflag:s15] =	ssyncset.done $0x0  }
0xe7: {  	[sflag:s15] =	ssyncadd.s32 $0xFFFF8000  }
0xe8: {  	_ =	swait.ge [sflag:s11], $0x8000  }
0xe9: {  	[sflag:s11] =	ssyncset.done $0x0  }
0xea: {  	[sflag:s11] =	ssyncadd.s32 $0xFFFF8000  }
0xeb: {  	[hbm4b:s5+s13] =	stream.strided.scatter [tilespmem:s16], [sflag:$0x2], $0x8000, s14, s13, $0x38;
	[tilespmem:$0x13400] =	vst v63  }
0xec: {  	_ = 	snop  }
0xed: {  	[tilespmem:s16], [sflag:$0x1] =	stream.indirect.gather [hbm4b:s2+s18], $0x20, s24, s18, $0xb8;
	[tilespmem:$0x13400] =	vst v63  }
0xee: {  	_ =	swait.ge [sflag:s15], $0x8000  }
0xef: {  	[sflag:s15] =	ssyncset.done $0x0  }
0xf0: {  	[sflag:s15] =	ssyncadd.s32 $0xFFFF8000  }
0xf1: {  	_ =	swait.ge [sflag:s11], $0x8000  }
0xf2: {  	[sflag:s11] =	ssyncset.done $0x0  }
0xf3: {  	[sflag:s11] =	ssyncadd.s32 $0xFFFF8000  }
0xf4: {  	[hbm4b:s4+s13] =	stream.strided.scatter [tilespmem:s10], [sflag:$0x2], $0x8000, s14, s13, $0x38;
	[tilespmem:$0x13400] =	vst v63  }
0xf5: {  	_ = 	snop  }
0xf6: {  	[tilespmem:s10], [sflag:$0x1] =	stream.indirect.gather [hbm4b:s2+s18], $0x20, s23, s18, $0xb8;
	[tilespmem:$0x13400] =	vst v63  }
0xf7: {  	_ =	swait.ge [sflag:s15], $0x8000  }
0xf8: {  	[sflag:s15] =	ssyncset.done $0x0  }
0xf9: {  	[sflag:s15] =	ssyncadd.s32 $0xFFFF8000  }
0xfa: {  	_ =	swait.ge [sflag:s11], $0x8000  }
0xfb: {  	[sflag:s11] =	ssyncset.done $0x0  }
0xfc: {  	[sflag:s11] =	ssyncadd.s32 $0xFFFF8000  }
0xfd: {  	[hbm4b:s9+s13] =	stream.strided.scatter [tilespmem:s16], [sflag:$0x2], $0x8000, s14, s13, $0x38;
	[tilespmem:$0x13400] =	vst v63  }
0xfe: {  	_ = 	snop  }
0xff: {  	[tilespmem:s16], [sflag:$0x1] =	stream.indirect.gather [hbm4b:s2+s18], $0x20, s22, s18, $0xb8;
	[tilespmem:$0x13400] =	vst v63  }
0x100: {  	_ =	swait.ge [sflag:s15], $0x8000  }
0x101: {  	[sflag:s15] =	ssyncset.done $0x0  }
0x102: {  	[sflag:s15] =	ssyncadd.s32 $0xFFFF8000  }
0x103: {  	_ =	swait.ge [sflag:s11], $0x8000  }
0x104: {  	[sflag:s11] =	ssyncset.done $0x0  }
0x105: {  	[sflag:s11] =	ssyncadd.s32 $0xFFFF8000  }
0x106: {  	[hbm4b:s7+s13] =	stream.strided.scatter [tilespmem:s10], [sflag:$0x2], $0x8000, s14, s13, $0x38;
	[tilespmem:$0x13400] =	vst v63  }
0x107: {  	_ = 	snop  }
0x108: {  	[tilespmem:s10], [sflag:$0x1] =	stream.indirect.gather [hbm4b:s2+s18], $0x20, s21, s18, $0xb8;
	[tilespmem:$0x13400] =	vst v63  }
0x109: {  	_ =	swait.ge [sflag:s15], $0x8000  }
0x10a: {  	[sflag:s15] =	ssyncset.done $0x0  }
0x10b: {  	[sflag:s15] =	ssyncadd.s32 $0xFFFF8000  }
0x10c: {  	_ =	swait.ge [sflag:s11], $0x8000  }
0x10d: {  	[sflag:s11] =	ssyncset.done $0x0  }
0x10e: {  	[sflag:s11] =	ssyncadd.s32 $0xFFFF8000  }
0x10f: {  	[hbm4b:s6+s13] =	stream.strided.scatter [tilespmem:s16], [sflag:$0x2], $0x8000, s14, s13, $0x38;
	[tilespmem:$0x13400] =	vst v63  }
0x110: {  	_ = 	snop  }
0x111: {  	[tilespmem:s16], [sflag:$0x1] =	stream.indirect.gather [hbm4b:s2+s18], $0x20, s20, s18, $0xb8;
	[tilespmem:$0x13400] =	vst v63  }
0x112: {  	_ =	swait.ge [sflag:s15], $0x8000  }
0x113: {  	[sflag:s15] =	ssyncset.done $0x0  }
0x114: {  	[sflag:s15] =	ssyncadd.s32 $0xFFFF8000  }
0x115: {  	_ =	swait.ge [sflag:s11], $0x8000  }
0x116: {  	[sflag:s11] =	ssyncset.done $0x0  }
0x117: {  	[sflag:s11] =	ssyncadd.s32 $0xFFFF8000  }
0x118: {  	[hbm4b:s17+s13] =	stream.strided.scatter [tilespmem:s10], [sflag:$0x2], $0x8000, s14, s13, $0x38;
	[tilespmem:$0x13400] =	vst v63  }
0x119: {  	_ = 	snop  }
0x11a: {  	[tilespmem:s10], [sflag:$0x1] =	stream.indirect.gather [hbm4b:s2+s18], $0x20, s19, s18, $0xb8;
	[tilespmem:$0x13400] =	vst v63  }
0x11b: {  	_ =	swait.ge [sflag:s15], $0x8000  }
0x11c: {  	[sflag:s15] =	ssyncset.done $0x0  }
0x11d: {  	[sflag:s15] =	ssyncadd.s32 $0xFFFF8000  }
0x11e: {  	_ =	swait.ge [sflag:s11], $0x8000  }
0x11f: {  	[sflag:s11] =	ssyncset.done $0x0  }
0x120: {  	[sflag:s11] =	ssyncadd.s32 $0xFFFF8000  }
0x121: {  	[hbm4b:s12+s13] =	stream.strided.scatter [tilespmem:s16], [sflag:$0x2], $0x8000, s14, s13, $0x38;
	[tilespmem:$0x13400] =	vst v63  }
0x122: {  	_ =	swait.ge [sflag:s15], $0x8000  }
0x123: {  	[sflag:s15] =	ssyncset.done $0x0  }
0x124: {  	[sflag:s15] =	ssyncadd.s32 $0xFFFF8000  }
0x125: {  	_ =	swait.ge [sflag:s11], $0x8000  }
0x126: {  	[sflag:s11] =	ssyncset.done $0x0  }
0x127: {  	p1 =	sne.s32 s0, $0x1;
	[sflag:s11] =	ssyncadd.s32 $0xFFFF8000  }
0x128: {  	[hbm4b:s8+s13] =	stream.strided.scatter [tilespmem:s10], [sflag:$0x2], $0x8000, s14, s13, $0x38;
	[tilespmem:$0x13400] =	vst v63  }
.Ltmp2:
0x129: {  	_ =	swait.ge [sflag:s11], $0x8000;
	(pc) =	sbr.rel @p1 .LBB2_2-.Ltmp2, $4  }
0x12a: {  	[sflag:s11] =	ssyncset.done $0x0  }
0x12b: {  	[sflag:s11] =	ssyncadd.s32 $0xFFFF8000  }
0x12c: {  	_ =	swait.ge [sflag:s11], $0x8000  }
0x12d: {  	s0 =	sadd.s32 $0xFFFFFFFF, s0;
	s1 =	rddreg [dreg:$0x3];
	[sflag:s11] =	ssyncset.done $0x0  }
.LBB2_3:
0x12e: {  	[sflag:s11] =	ssyncadd.s32 @p0 $0xFFFF8000  }
0x12f: {  	[tilespmem:s3], [sflag:$0x3] =	stream.linear.gather [hbm4b:s1+s3], $0x3400, $0x38;
	[tilespmem:$0x13400] =	vst v63  }
0x130: {  	_ =	swait.ge [sflag:s31], $0x3400  }
0x131: {  	[sflag:s31] =	ssyncset.done $0x0  }
0x132: {  	[sflag:s31] =	ssyncadd.s32 $0xFFFFCC00  }
0x133: {  	[tilespmem:s10], [sflag:$0x1] =	stream.indirect.gather [hbm4b:s2+s18], $0x20, s3, s18, $0xb8;
	[tilespmem:$0x13400] =	vst v63  }
0x134: {  	_ = 	snop  }
0x135: {  	[tilespmem:s16], [sflag:$0x1] =	stream.indirect.gather [hbm4b:s2+s18], $0x20, s18, s18, $0xb8;
	[tilespmem:$0x13400] =	vst v63  }
0x136: {  	_ =	swait.ge [sflag:s15], $0x8000  }
0x137: {  	[sflag:s15] =	ssyncset.done $0x0  }
0x138: {  	s0 =	rddreg [dreg:$0x4];
	[sflag:s15] =	ssyncadd.s32 $0xFFFF8000  }
0x139: {  	[hbm4b:s0+s13] =	stream.strided.scatter [tilespmem:s10], [sflag:$0x2], $0x8000, s14, s13, $0x38;
	[tilespmem:$0x13400] =	vst v63  }
0x13a: {  	_ = 	snop  }
0x13b: {  	[tilespmem:s10], [sflag:$0x1] =	stream.indirect.gather [hbm4b:s2+s18], $0x20, s30, s18, $0xb8;
	[tilespmem:$0x13400] =	vst v63  }
0x13c: {  	_ =	swait.ge [sflag:s15], $0x8000  }
0x13d: {  	[sflag:s15] =	ssyncset.done $0x0  }
0x13e: {  	s1 =	rddreg [dreg:$0x5];
	[sflag:s15] =	ssyncadd.s32 $0xFFFF8000  }
0x13f: {  	[hbm4b:s1+s13] =	stream.strided.scatter [tilespmem:s16], [sflag:$0x2], $0x8000, s14, s13, $0x38;
	[tilespmem:$0x13400] =	vst v63  }
0x140: {  	_ = 	snop  }
0x141: {  	[tilespmem:s16], [sflag:$0x1] =	stream.indirect.gather [hbm4b:s2+s18], $0x20, s29, s18, $0xb8;
	[tilespmem:$0x13400] =	vst v63  }
0x142: {  	_ =	swait.ge [sflag:s15], $0x8000  }
0x143: {  	[sflag:s15] =	ssyncset.done $0x0  }
0x144: {  	[sflag:s15] =	ssyncadd.s32 $0xFFFF8000  }
0x145: {  	_ =	swait.ge [sflag:s11], $0x8000  }
0x146: {  	[sflag:s11] =	ssyncset.done $0x0  }
0x147: {  	s3 =	rddreg [dreg:$0x6];
	[sflag:s11] =	ssyncadd.s32 $0xFFFF8000  }
0x148: {  	[hbm4b:s3+s13] =	stream.strided.scatter [tilespmem:s10], [sflag:$0x2], $0x8000, s14, s13, $0x38;
	[tilespmem:$0x13400] =	vst v63  }
0x149: {  	_ = 	snop  }
0x14a: {  	[tilespmem:s10], [sflag:$0x1] =	stream.indirect.gather [hbm4b:s2+s18], $0x20, s28, s18, $0xb8;
	[tilespmem:$0x13400] =	vst v63  }
0x14b: {  	_ =	swait.ge [sflag:s15], $0x8000  }
0x14c: {  	[sflag:s15] =	ssyncset.done $0x0  }
0x14d: {  	[sflag:s15] =	ssyncadd.s32 $0xFFFF8000  }
0x14e: {  	_ =	swait.ge [sflag:s11], $0x8000  }
0x14f: {  	[sflag:s11] =	ssyncset.done $0x0  }
0x150: {  	s29 =	rddreg [dreg:$0x7];
	[sflag:s11] =	ssyncadd.s32 $0xFFFF8000  }
0x151: {  	[hbm4b:s29+s13] =	stream.strided.scatter [tilespmem:s16], [sflag:$0x2], $0x8000, s14, s13, $0x38;
	[tilespmem:$0x13400] =	vst v63  }
0x152: {  	_ = 	snop  }
0x153: {  	[tilespmem:s16], [sflag:$0x1] =	stream.indirect.gather [hbm4b:s2+s18], $0x20, s26, s18, $0xb8;
	[tilespmem:$0x13400] =	vst v63  }
0x154: {  	_ =	swait.ge [sflag:s15], $0x8000  }
0x155: {  	[sflag:s15] =	ssyncset.done $0x0  }
0x156: {  	[sflag:s15] =	ssyncadd.s32 $0xFFFF8000  }
0x157: {  	_ =	swait.ge [sflag:s11], $0x8000  }
0x158: {  	[sflag:s11] =	ssyncset.done $0x0  }
0x159: {  	s30 =	rddreg [dreg:$0x8];
	[sflag:s11] =	ssyncadd.s32 $0xFFFF8000  }
0x15a: {  	[hbm4b:s30+s13] =	stream.strided.scatter [tilespmem:s10], [sflag:$0x2], $0x8000, s14, s13, $0x38;
	[tilespmem:$0x13400] =	vst v63  }
0x15b: {  	_ = 	snop  }
0x15c: {  	[tilespmem:s10], [sflag:$0x1] =	stream.indirect.gather [hbm4b:s2+s18], $0x20, s25, s18, $0xb8;
	[tilespmem:$0x13400] =	vst v63  }
0x15d: {  	_ =	swait.ge [sflag:s15], $0x8000  }
0x15e: {  	[sflag:s15] =	ssyncset.done $0x0  }
0x15f: {  	[sflag:s15] =	ssyncadd.s32 $0xFFFF8000  }
0x160: {  	_ =	swait.ge [sflag:s11], $0x8000  }
0x161: {  	[sflag:s11] =	ssyncset.done $0x0  }
0x162: {  	[sflag:s11] =	ssyncadd.s32 $0xFFFF8000  }
0x163: {  	[hbm4b:s5+s13] =	stream.strided.scatter [tilespmem:s16], [sflag:$0x2], $0x8000, s14, s13, $0x38;
	[tilespmem:$0x13400] =	vst v63  }
0x164: {  	_ = 	snop  }
0x165: {  	[tilespmem:s16], [sflag:$0x1] =	stream.indirect.gather [hbm4b:s2+s18], $0x20, s24, s18, $0xb8;
	[tilespmem:$0x13400] =	vst v63  }
0x166: {  	_ =	swait.ge [sflag:s15], $0x8000  }
0x167: {  	[sflag:s15] =	ssyncset.done $0x0  }
0x168: {  	[sflag:s15] =	ssyncadd.s32 $0xFFFF8000  }
0x169: {  	_ =	swait.ge [sflag:s11], $0x8000  }
0x16a: {  	[sflag:s11] =	ssyncset.done $0x0  }
0x16b: {  	[sflag:s11] =	ssyncadd.s32 $0xFFFF8000  }
0x16c: {  	[hbm4b:s4+s13] =	stream.strided.scatter [tilespmem:s10], [sflag:$0x2], $0x8000, s14, s13, $0x38;
	[tilespmem:$0x13400] =	vst v63  }
0x16d: {  	_ = 	snop  }
0x16e: {  	[tilespmem:s10], [sflag:$0x1] =	stream.indirect.gather [hbm4b:s2+s18], $0x20, s23, s18, $0xb8;
	[tilespmem:$0x13400] =	vst v63  }
0x16f: {  	_ =	swait.ge [sflag:s15], $0x8000  }
0x170: {  	[sflag:s15] =	ssyncset.done $0x0  }
0x171: {  	[sflag:s15] =	ssyncadd.s32 $0xFFFF8000  }
0x172: {  	_ =	swait.ge [sflag:s11], $0x8000  }
0x173: {  	[sflag:s11] =	ssyncset.done $0x0  }
0x174: {  	[sflag:s11] =	ssyncadd.s32 $0xFFFF8000  }
0x175: {  	[hbm4b:s9+s13] =	stream.strided.scatter [tilespmem:s16], [sflag:$0x2], $0x8000, s14, s13, $0x38;
	[tilespmem:$0x13400] =	vst v63  }
0x176: {  	_ = 	snop  }
0x177: {  	[tilespmem:s16], [sflag:$0x1] =	stream.indirect.gather [hbm4b:s2+s18], $0x20, s22, s18, $0xb8;
	[tilespmem:$0x13400] =	vst v63  }
0x178: {  	_ =	swait.ge [sflag:s15], $0x8000  }
0x179: {  	[sflag:s15] =	ssyncset.done $0x0  }
0x17a: {  	[sflag:s15] =	ssyncadd.s32 $0xFFFF8000  }
0x17b: {  	_ =	swait.ge [sflag:s11], $0x8000  }
0x17c: {  	[sflag:s11] =	ssyncset.done $0x0  }
0x17d: {  	[sflag:s11] =	ssyncadd.s32 $0xFFFF8000  }
0x17e: {  	[hbm4b:s7+s13] =	stream.strided.scatter [tilespmem:s10], [sflag:$0x2], $0x8000, s14, s13, $0x38;
	[tilespmem:$0x13400] =	vst v63  }
0x17f: {  	_ = 	snop  }
0x180: {  	[tilespmem:s10], [sflag:$0x1] =	stream.indirect.gather [hbm4b:s2+s18], $0x20, s21, s18, $0xb8;
	[tilespmem:$0x13400] =	vst v63  }
0x181: {  	_ =	swait.ge [sflag:s15], $0x8000  }
0x182: {  	[sflag:s15] =	ssyncset.done $0x0  }
0x183: {  	[sflag:s15] =	ssyncadd.s32 $0xFFFF8000  }
0x184: {  	_ =	swait.ge [sflag:s11], $0x8000  }
0x185: {  	[sflag:s11] =	ssyncset.done $0x0  }
0x186: {  	[sflag:s11] =	ssyncadd.s32 $0xFFFF8000  }
0x187: {  	[hbm4b:s6+s13] =	stream.strided.scatter [tilespmem:s16], [sflag:$0x2], $0x8000, s14, s13, $0x38;
	[tilespmem:$0x13400] =	vst v63  }
0x188: {  	_ = 	snop  }
0x189: {  	[tilespmem:s16], [sflag:$0x1] =	stream.indirect.gather [hbm4b:s2+s18], $0x20, s20, s18, $0xb8;
	[tilespmem:$0x13400] =	vst v63  }
0x18a: {  	_ =	swait.ge [sflag:s15], $0x8000  }
0x18b: {  	[sflag:s15] =	ssyncset.done $0x0  }
0x18c: {  	[sflag:s15] =	ssyncadd.s32 $0xFFFF8000  }
0x18d: {  	_ =	swait.ge [sflag:s11], $0x8000  }
0x18e: {  	[sflag:s11] =	ssyncset.done $0x0  }
0x18f: {  	[sflag:s11] =	ssyncadd.s32 $0xFFFF8000  }
0x190: {  	[hbm4b:s17+s13] =	stream.strided.scatter [tilespmem:s10], [sflag:$0x2], $0x8000, s14, s13, $0x38;
	[tilespmem:$0x13400] =	vst v63  }
0x191: {  	_ = 	snop  }
0x192: {  	[tilespmem:s10], [sflag:$0x1] =	stream.indirect.gather [hbm4b:s2+s18], $0x20, s19, s18, $0xb8;
	[tilespmem:$0x13400] =	vst v63  }
0x193: {  	_ =	swait.ge [sflag:s15], $0x8000  }
0x194: {  	[sflag:s15] =	ssyncset.done $0x0  }
0x195: {  	[sflag:s15] =	ssyncadd.s32 $0xFFFF8000  }
0x196: {  	_ =	swait.ge [sflag:s11], $0x8000  }
0x197: {  	[sflag:s11] =	ssyncset.done $0x0  }
0x198: {  	[sflag:s11] =	ssyncadd.s32 $0xFFFF8000  }
0x199: {  	[hbm4b:s12+s13] =	stream.strided.scatter [tilespmem:s16], [sflag:$0x2], $0x8000, s14, s13, $0x38;
	[tilespmem:$0x13400] =	vst v63  }
0x19a: {  	_ =	swait.ge [sflag:s15], $0x8000  }
0x19b: {  	[sflag:s15] =	ssyncset.done $0x0  }
0x19c: {  	[sflag:s15] =	ssyncadd.s32 $0xFFFF8000  }
0x19d: {  	_ =	swait.ge [sflag:s11], $0x8000  }
0x19e: {  	[sflag:s11] =	ssyncset.done $0x0  }
0x19f: {  	[sflag:s11] =	ssyncadd.s32 $0xFFFF8000  }
0x1a0: {  	[hbm4b:s8+s13] =	stream.strided.scatter [tilespmem:s10], [sflag:$0x2], $0x8000, s14, s13, $0x38;
	[tilespmem:$0x13400] =	vst v63  }
0x1a1: {  	_ =	swait.ge [sflag:s11], $0x8000  }
0x1a2: {  	[sflag:s11] =	ssyncset.done $0x0  }
0x1a3: {  	[sflag:s11] =	ssyncadd.s32 $0xFFFF8000  }
0x1a4: {  	_ =	swait.ge [sflag:s11], $0x8000  }
0x1a5: {  	[sflag:s11] =	ssyncset.done $0x0  }
0x1a6: {  	[sflag:s11] =	ssyncadd.s32 $0xFFFF8000  }
0x1a7: {  	_ =	sfence.sel $0x180000  }
0x1a8: {  	[bflag:$0x0] =	sbarrier.arrive $0xFFFF  }
0x1a9: {  	_ =	strace $0x90000047  }
0x1aa: {  	s31 =	stileid.u32;
	[bflag:$0x2] =	sbarrier.arrive $0xFFFF  }
0x1ab: {  	p0 =	sne.s32 s31, $0x0;
	s0 =	rddreg [dreg:$0x2]  }
0x1ac: {  	s0 =	sadd.s32 @!p0 $0x100000, s0  }
0x1ad: {  	[sflag:s0] =	ssyncadd.tile.s32 @!p0 $0x1;
	_ =	shalt  }
.Lfunc_end2:
_tile_overlayer_lowered:
.L_overlay_start_2:
0x1ae: {  	(tag) =	ssettag $0x2  }
0x1af: {  	s0 =	rddreg [dreg:$0x0];
	s2 =	stileid.u32  }
0x1b0: {  	s1 =	rddreg [dreg:$0x1];
	p0 =	sne.s32 s2, $0x0  }
0x1b1: {  	s3 =	rddreg [dreg:$0x2];
	[bflag:$0x3] =	sbarrier.arrive $0xFFFF;
	s2 =	simm.s32 @!p0 $0x1C03  }
0x1b2: {  	[timem:s3], [sflag:s2] =	dma.local @!p0 [hbm:s0], s1  }
0x1b3: {  	s0 =	simm.s32 @!p0 $0x3  }
0x1b4: {  	_ =	swait.ge @!p0 [sflag:s0], s1  }
0x1b5: {  	s1 =	ssub.s32 @!p0 $0x0, s1;
	[sflag:s0] =	ssyncset.done @!p0 $0x0  }
0x1b6: {  	[sflag:s0] =	ssyncadd.s32 @!p0 s1  }
0x1b7: {  	[bflag:$0x3] =	sbarrier.arrive $0xFFFF  }
0x1b8: {  	_ =	shalt  }

</sc_bundles>
